<compile_context>
chip_gen: v7x
topology: tpu7x:2x2x1
jax: 0.10.2.dev20260603
libtpu: 0.0.44.dev20260713+nightly
codegen_flags: <defaults>
</compile_context>

<pallas_src>
import functools

import jax
import jax.numpy as jnp
from jax import lax
from jax.experimental import pallas as pl
from jax.experimental.pallas import tpu as pltpu
from jax.experimental.pallas import tpu_sc as plsc

N = 10000
E = 320000
D = 128
ROWS = 2000

NC = 2
NS = 16
L = 16
NW = NC * NS
EP = E // NW
K = 80
NCHUNK = EP // K
NG = K // L
RCH = 16
NCH = N // RCH
DCH = 512
NDC = N // DCH


def _lrelu(z):
    return jnp.where(z > 0, z, 0.2 * z)


def _proj_body(x_ref, wl_ref, bl_ref, wr_ref, br_ref, wres_ref,
               xl_ref, xr_ref, res_ref):
    xb = x_ref[...]
    xl_ref[...] = jnp.dot(xb, wl_ref[...],
                          preferred_element_type=jnp.float32) + bl_ref[...][None, :]
    xr_ref[...] = jnp.dot(xb, wr_ref[...],
                          preferred_element_type=jnp.float32) + br_ref[...][None, :]
    res_ref[...] = jnp.dot(xb, wres_ref[...], preferred_element_type=jnp.float32)


def _project(x, W_l, b_l, W_r, b_r, W_res):
    grid = (N // ROWS,)
    rb = pl.BlockSpec((ROWS, D), lambda i: (i, 0))
    full = pl.BlockSpec((D, D), lambda i: (0, 0))
    vec = pl.BlockSpec((D,), lambda i: (0,))
    return pl.pallas_call(
        _proj_body,
        grid=grid,
        in_specs=[rb, full, vec, full, vec, full],
        out_specs=[rb, rb, rb],
        out_shape=[jax.ShapeDtypeStruct((N, D), jnp.float32)] * 3,
    )(x, W_l, b_l, W_r, b_r, W_res)


def _post_h(xl, xr, res, o_ref, d0, d1, att, bias, g, be):
    lr = _lrelu(xl + xr)
    aii = jnp.sum(lr * att, axis=-1, keepdims=True)
    exii = jnp.exp(aii)
    num = o_ref[0] + o_ref[1] + exii * xl
    den = d0 + d1 + exii
    out = num / (den + 1e-16)
    out = out + res + bias[None, :]
    mu = jnp.mean(out, axis=-1, keepdims=True)
    var = jnp.mean((out - mu) ** 2, axis=-1, keepdims=True)
    out = (out - mu) * lax.rsqrt(var + 1e-5)
    out = out * g[None, :] + be[None, :]
    return jnp.maximum(out, 0.0)


def _post_body(xl_ref, xr_ref, res_ref, o_ref, d0_ref, d1_ref,
               att_ref, bias_ref, g_ref, be_ref, out_ref):
    out_ref[...] = _post_h(xl_ref[...], xr_ref[...], res_ref[...], o_ref,
                           d0_ref[...], d1_ref[...], att_ref[...],
                           bias_ref[...], g_ref[...], be_ref[...])


def _mid_body(xl_ref, xr_ref, res_ref, o_ref, d0_ref, d1_ref,
              att_ref, bias_ref, g_ref, be_ref,
              wl_ref, bl_ref, wr_ref, br_ref, wres_ref,
              xl1_ref, xr1_ref, res1_ref):
    h = _post_h(xl_ref[...], xr_ref[...], res_ref[...], o_ref,
                d0_ref[...], d1_ref[...], att_ref[...],
                bias_ref[...], g_ref[...], be_ref[...])
    xl1_ref[...] = jnp.dot(h, wl_ref[...],
                           preferred_element_type=jnp.float32) + bl_ref[...][None, :]
    xr1_ref[...] = jnp.dot(h, wr_ref[...],
                           preferred_element_type=jnp.float32) + br_ref[...][None, :]
    res1_ref[...] = jnp.dot(h, wres_ref[...], preferred_element_type=jnp.float32)


_rb = pl.BlockSpec((ROWS, D), lambda i: (i, 0))
_cb = pl.BlockSpec((ROWS, 1), lambda i: (i, 0))
_ab = pl.BlockSpec((1, D), lambda i: (0, 0))
_ob = pl.BlockSpec((2, ROWS, D), lambda i: (0, i, 0))
_full = pl.BlockSpec((D, D), lambda i: (0, 0))
_vec = pl.BlockSpec((D,), lambda i: (0,))


def _post(xl, xr, res, o, d0, d1, att, bias, g, be):
    return pl.pallas_call(
        _post_body,
        grid=(N // ROWS,),
        in_specs=[_rb, _rb, _rb, _ob, _cb, _cb, _ab, _vec, _vec, _vec],
        out_specs=_rb,
        out_shape=jax.ShapeDtypeStruct((N, D), jnp.float32),
    )(xl, xr, res, o, d0, d1, att, bias, g, be)


def _mid(xl, xr, res, o, d0, d1, att, bias, g, be, W_l, b_l, W_r, b_r, W_res):
    return pl.pallas_call(
        _mid_body,
        grid=(N // ROWS,),
        in_specs=[_rb, _rb, _rb, _ob, _cb, _cb, _ab, _vec, _vec, _vec,
                  _full, _vec, _full, _vec, _full],
        out_specs=[_rb, _rb, _rb],
        out_shape=[jax.ShapeDtypeStruct((N, D), jnp.float32)] * 3,
    )(xl, xr, res, o, d0, d1, att, bias, g, be, W_l, b_l, W_r, b_r, W_res)


def _edge_body(xl_hbm, xr_hbm, att_hbm, src_hbm, dst_hbm,
               out_hbm, den0_hbm, den1_hbm,
               src_i0, dst_i0, src_i1, dst_i1, dsc_i0, dsc_i1,
               S0, T0, S1, T1, EX0, EX1, attv, Z, Zd,
               out_acc, den_acc, gsem0, gsem1, isem0, isem1, ssem0, ssem1):
    cid = lax.axis_index("c")
    sid = lax.axis_index("s")
    wid = sid * NC + cid
    src_i = (src_i0, src_i1)
    dst_i = (dst_i0, dst_i1)
    dsc_i = (dsc_i0, dsc_i1)
    S = (S0, S1)
    T = (T0, T1)
    EX = (EX0, EX1)
    gsem = (gsem0, gsem1)
    isem = (isem0, isem1)
    ssem = (ssem0, ssem1)

    zv = jnp.zeros((L,), jnp.float32)

    def _zrow(i, _):
        for j in range(8):
            Z[i, pl.ds(16 * j, 16)] = zv
        return 0
    lax.fori_loop(0, RCH, _zrow, 0)

    def _zd(i, _):
        Zd[pl.ds(i * 16, 16)] = zv
        return 0
    lax.fori_loop(0, DCH // 16, _zd, 0)

    def _zacc(k, _):
        ch = sid + 16 * k

        @pl.when(ch < NCH)
        def _():
            pltpu.sync_copy(Z, out_acc.at[pl.ds(ch * RCH, RCH)])
        return 0

    lax.fori_loop(0, (NCH + 15) // 16, _zacc, 0)

    for k in range(2):
        ch = sid + 16 * k

        @pl.when(ch < NDC)
        def _():
            pltpu.sync_copy(Zd, den_acc.at[pl.ds(ch * DCH, DCH)])

        @pl.when(ch == NDC)
        def _():
            pltpu.sync_copy(Zd.at[pl.ds(0, N - NDC * DCH)],
                            den_acc.at[pl.ds(NDC * DCH, N - NDC * DCH)])

    plsc.subcore_barrier()

    pltpu.sync_copy(att_hbm, attv)
    att_regs = [attv[pl.ds(16 * j, 16)] for j in range(8)]
    rows16 = jnp.arange(16, dtype=jnp.int32)
    lane0 = rows16 == 0
    ebase = wid * EP

    def _fetch_idx(c, b):
        pltpu.async_copy(src_hbm.at[pl.ds(ebase + c * K, K)], src_i[b], isem[b])
        pltpu.async_copy(dst_hbm.at[pl.ds(ebase + c * K, K)], dst_i[b], isem[b])

    def _wait_idx(b):
        pltpu.make_async_copy(src_hbm.at[pl.ds(ebase, K)], src_i[b],
                              isem[b]).wait()
        pltpu.make_async_copy(dst_hbm.at[pl.ds(ebase, K)], dst_i[b],
                              isem[b]).wait()

    def _gather(b):
        pltpu.async_copy(xl_hbm.at[src_i[b]], S[b], gsem[b])
        pltpu.async_copy(xr_hbm.at[dst_i[b]], T[b], gsem[b])

    def _wait_gather(b):
        pltpu.make_async_copy(xl_hbm.at[src_i[b]], S[b], gsem[b]).wait()
        pltpu.make_async_copy(xr_hbm.at[dst_i[b]], T[b], gsem[b]).wait()

    def _scatter(b):
        pltpu.async_copy(S[b], out_acc.at[dsc_i[b]], ssem[b], add=True)
        pltpu.async_copy(EX[b], den_acc.at[dsc_i[b]], ssem[b], add=True)

    def _wait_scatter(b):
        pltpu.make_async_copy(S[b], out_acc.at[dsc_i[b]], ssem[b]).wait()
        pltpu.make_async_copy(EX[b], den_acc.at[dsc_i[b]], ssem[b]).wait()

    def _compute(b):
        Sb, Tb = S[b], T[b]

        def _cpi(g, _):
            dsc_i[b][pl.ds(g * L, L)] = dst_i[b][pl.ds(g * L, L)]
            return 0

        lax.fori_loop(0, NG, _cpi, 0)

        @plsc.parallel_loop(0, K)
        def _edge(ee):
            eidx = jnp.full((L,), ee, jnp.int32)
            srcs = plsc.load_gather(src_i[b], [eidx])
            dsts = plsc.load_gather(dst_i[b], [eidx])
            srow = [Sb[ee, pl.ds(16 * j, 16)] for j in range(8)]
            acc = zv
            for j in range(8):
                z = srow[j] + Tb[ee, pl.ds(16 * j, 16)]
                acc = acc + jnp.maximum(z, 0.2 * z) * att_regs[j]
            al = jnp.sum(acc)
            exs = jnp.where(srcs != dsts, jnp.exp(jnp.full((L,), al)), 0.0)
            for j in range(8):
                Sb[ee, pl.ds(16 * j, 16)] = srow[j] * exs
            plsc.store_scatter(EX[b], [eidx], exs, mask=lane0)

    pltpu.sync_copy(src_hbm.at[pl.ds(ebase, K)], src_i[0])
    pltpu.sync_copy(dst_hbm.at[pl.ds(ebase, K)], dst_i[0])
    _gather(0)
    _fetch_idx(1, 1)

    def _pair(i, _):
        for b in range(2):
            c = 2 * i + b

            @pl.when(c + 1 < NCHUNK)
            def _():
                _wait_idx(b ^ 1)

                @pl.when(c >= 1)
                def _():
                    _wait_scatter(b ^ 1)

                _gather(b ^ 1)

            _wait_gather(b)
            _compute(b)

            @pl.when(c + 2 < NCHUNK)
            def _():
                _fetch_idx(c + 2, b)

            _scatter(b)
        return 0

    lax.fori_loop(0, NCHUNK // 2, _pair, 0)
    _wait_gather(0)
    _compute(0)
    _wait_scatter(1)
    _scatter(0)
    _wait_scatter(0)

    plsc.subcore_barrier()

    def _dracc(k, _):
        ch = sid + 16 * k

        @pl.when(ch < NCH)
        def _():
            pltpu.sync_copy(out_acc.at[pl.ds(ch * RCH, RCH)], Z)
            pltpu.sync_copy(Z, out_hbm.at[cid, pl.ds(ch * RCH, RCH)])
        return 0

    lax.fori_loop(0, (NCH + 15) // 16, _dracc, 0)

    def _dr_den(den_dst):
        for k in range(2):
            ch = sid + 16 * k

            @pl.when(ch < NDC)
            def _():
                pltpu.sync_copy(den_acc.at[pl.ds(ch * DCH, DCH)], Zd)
                pltpu.sync_copy(Zd, den_dst.at[pl.ds(ch * DCH, DCH)])

            @pl.when(ch == NDC)
            def _():
                nrem = N - NDC * DCH
                pltpu.sync_copy(den_acc.at[pl.ds(NDC * DCH, nrem)],
                                Zd.at[pl.ds(0, nrem)])
                pltpu.sync_copy(Zd.at[pl.ds(0, nrem)],
                                den_dst.at[pl.ds(NDC * DCH, nrem)])

    @pl.when(cid == 0)
    def _():
        _dr_den(den0_hbm)

    @pl.when(cid == 1)
    def _():
        _dr_den(den1_hbm)


@functools.partial(jax.jit, static_argnums=())
def _edges(xl, xr, src, dst, att):
    f = pl.kernel(
        _edge_body,
        mesh=plsc.VectorSubcoreMesh(core_axis_name="c", subcore_axis_name="s",
                                    num_cores=NC),
        compiler_params=pltpu.CompilerParams(needs_layout_passes=False),
        out_type=[
            jax.ShapeDtypeStruct((NC, N, D), jnp.float32),
            jax.ShapeDtypeStruct((N,), jnp.float32),
            jax.ShapeDtypeStruct((N,), jnp.float32),
        ],
        scratch_types=[
            pltpu.VMEM((K,), jnp.int32),
            pltpu.VMEM((K,), jnp.int32),
            pltpu.VMEM((K,), jnp.int32),
            pltpu.VMEM((K,), jnp.int32),
            pltpu.VMEM((K,), jnp.int32),
            pltpu.VMEM((K,), jnp.int32),
            pltpu.VMEM((K, D), jnp.float32),
            pltpu.VMEM((K, D), jnp.float32),
            pltpu.VMEM((K, D), jnp.float32),
            pltpu.VMEM((K, D), jnp.float32),
            pltpu.VMEM((K,), jnp.float32),
            pltpu.VMEM((K,), jnp.float32),
            pltpu.VMEM((D,), jnp.float32),
            pltpu.VMEM((RCH, D), jnp.float32),
            pltpu.VMEM((DCH,), jnp.float32),
            pltpu.VMEM_SHARED((N, D), jnp.float32),
            pltpu.VMEM_SHARED((N,), jnp.float32),
            pltpu.SemaphoreType.DMA,
            pltpu.SemaphoreType.DMA,
            pltpu.SemaphoreType.DMA,
            pltpu.SemaphoreType.DMA,
            pltpu.SemaphoreType.DMA,
            pltpu.SemaphoreType.DMA,
        ],
    )
    return f(xl, xr, att.reshape(D), src, dst)


def kernel(x, edge_index, W_l0, b_l0, W_r0, b_r0, att0, bias0, W_res0, g0, be0,
           W_l1, b_l1, W_r1, b_r1, att1, bias1, W_res1, g1, be1):
    src = edge_index[0]
    dst = edge_index[1]
    xl0, xr0, res0 = _project(x, W_l0, b_l0, W_r0, b_r0, W_res0)
    o, d0, d1 = _edges(xl0, xr0, src, dst, att0)
    xl1, xr1, res1 = _mid(xl0, xr0, res0, o, d0.reshape(N, 1),
                          d1.reshape(N, 1), att0, bias0, g0, be0,
                          W_l1, b_l1, W_r1, b_r1, W_res1)
    o, d0, d1 = _edges(xl1, xr1, src, dst, att1)
    return _post(xl1, xr1, res1, o, d0.reshape(N, 1), d1.reshape(N, 1),
                 att1, bias1, g1, be1)

# --- scband reference (transcript-rebuilt; emitter-appended) ---
"""Pipeline reference for scband-node-encoder-36197984370738 (READ-ONLY COPY).

The authoritative reference and input builder live on the scoring server;
editing this copy changes nothing except your own understanding.
"""

import jax, jax.numpy as jnp
import numpy as np

N = 10000
E = 320000
D = 128
H = 1
C = 128


def _glorot(key, shape):
    fan = shape[0] + shape[-1] if len(shape) > 1 else shape[-1]
    s = (6.0 / fan) ** 0.5
    return jax.random.uniform(key, shape, dtype=jnp.float32, minval=-s, maxval=s)


def setup_inputs(seed: int = 0):
    key = jax.random.key(seed)
    ks = jax.random.split(key, 24)
    inp = {}
    inp['x'] = jax.random.normal(ks[0], (N, D), dtype=jnp.float32)
    inp['edge_index'] = jax.random.randint(ks[1], (2, E), 0, N, dtype=jnp.int32)
    for li, base in ((0, 2), (1, 12)):
        ind = D if li == 0 else H * C
        inp['W_l%d' % li] = _glorot(ks[base + 0], (ind, H * C))
        inp['b_l%d' % li] = jnp.zeros((H * C,), dtype=jnp.float32)
        inp['W_r%d' % li] = _glorot(ks[base + 1], (ind, H * C))
        inp['b_r%d' % li] = jnp.zeros((H * C,), dtype=jnp.float32)
        inp['att%d' % li] = _glorot(ks[base + 2], (H, C))
        inp['bias%d' % li] = jnp.zeros((H * C,), dtype=jnp.float32)
        inp['W_res%d' % li] = _glorot(ks[base + 3], (ind, H * C))
        inp['g%d' % li] = jnp.ones((H * C,), dtype=jnp.float32)
        inp['be%d' % li] = jnp.zeros((H * C,), dtype=jnp.float32)
    return inp


def _leaky_relu(x):
    return jnp.where(x > 0, x, 0.2 * x)


def _add_self_loops(edge_index, n):
    src, dst = edge_index[0], edge_index[1]
    valid = src != dst
    loop = jnp.arange(n, dtype=src.dtype)
    src = jnp.concatenate([src, loop])
    dst = jnp.concatenate([dst, loop])
    valid = jnp.concatenate([valid, jnp.ones((n,), dtype=jnp.bool_)])
    return src, dst, valid


def _gatv2_layer(x, src, dst, valid, W_l, b_l, W_r, b_r, att, bias, W_res, gamma, beta):
    n = x.shape[0]
    x_l = (x @ W_l + b_l).reshape(n, H, C)
    x_r = (x @ W_r + b_r).reshape(n, H, C)
    # GATv2 attention: LeakyReLU applied to the sum BEFORE the attention dot product
    e = _leaky_relu(x_l[src] + x_r[dst])            # [E, H, C]
    alpha = jnp.sum(e * att[None, :, :], axis=-1)    # [E, H]
    alpha = jnp.where(valid[:, None], alpha, -jnp.inf)
    amax = jax.ops.segment_max(alpha, dst, num_segments=n)
    amax = jnp.where(jnp.isfinite(amax), amax, 0.0)
    amax = jax.lax.stop_gradient(amax)
    ex = jnp.exp(alpha - amax[dst])
    denom = jax.ops.segment_sum(ex, dst, num_segments=n)
    coef = ex / (denom[dst] + 1e-16)
    msg = x_l[src] * coef[:, :, None]
    out = jax.ops.segment_sum(msg, dst, num_segments=n).reshape(n, H * C)
    out = out + x @ W_res + bias                     # residual projection + bias
    # LayerNorm
    mu = jnp.mean(out, axis=-1, keepdims=True)
    var = jnp.var(out, axis=-1, keepdims=True)
    out = (out - mu) / jnp.sqrt(var + 1e-5)
    out = out * gamma + beta
    return jax.nn.relu(out)


def reference(x, edge_index, W_l0, b_l0, W_r0, b_r0, att0, bias0, W_res0, g0, be0, W_l1, b_l1, W_r1, b_r1, att1, bias1, W_res1, g1, be1):
    src, dst, valid = _add_self_loops(edge_index, x.shape[0])
    h = _gatv2_layer(x, src, dst, valid, W_l0, b_l0, W_r0, b_r0, att0, bias0, W_res0, g0, be0)
    h = _gatv2_layer(h, src, dst, valid, W_l1, b_l1, W_r1, b_r1, att1, bias1, W_res1, g1, be1)
    return h

if __name__ == "__main__":
    import jax
    _d = setup_inputs()
    print(jax.jit(kernel)(*tuple(_d.values())))

</pallas_src>

<mosaic_0001>
#map = affine_map<(d0, d1) -> (0, 0)>
#map1 = affine_map<(d0, d1) -> (0)>
#map2 = affine_map<(d0, d1) -> (0, 0, 0)>
module attributes {stable_mosaic.version = 14 : i64} {
  func.func @_edge_body(%arg0: i32, %arg1: i32, %arg2: memref<10000x128xf32, #tpu.memory_space<hbm>>, %arg3: memref<10000x128xf32, #tpu.memory_space<hbm>>, %arg4: memref<128xf32, #tpu.memory_space<hbm>>, %arg5: memref<320000xi32, #tpu.memory_space<hbm>>, %arg6: memref<320000xi32, #tpu.memory_space<hbm>>, %arg7: memref<2x10000x128xf32, #tpu.memory_space<hbm>>, %arg8: memref<10000xf32, #tpu.memory_space<hbm>>, %arg9: memref<10000xf32, #tpu.memory_space<hbm>>, %arg10: memref<80xi32, #tpu.memory_space<vmem>>, %arg11: memref<80xi32, #tpu.memory_space<vmem>>, %arg12: memref<80xi32, #tpu.memory_space<vmem>>, %arg13: memref<80xi32, #tpu.memory_space<vmem>>, %arg14: memref<80xi32, #tpu.memory_space<vmem>>, %arg15: memref<80xi32, #tpu.memory_space<vmem>>, %arg16: memref<80x128xf32, #tpu.memory_space<vmem>>, %arg17: memref<80x128xf32, #tpu.memory_space<vmem>>, %arg18: memref<80x128xf32, #tpu.memory_space<vmem>>, %arg19: memref<80x128xf32, #tpu.memory_space<vmem>>, %arg20: memref<80xf32, #tpu.memory_space<vmem>>, %arg21: memref<80xf32, #tpu.memory_space<vmem>>, %arg22: memref<128xf32, #tpu.memory_space<vmem>>, %arg23: memref<16x128xf32, #tpu.memory_space<vmem>>, %arg24: memref<512xf32, #tpu.memory_space<vmem>>, %arg25: memref<10000x128xf32, #tpu.memory_space<vmem_shared>>, %arg26: memref<10000xf32, #tpu.memory_space<vmem_shared>>, %arg27: memref<!tpu.dma_semaphore, #tpu.memory_space<semaphore_mem>>, %arg28: memref<!tpu.dma_semaphore, #tpu.memory_space<semaphore_mem>>, %arg29: memref<!tpu.dma_semaphore, #tpu.memory_space<semaphore_mem>>, %arg30: memref<!tpu.dma_semaphore, #tpu.memory_space<semaphore_mem>>, %arg31: memref<!tpu.dma_semaphore, #tpu.memory_space<semaphore_mem>>, %arg32: memref<!tpu.dma_semaphore, #tpu.memory_space<semaphore_mem>>) attributes {dimension_semantics = [#tpu.dimension_semantics<core_parallel>, #tpu.dimension_semantics<subcore_parallel>], iteration_bounds = array<i64: 2, 16>, scalar_prefetch = 0 : i64, scratch_operands = 23 : i64, tpu.core_type = #tpu.core_type<sc_vector_subcore>, window_params = [{transform_indices = #map}, {transform_indices = #map}, {transform_indices = #map1}, {transform_indices = #map1}, {transform_indices = #map1}, {transform_indices = #map2}, {transform_indices = #map1}, {transform_indices = #map1}]} {
    %mul3A = arith.constant 2 : i32
    %mul3A_0 = arith.muli %arg1, %mul3A : i32
    %add3A = arith.addi %mul3A_0, %arg0 : i32
    %broadcast_in_dim3A = arith.constant 0.000000e+00 : f32
    %broadcast_in_dim3A_1 = vector.broadcast %broadcast_in_dim3A : f32 to vector<16xf32>
    %scan3A = arith.constant 0 : i32
    %scan3A_2 = arith.constant 0 : i32
    %scan3A_3 = arith.constant 16 : i32
    %scan3A_4 = arith.addi %scan3A_2, %scan3A_3 : i32
    %scan3A_5 = arith.constant 1 : i32
    %scan3A_6 = scf.for %scan3A_129 = %scan3A_2 to %scan3A_4 step %scan3A_5 iter_args(%scan3A_130 = %scan3A) -> (i32)  : i32 {
      %swap3A = arith.index_cast %scan3A_129 : i32 to index
      %swap3A_131 = arith.constant 0 : index
      %swap3A_132 = tpu.vector_load %arg23[%swap3A, %swap3A_131] {strides = array<i32>} : memref<16x128xf32, #tpu.memory_space<vmem>>, vector<16xf32>,
      tpu.vector_store %arg23[%swap3A, %swap3A_131], %broadcast_in_dim3A_1 {strides = array<i32>} : memref<16x128xf32, #tpu.memory_space<vmem>>, vector<16xf32>,
      %swap3A_133 = arith.index_cast %scan3A_129 : i32 to index
      %swap3A_134 = arith.constant 16 : index
      %swap3A_135 = tpu.vector_load %arg23[%swap3A_133, %swap3A_134] {strides = array<i32>} : memref<16x128xf32, #tpu.memory_space<vmem>>, vector<16xf32>,
      tpu.vector_store %arg23[%swap3A_133, %swap3A_134], %broadcast_in_dim3A_1 {strides = array<i32>} : memref<16x128xf32, #tpu.memory_space<vmem>>, vector<16xf32>,
      %swap3A_136 = arith.index_cast %scan3A_129 : i32 to index
      %swap3A_137 = arith.constant 32 : index
      %swap3A_138 = tpu.vector_load %arg23[%swap3A_136, %swap3A_137] {strides = array<i32>} : memref<16x128xf32, #tpu.memory_space<vmem>>, vector<16xf32>,
      tpu.vector_store %arg23[%swap3A_136, %swap3A_137], %broadcast_in_dim3A_1 {strides = array<i32>} : memref<16x128xf32, #tpu.memory_space<vmem>>, vector<16xf32>,
      %swap3A_139 = arith.index_cast %scan3A_129 : i32 to index
      %swap3A_140 = arith.constant 48 : index
      %swap3A_141 = tpu.vector_load %arg23[%swap3A_139, %swap3A_140] {strides = array<i32>} : memref<16x128xf32, #tpu.memory_space<vmem>>, vector<16xf32>,
      tpu.vector_store %arg23[%swap3A_139, %swap3A_140], %broadcast_in_dim3A_1 {strides = array<i32>} : memref<16x128xf32, #tpu.memory_space<vmem>>, vector<16xf32>,
      %swap3A_142 = arith.index_cast %scan3A_129 : i32 to index
      %swap3A_143 = arith.constant 64 : index
      %swap3A_144 = tpu.vector_load %arg23[%swap3A_142, %swap3A_143] {strides = array<i32>} : memref<16x128xf32, #tpu.memory_space<vmem>>, vector<16xf32>,
      tpu.vector_store %arg23[%swap3A_142, %swap3A_143], %broadcast_in_dim3A_1 {strides = array<i32>} : memref<16x128xf32, #tpu.memory_space<vmem>>, vector<16xf32>,
      %swap3A_145 = arith.index_cast %scan3A_129 : i32 to index
      %swap3A_146 = arith.constant 80 : index
      %swap3A_147 = tpu.vector_load %arg23[%swap3A_145, %swap3A_146] {strides = array<i32>} : memref<16x128xf32, #tpu.memory_space<vmem>>, vector<16xf32>,
      tpu.vector_store %arg23[%swap3A_145, %swap3A_146], %broadcast_in_dim3A_1 {strides = array<i32>} : memref<16x128xf32, #tpu.memory_space<vmem>>, vector<16xf32>,
      %swap3A_148 = arith.index_cast %scan3A_129 : i32 to index
      %swap3A_149 = arith.constant 96 : index
      %swap3A_150 = tpu.vector_load %arg23[%swap3A_148, %swap3A_149] {strides = array<i32>} : memref<16x128xf32, #tpu.memory_space<vmem>>, vector<16xf32>,
      tpu.vector_store %arg23[%swap3A_148, %swap3A_149], %broadcast_in_dim3A_1 {strides = array<i32>} : memref<16x128xf32, #tpu.memory_space<vmem>>, vector<16xf32>,
      %swap3A_151 = arith.index_cast %scan3A_129 : i32 to index
      %swap3A_152 = arith.constant 112 : index
      %swap3A_153 = tpu.vector_load %arg23[%swap3A_151, %swap3A_152] {strides = array<i32>} : memref<16x128xf32, #tpu.memory_space<vmem>>, vector<16xf32>,
      tpu.vector_store %arg23[%swap3A_151, %swap3A_152], %broadcast_in_dim3A_1 {strides = array<i32>} : memref<16x128xf32, #tpu.memory_space<vmem>>, vector<16xf32>,
      %scan3A_154 = arith.constant 0 : i32
      scf.yield %scan3A_154 : i32
    }
    %scan3A_7 = arith.constant 16 : i32
    %scan3A_8 = arith.constant 0 : i32
    %scan3A_9 = arith.constant 0 : i32
    %scan3A_10 = arith.constant 32 : i32
    %scan3A_11 = arith.addi %scan3A_9, %scan3A_10 : i32
    %scan3A_12 = arith.constant 1 : i32
    %scan3A_13 = scf.for %scan3A_129 = %scan3A_9 to %scan3A_11 step %scan3A_12 iter_args(%scan3A_130 = %scan3A_8) -> (i32)  : i32 {
      %mul3A_131 = arith.constant 16 : i32
      %mul3A_132 = arith.muli %scan3A_129, %mul3A_131 : i32
      %swap3A = arith.index_cast %mul3A_132 : i32 to index
      %swap3A_133 = tpu.vector_load %arg24[%swap3A] {strides = array<i32>} : memref<512xf32, #tpu.memory_space<vmem>>, vector<16xf32>,
      tpu.vector_store %arg24[%swap3A], %broadcast_in_dim3A_1 {strides = array<i32>} : memref<512xf32, #tpu.memory_space<vmem>>, vector<16xf32>,
      %scan3A_134 = arith.constant 0 : i32
      scf.yield %scan3A_134 : i32
    }
    %scan3A_14 = arith.constant 32 : i32
    %scan3A_15 = arith.constant 0 : i32
    %scan3A_16 = arith.constant 0 : i32
    %scan3A_17 = arith.constant 40 : i32
    %scan3A_18 = arith.addi %scan3A_16, %scan3A_17 : i32
    %scan3A_19 = arith.constant 1 : i32
    %scan3A_20 = scf.for %scan3A_129 = %scan3A_16 to %scan3A_18 step %scan3A_19 iter_args(%scan3A_130 = %scan3A_15) -> (i32)  : i32 {
      %mul3A_131 = arith.constant 16 : i32
      %mul3A_132 = arith.muli %mul3A_131, %scan3A_129 : i32
      %add3A_133 = arith.addi %arg1, %mul3A_132 : i32
      %lt3A_134 = arith.constant 625 : i32
      %lt3A_135 = arith.cmpi slt, %add3A_133, %lt3A_134 : i32
      %convert_element_type3A_136 = arith.extui %lt3A_135 : i1 to i32
      %cond3A_137 = arith.constant 0 : i32
      %cond3A_138 = arith.cmpi ne, %convert_element_type3A_136, %cond3A_137 : i32
      scf.if %cond3A_138 {
        %mul3A_140 = arith.constant 16 : i32
        %mul3A_141 = arith.muli %add3A_133, %mul3A_140 : i32
        "tpu.region"() ({
          %run_scoped3A = tpu.sem_alloc : memref<!tpu.dma_semaphore, #tpu.memory_space<semaphore_mem>>
          %dma_start3A_142 = arith.constant 0 : i32
          %dma_start3A_143 = tpu.memref_slice %arg25[%mul3A_141, %dma_start3A_142] : memref<10000x128xf32, #tpu.memory_space<vmem_shared>> -> memref<16x128xf32, #tpu.memory_space<vmem_shared>>
          %dma_start3A_144 = arith.constant 0 : i32
          %dma_start3A_145 = tpu.memref_slice %arg25[%mul3A_141, %dma_start3A_144] : memref<10000x128xf32, #tpu.memory_space<vmem_shared>> -> memref<16x128xf32, #tpu.memory_space<vmem_shared>>
          tpu.enqueue_dma source(%arg23 : memref<16x128xf32, #tpu.memory_space<vmem>>) target(%dma_start3A_145 : memref<16x128xf32, #tpu.memory_space<vmem_shared>>) target_semaphore(%run_scoped3A : memref<!tpu.dma_semaphore, #tpu.memory_space<semaphore_mem>>)
          %dma_wait3A_146 = arith.constant 0 : i32
          %dma_wait3A_147 = tpu.memref_slice %arg25[%mul3A_141, %dma_wait3A_146] : memref<10000x128xf32, #tpu.memory_space<vmem_shared>> -> memref<16x128xf32, #tpu.memory_space<vmem_shared>>
          %dma_wait3A_148 = arith.constant 0 : i32
          %dma_wait3A_149 = tpu.memref_slice %arg25[%mul3A_141, %dma_wait3A_148] : memref<10000x128xf32, #tpu.memory_space<vmem_shared>> -> memref<16x128xf32, #tpu.memory_space<vmem_shared>>
          tpu.wait_dma2 semaphore(%run_scoped3A : memref<!tpu.dma_semaphore, #tpu.memory_space<semaphore_mem>>) src(%arg23 : memref<16x128xf32, #tpu.memory_space<vmem>>) dst(%dma_wait3A_149 : memref<16x128xf32, #tpu.memory_space<vmem_shared>>)
          tpu.yield
        }) : () -> ()
      } else {
      }
      %scan3A_139 = arith.constant 0 : i32
      scf.yield %scan3A_139 : i32
    }
    %scan3A_21 = arith.constant 40 : i32
    %add3A_22 = arith.constant 0 : i32
    %add3A_23 = arith.addi %arg1, %add3A_22 : i32
    %lt3A = arith.constant 19 : i32
    %lt3A_24 = arith.cmpi slt, %add3A_23, %lt3A : i32
    %convert_element_type3A = arith.extui %lt3A_24 : i1 to i32
    %cond3A = arith.constant 0 : i32
    %cond3A_25 = arith.cmpi ne, %convert_element_type3A, %cond3A : i32
    scf.if %cond3A_25 {
      %mul3A_129 = arith.constant 512 : i32
      %mul3A_130 = arith.muli %add3A_23, %mul3A_129 : i32
      "tpu.region"() ({
        %run_scoped3A = tpu.sem_alloc : memref<!tpu.dma_semaphore, #tpu.memory_space<semaphore_mem>>
        %dma_start3A_131 = tpu.memref_slice %arg26[%mul3A_130] : memref<10000xf32, #tpu.memory_space<vmem_shared>> -> memref<512xf32, #tpu.memory_space<vmem_shared>>
        %dma_start3A_132 = tpu.memref_slice %arg26[%mul3A_130] : memref<10000xf32, #tpu.memory_space<vmem_shared>> -> memref<512xf32, #tpu.memory_space<vmem_shared>>
        tpu.enqueue_dma source(%arg24 : memref<512xf32, #tpu.memory_space<vmem>>) target(%dma_start3A_132 : memref<512xf32, #tpu.memory_space<vmem_shared>>) target_semaphore(%run_scoped3A : memref<!tpu.dma_semaphore, #tpu.memory_space<semaphore_mem>>)
        %dma_wait3A_133 = tpu.memref_slice %arg26[%mul3A_130] : memref<10000xf32, #tpu.memory_space<vmem_shared>> -> memref<512xf32, #tpu.memory_space<vmem_shared>>
        %dma_wait3A_134 = tpu.memref_slice %arg26[%mul3A_130] : memref<10000xf32, #tpu.memory_space<vmem_shared>> -> memref<512xf32, #tpu.memory_space<vmem_shared>>
        tpu.wait_dma2 semaphore(%run_scoped3A : memref<!tpu.dma_semaphore, #tpu.memory_space<semaphore_mem>>) src(%arg24 : memref<512xf32, #tpu.memory_space<vmem>>) dst(%dma_wait3A_134 : memref<512xf32, #tpu.memory_space<vmem_shared>>)
        tpu.yield
      }) : () -> ()
    } else {
    }
    %eq3A = arith.constant 19 : i32
    %eq3A_26 = arith.cmpi eq, %add3A_23, %eq3A : i32
    %convert_element_type3A_27 = arith.extui %eq3A_26 : i1 to i32
    %cond3A_28 = arith.constant 0 : i32
    %cond3A_29 = arith.cmpi ne, %convert_element_type3A_27, %cond3A_28 : i32
    scf.if %cond3A_29 {
      "tpu.region"() ({
        %run_scoped3A = tpu.sem_alloc : memref<!tpu.dma_semaphore, #tpu.memory_space<semaphore_mem>>
        %dma_start3A_129 = arith.constant 0 : i32
        %dma_start3A_130 = tpu.memref_slice %arg24[%dma_start3A_129] : memref<512xf32, #tpu.memory_space<vmem>> -> memref<272xf32, #tpu.memory_space<vmem>>
        %dma_start3A_131 = arith.constant 9728 : i32
        %dma_start3A_132 = tpu.memref_slice %arg26[%dma_start3A_131] : memref<10000xf32, #tpu.memory_space<vmem_shared>> -> memref<272xf32, #tpu.memory_space<vmem_shared>>
        %dma_start3A_133 = arith.constant 9728 : i32
        %dma_start3A_134 = tpu.memref_slice %arg26[%dma_start3A_133] : memref<10000xf32, #tpu.memory_space<vmem_shared>> -> memref<272xf32, #tpu.memory_space<vmem_shared>>
        %dma_start3A_135 = arith.constant 0 : i32
        %dma_start3A_136 = tpu.memref_slice %arg24[%dma_start3A_135] : memref<512xf32, #tpu.memory_space<vmem>> -> memref<272xf32, #tpu.memory_space<vmem>>
        tpu.enqueue_dma source(%dma_start3A_136 : memref<272xf32, #tpu.memory_space<vmem>>) target(%dma_start3A_134 : memref<272xf32, #tpu.memory_space<vmem_shared>>) target_semaphore(%run_scoped3A : memref<!tpu.dma_semaphore, #tpu.memory_space<semaphore_mem>>)
        %dma_wait3A_137 = arith.constant 0 : i32
        %dma_wait3A_138 = tpu.memref_slice %arg24[%dma_wait3A_137] : memref<512xf32, #tpu.memory_space<vmem>> -> memref<272xf32, #tpu.memory_space<vmem>>
        %dma_wait3A_139 = arith.constant 9728 : i32
        %dma_wait3A_140 = tpu.memref_slice %arg26[%dma_wait3A_139] : memref<10000xf32, #tpu.memory_space<vmem_shared>> -> memref<272xf32, #tpu.memory_space<vmem_shared>>
        %dma_wait3A_141 = arith.constant 9728 : i32
        %dma_wait3A_142 = tpu.memref_slice %arg26[%dma_wait3A_141] : memref<10000xf32, #tpu.memory_space<vmem_shared>> -> memref<272xf32, #tpu.memory_space<vmem_shared>>
        %dma_wait3A_143 = arith.constant 0 : i32
        %dma_wait3A_144 = tpu.memref_slice %arg24[%dma_wait3A_143] : memref<512xf32, #tpu.memory_space<vmem>> -> memref<272xf32, #tpu.memory_space<vmem>>
        tpu.wait_dma2 semaphore(%run_scoped3A : memref<!tpu.dma_semaphore, #tpu.memory_space<semaphore_mem>>) src(%dma_wait3A_144 : memref<272xf32, #tpu.memory_space<vmem>>) dst(%dma_wait3A_142 : memref<272xf32, #tpu.memory_space<vmem_shared>>)
        tpu.yield
      }) : () -> ()
    } else {
    }
    %add3A_30 = arith.constant 16 : i32
    %add3A_31 = arith.addi %arg1, %add3A_30 : i32
    %lt3A_32 = arith.constant 19 : i32
    %lt3A_33 = arith.cmpi slt, %add3A_31, %lt3A_32 : i32
    %convert_element_type3A_34 = arith.extui %lt3A_33 : i1 to i32
    %cond3A_35 = arith.constant 0 : i32
    %cond3A_36 = arith.cmpi ne, %convert_element_type3A_34, %cond3A_35 : i32
    scf.if %cond3A_36 {
      %mul3A_129 = arith.constant 512 : i32
      %mul3A_130 = arith.muli %add3A_31, %mul3A_129 : i32
      "tpu.region"() ({
        %run_scoped3A = tpu.sem_alloc : memref<!tpu.dma_semaphore, #tpu.memory_space<semaphore_mem>>
        %dma_start3A_131 = tpu.memref_slice %arg26[%mul3A_130] : memref<10000xf32, #tpu.memory_space<vmem_shared>> -> memref<512xf32, #tpu.memory_space<vmem_shared>>
        %dma_start3A_132 = tpu.memref_slice %arg26[%mul3A_130] : memref<10000xf32, #tpu.memory_space<vmem_shared>> -> memref<512xf32, #tpu.memory_space<vmem_shared>>
        tpu.enqueue_dma source(%arg24 : memref<512xf32, #tpu.memory_space<vmem>>) target(%dma_start3A_132 : memref<512xf32, #tpu.memory_space<vmem_shared>>) target_semaphore(%run_scoped3A : memref<!tpu.dma_semaphore, #tpu.memory_space<semaphore_mem>>)
        %dma_wait3A_133 = tpu.memref_slice %arg26[%mul3A_130] : memref<10000xf32, #tpu.memory_space<vmem_shared>> -> memref<512xf32, #tpu.memory_space<vmem_shared>>
        %dma_wait3A_134 = tpu.memref_slice %arg26[%mul3A_130] : memref<10000xf32, #tpu.memory_space<vmem_shared>> -> memref<512xf32, #tpu.memory_space<vmem_shared>>
        tpu.wait_dma2 semaphore(%run_scoped3A : memref<!tpu.dma_semaphore, #tpu.memory_space<semaphore_mem>>) src(%arg24 : memref<512xf32, #tpu.memory_space<vmem>>) dst(%dma_wait3A_134 : memref<512xf32, #tpu.memory_space<vmem_shared>>)
        tpu.yield
      }) : () -> ()
    } else {
    }
    %eq3A_37 = arith.constant 19 : i32
    %eq3A_38 = arith.cmpi eq, %add3A_31, %eq3A_37 : i32
    %convert_element_type3A_39 = arith.extui %eq3A_38 : i1 to i32
    %cond3A_40 = arith.constant 0 : i32
    %cond3A_41 = arith.cmpi ne, %convert_element_type3A_39, %cond3A_40 : i32
    scf.if %cond3A_41 {
      "tpu.region"() ({
        %run_scoped3A = tpu.sem_alloc : memref<!tpu.dma_semaphore, #tpu.memory_space<semaphore_mem>>
        %dma_start3A_129 = arith.constant 0 : i32
        %dma_start3A_130 = tpu.memref_slice %arg24[%dma_start3A_129] : memref<512xf32, #tpu.memory_space<vmem>> -> memref<272xf32, #tpu.memory_space<vmem>>
        %dma_start3A_131 = arith.constant 9728 : i32
        %dma_start3A_132 = tpu.memref_slice %arg26[%dma_start3A_131] : memref<10000xf32, #tpu.memory_space<vmem_shared>> -> memref<272xf32, #tpu.memory_space<vmem_shared>>
        %dma_start3A_133 = arith.constant 9728 : i32
        %dma_start3A_134 = tpu.memref_slice %arg26[%dma_start3A_133] : memref<10000xf32, #tpu.memory_space<vmem_shared>> -> memref<272xf32, #tpu.memory_space<vmem_shared>>
        %dma_start3A_135 = arith.constant 0 : i32
        %dma_start3A_136 = tpu.memref_slice %arg24[%dma_start3A_135] : memref<512xf32, #tpu.memory_space<vmem>> -> memref<272xf32, #tpu.memory_space<vmem>>
        tpu.enqueue_dma source(%dma_start3A_136 : memref<272xf32, #tpu.memory_space<vmem>>) target(%dma_start3A_134 : memref<272xf32, #tpu.memory_space<vmem_shared>>) target_semaphore(%run_scoped3A : memref<!tpu.dma_semaphore, #tpu.memory_space<semaphore_mem>>)
        %dma_wait3A_137 = arith.constant 0 : i32
        %dma_wait3A_138 = tpu.memref_slice %arg24[%dma_wait3A_137] : memref<512xf32, #tpu.memory_space<vmem>> -> memref<272xf32, #tpu.memory_space<vmem>>
        %dma_wait3A_139 = arith.constant 9728 : i32
        %dma_wait3A_140 = tpu.memref_slice %arg26[%dma_wait3A_139] : memref<10000xf32, #tpu.memory_space<vmem_shared>> -> memref<272xf32, #tpu.memory_space<vmem_shared>>
        %dma_wait3A_141 = arith.constant 9728 : i32
        %dma_wait3A_142 = tpu.memref_slice %arg26[%dma_wait3A_141] : memref<10000xf32, #tpu.memory_space<vmem_shared>> -> memref<272xf32, #tpu.memory_space<vmem_shared>>
        %dma_wait3A_143 = arith.constant 0 : i32
        %dma_wait3A_144 = tpu.memref_slice %arg24[%dma_wait3A_143] : memref<512xf32, #tpu.memory_space<vmem>> -> memref<272xf32, #tpu.memory_space<vmem>>
        tpu.wait_dma2 semaphore(%run_scoped3A : memref<!tpu.dma_semaphore, #tpu.memory_space<semaphore_mem>>) src(%dma_wait3A_144 : memref<272xf32, #tpu.memory_space<vmem>>) dst(%dma_wait3A_142 : memref<272xf32, #tpu.memory_space<vmem_shared>>)
        tpu.yield
      }) : () -> ()
    } else {
    }
    %barrier3A = arith.constant 0 : index
    tpu.barrier barrier_id(%barrier3A)
    "tpu.region"() ({
      %run_scoped3A = tpu.sem_alloc : memref<!tpu.dma_semaphore, #tpu.memory_space<semaphore_mem>>
      tpu.enqueue_dma source(%arg4 : memref<128xf32, #tpu.memory_space<hbm>>) target(%arg22 : memref<128xf32, #tpu.memory_space<vmem>>) target_semaphore(%run_scoped3A : memref<!tpu.dma_semaphore, #tpu.memory_space<semaphore_mem>>)
      tpu.wait_dma2 semaphore(%run_scoped3A : memref<!tpu.dma_semaphore, #tpu.memory_space<semaphore_mem>>) src(%arg4 : memref<128xf32, #tpu.memory_space<hbm>>) dst(%arg22 : memref<128xf32, #tpu.memory_space<vmem>>)
      tpu.yield
    }) : () -> ()
    %get3A = arith.constant 0 : index
    %get3A_42 = tpu.vector_load %arg22[%get3A] {strides = array<i32>} : memref<128xf32, #tpu.memory_space<vmem>>, vector<16xf32>,
    %get3A_43 = arith.constant 16 : index
    %get3A_44 = tpu.vector_load %arg22[%get3A_43] {strides = array<i32>} : memref<128xf32, #tpu.memory_space<vmem>>, vector<16xf32>,
    %get3A_45 = arith.constant 32 : index
    %get3A_46 = tpu.vector_load %arg22[%get3A_45] {strides = array<i32>} : memref<128xf32, #tpu.memory_space<vmem>>, vector<16xf32>,
    %get3A_47 = arith.constant 48 : index
    %get3A_48 = tpu.vector_load %arg22[%get3A_47] {strides = array<i32>} : memref<128xf32, #tpu.memory_space<vmem>>, vector<16xf32>,
    %get3A_49 = arith.constant 64 : index
    %get3A_50 = tpu.vector_load %arg22[%get3A_49] {strides = array<i32>} : memref<128xf32, #tpu.memory_space<vmem>>, vector<16xf32>,
    %get3A_51 = arith.constant 80 : index
    %get3A_52 = tpu.vector_load %arg22[%get3A_51] {strides = array<i32>} : memref<128xf32, #tpu.memory_space<vmem>>, vector<16xf32>,
    %get3A_53 = arith.constant 96 : index
    %get3A_54 = tpu.vector_load %arg22[%get3A_53] {strides = array<i32>} : memref<128xf32, #tpu.memory_space<vmem>>, vector<16xf32>,
    %get3A_55 = arith.constant 112 : index
    %get3A_56 = tpu.vector_load %arg22[%get3A_55] {strides = array<i32>} : memref<128xf32, #tpu.memory_space<vmem>>, vector<16xf32>,
    %iota3A = tpu.iota {dimensions = array<i32: 0>} : vector<16xi32>
    %eq3A_57 = arith.constant 0 : i32
    %eq3A_58 = vector.broadcast %eq3A_57 : i32 to vector<16xi32>
    %eq3A_59 = arith.cmpi eq, %iota3A, %eq3A_58 : vector<16xi32>
    %mul3A_60 = arith.constant 10000 : i32
    %mul3A_61 = arith.muli %add3A, %mul3A_60 : i32
    "tpu.region"() ({
      %run_scoped3A = tpu.sem_alloc : memref<!tpu.dma_semaphore, #tpu.memory_space<semaphore_mem>>
      %dma_start3A_129 = tpu.memref_slice %arg5[%mul3A_61] : memref<320000xi32, #tpu.memory_space<hbm>> -> memref<80xi32, #tpu.memory_space<hbm>>
      %dma_start3A_130 = tpu.memref_slice %arg5[%mul3A_61] : memref<320000xi32, #tpu.memory_space<hbm>> -> memref<80xi32, #tpu.memory_space<hbm>>
      tpu.enqueue_dma source(%dma_start3A_130 : memref<80xi32, #tpu.memory_space<hbm>>) target(%arg10 : memref<80xi32, #tpu.memory_space<vmem>>) target_semaphore(%run_scoped3A : memref<!tpu.dma_semaphore, #tpu.memory_space<semaphore_mem>>)
      %dma_wait3A_131 = tpu.memref_slice %arg5[%mul3A_61] : memref<320000xi32, #tpu.memory_space<hbm>> -> memref<80xi32, #tpu.memory_space<hbm>>
      %dma_wait3A_132 = tpu.memref_slice %arg5[%mul3A_61] : memref<320000xi32, #tpu.memory_space<hbm>> -> memref<80xi32, #tpu.memory_space<hbm>>
      tpu.wait_dma2 semaphore(%run_scoped3A : memref<!tpu.dma_semaphore, #tpu.memory_space<semaphore_mem>>) src(%dma_wait3A_132 : memref<80xi32, #tpu.memory_space<hbm>>) dst(%arg10 : memref<80xi32, #tpu.memory_space<vmem>>)
      tpu.yield
    }) : () -> ()
    "tpu.region"() ({
      %run_scoped3A = tpu.sem_alloc : memref<!tpu.dma_semaphore, #tpu.memory_space<semaphore_mem>>
      %dma_start3A_129 = tpu.memref_slice %arg6[%mul3A_61] : memref<320000xi32, #tpu.memory_space<hbm>> -> memref<80xi32, #tpu.memory_space<hbm>>
      %dma_start3A_130 = tpu.memref_slice %arg6[%mul3A_61] : memref<320000xi32, #tpu.memory_space<hbm>> -> memref<80xi32, #tpu.memory_space<hbm>>
      tpu.enqueue_dma source(%dma_start3A_130 : memref<80xi32, #tpu.memory_space<hbm>>) target(%arg11 : memref<80xi32, #tpu.memory_space<vmem>>) target_semaphore(%run_scoped3A : memref<!tpu.dma_semaphore, #tpu.memory_space<semaphore_mem>>)
      %dma_wait3A_131 = tpu.memref_slice %arg6[%mul3A_61] : memref<320000xi32, #tpu.memory_space<hbm>> -> memref<80xi32, #tpu.memory_space<hbm>>
      %dma_wait3A_132 = tpu.memref_slice %arg6[%mul3A_61] : memref<320000xi32, #tpu.memory_space<hbm>> -> memref<80xi32, #tpu.memory_space<hbm>>
      tpu.wait_dma2 semaphore(%run_scoped3A : memref<!tpu.dma_semaphore, #tpu.memory_space<semaphore_mem>>) src(%dma_wait3A_132 : memref<80xi32, #tpu.memory_space<hbm>>) dst(%arg11 : memref<80xi32, #tpu.memory_space<vmem>>)
      tpu.yield
    }) : () -> ()
    %dma_start3A = arith.constant 0 : i32
    %dma_start3A_62 = arith.constant 0 : i32
    %dma_start3A_63 = tpu.memref_slice %arg2[%dma_start3A, %dma_start3A_62] : memref<10000x128xf32, #tpu.memory_space<hbm>> -> memref<10000x128xf32, #tpu.memory_space<hbm>>
    tpu.enqueue_indirect_dma source(%dma_start3A_63 : memref<10000x128xf32, #tpu.memory_space<hbm>>) target(%arg16 : memref<80x128xf32, #tpu.memory_space<vmem>>) offsets(%arg10 : memref<80xi32, #tpu.memory_space<vmem>>) semaphore(%arg27 : memref<!tpu.dma_semaphore, #tpu.memory_space<semaphore_mem>>)
    %dma_start3A_64 = arith.constant 0 : i32
    %dma_start3A_65 = arith.constant 0 : i32
    %dma_start3A_66 = tpu.memref_slice %arg3[%dma_start3A_64, %dma_start3A_65] : memref<10000x128xf32, #tpu.memory_space<hbm>> -> memref<10000x128xf32, #tpu.memory_space<hbm>>
    tpu.enqueue_indirect_dma source(%dma_start3A_66 : memref<10000x128xf32, #tpu.memory_space<hbm>>) target(%arg17 : memref<80x128xf32, #tpu.memory_space<vmem>>) offsets(%arg11 : memref<80xi32, #tpu.memory_space<vmem>>) semaphore(%arg27 : memref<!tpu.dma_semaphore, #tpu.memory_space<semaphore_mem>>)
    %add3A_67 = arith.constant 80 : i32
    %add3A_68 = arith.addi %mul3A_61, %add3A_67 : i32
    %dma_start3A_69 = tpu.memref_slice %arg5[%add3A_68] : memref<320000xi32, #tpu.memory_space<hbm>> -> memref<80xi32, #tpu.memory_space<hbm>>
    %dma_start3A_70 = tpu.memref_slice %arg5[%add3A_68] : memref<320000xi32, #tpu.memory_space<hbm>> -> memref<80xi32, #tpu.memory_space<hbm>>
    tpu.enqueue_dma source(%dma_start3A_70 : memref<80xi32, #tpu.memory_space<hbm>>) target(%arg12 : memref<80xi32, #tpu.memory_space<vmem>>) target_semaphore(%arg30 : memref<!tpu.dma_semaphore, #tpu.memory_space<semaphore_mem>>)
    %add3A_71 = arith.constant 80 : i32
    %add3A_72 = arith.addi %mul3A_61, %add3A_71 : i32
    %dma_start3A_73 = tpu.memref_slice %arg6[%add3A_72] : memref<320000xi32, #tpu.memory_space<hbm>> -> memref<80xi32, #tpu.memory_space<hbm>>
    %dma_start3A_74 = tpu.memref_slice %arg6[%add3A_72] : memref<320000xi32, #tpu.memory_space<hbm>> -> memref<80xi32, #tpu.memory_space<hbm>>
    tpu.enqueue_dma source(%dma_start3A_74 : memref<80xi32, #tpu.memory_space<hbm>>) target(%arg13 : memref<80xi32, #tpu.memory_space<vmem>>) target_semaphore(%arg30 : memref<!tpu.dma_semaphore, #tpu.memory_space<semaphore_mem>>)
    %scan3A_75 = arith.constant 0 : i32
    %scan3A_76 = arith.constant 0 : i32
    %scan3A_77 = arith.constant 62 : i32
    %scan3A_78 = arith.addi %scan3A_76, %scan3A_77 : i32
    %scan3A_79 = arith.constant 1 : i32
    %scan3A_80 = scf.for %scan3A_129 = %scan3A_76 to %scan3A_78 step %scan3A_79 iter_args(%scan3A_130 = %scan3A_75) -> (i32)  : i32 {
      %mul3A_131 = arith.constant 2 : i32
      %mul3A_132 = arith.muli %mul3A_131, %scan3A_129 : i32
      %add3A_133 = arith.constant 0 : i32
      %add3A_134 = arith.addi %mul3A_132, %add3A_133 : i32
      %add3A_135 = arith.constant 1 : i32
      %add3A_136 = arith.addi %add3A_134, %add3A_135 : i32
      %lt3A_137 = arith.constant 125 : i32
      %lt3A_138 = arith.cmpi slt, %add3A_136, %lt3A_137 : i32
      %convert_element_type3A_139 = arith.extui %lt3A_138 : i1 to i32
      %cond3A_140 = arith.constant 0 : i32
      %cond3A_141 = arith.cmpi ne, %convert_element_type3A_139, %cond3A_140 : i32
      scf.if %cond3A_141 {
        %dma_wait3A_210 = tpu.memref_slice %arg5[%mul3A_61] : memref<320000xi32, #tpu.memory_space<hbm>> -> memref<80xi32, #tpu.memory_space<hbm>>
        %dma_wait3A_211 = tpu.memref_slice %arg5[%mul3A_61] : memref<320000xi32, #tpu.memory_space<hbm>> -> memref<80xi32, #tpu.memory_space<hbm>>
        tpu.wait_dma2 semaphore(%arg30 : memref<!tpu.dma_semaphore, #tpu.memory_space<semaphore_mem>>) src(%dma_wait3A_211 : memref<80xi32, #tpu.memory_space<hbm>>) dst(%arg12 : memref<80xi32, #tpu.memory_space<vmem>>)
        %dma_wait3A_212 = tpu.memref_slice %arg6[%mul3A_61] : memref<320000xi32, #tpu.memory_space<hbm>> -> memref<80xi32, #tpu.memory_space<hbm>>
        %dma_wait3A_213 = tpu.memref_slice %arg6[%mul3A_61] : memref<320000xi32, #tpu.memory_space<hbm>> -> memref<80xi32, #tpu.memory_space<hbm>>
        tpu.wait_dma2 semaphore(%arg30 : memref<!tpu.dma_semaphore, #tpu.memory_space<semaphore_mem>>) src(%dma_wait3A_213 : memref<80xi32, #tpu.memory_space<hbm>>) dst(%arg13 : memref<80xi32, #tpu.memory_space<vmem>>)
        %ge3A = arith.constant 1 : i32
        %ge3A_214 = arith.cmpi sge, %add3A_134, %ge3A : i32
        %convert_element_type3A_215 = arith.extui %ge3A_214 : i1 to i32
        %cond3A_216 = arith.constant 0 : i32
        %cond3A_217 = arith.cmpi ne, %convert_element_type3A_215, %cond3A_216 : i32
        scf.if %cond3A_217 {
          %dma_wait3A_224 = arith.constant 0 : i32
          %dma_wait3A_225 = arith.constant 0 : i32
          %dma_wait3A_226 = tpu.memref_slice %arg25[%dma_wait3A_224, %dma_wait3A_225] : memref<10000x128xf32, #tpu.memory_space<vmem_shared>> -> memref<10000x128xf32, #tpu.memory_space<vmem_shared>>
          tpu.wait_indirect_dma semaphore(%arg32 : memref<!tpu.dma_semaphore, #tpu.memory_space<semaphore_mem>>) src(%arg18 : memref<80x128xf32, #tpu.memory_space<vmem>>) dst(%dma_wait3A_226 : memref<10000x128xf32, #tpu.memory_space<vmem_shared>>)
          %dma_wait3A_227 = arith.constant 0 : i32
          %dma_wait3A_228 = tpu.memref_slice %arg26[%dma_wait3A_227] : memref<10000xf32, #tpu.memory_space<vmem_shared>> -> memref<10000xf32, #tpu.memory_space<vmem_shared>>
          tpu.wait_indirect_dma semaphore(%arg32 : memref<!tpu.dma_semaphore, #tpu.memory_space<semaphore_mem>>) src(%arg21 : memref<80xf32, #tpu.memory_space<vmem>>) dst(%dma_wait3A_228 : memref<10000xf32, #tpu.memory_space<vmem_shared>>)
        } else {
        }
        %dma_start3A_218 = arith.constant 0 : i32
        %dma_start3A_219 = arith.constant 0 : i32
        %dma_start3A_220 = tpu.memref_slice %arg2[%dma_start3A_218, %dma_start3A_219] : memref<10000x128xf32, #tpu.memory_space<hbm>> -> memref<10000x128xf32, #tpu.memory_space<hbm>>
        tpu.enqueue_indirect_dma source(%dma_start3A_220 : memref<10000x128xf32, #tpu.memory_space<hbm>>) target(%arg18 : memref<80x128xf32, #tpu.memory_space<vmem>>) offsets(%arg12 : memref<80xi32, #tpu.memory_space<vmem>>) semaphore(%arg28 : memref<!tpu.dma_semaphore, #tpu.memory_space<semaphore_mem>>)
        %dma_start3A_221 = arith.constant 0 : i32
        %dma_start3A_222 = arith.constant 0 : i32
        %dma_start3A_223 = tpu.memref_slice %arg3[%dma_start3A_221, %dma_start3A_222] : memref<10000x128xf32, #tpu.memory_space<hbm>> -> memref<10000x128xf32, #tpu.memory_space<hbm>>
        tpu.enqueue_indirect_dma source(%dma_start3A_223 : memref<10000x128xf32, #tpu.memory_space<hbm>>) target(%arg19 : memref<80x128xf32, #tpu.memory_space<vmem>>) offsets(%arg13 : memref<80xi32, #tpu.memory_space<vmem>>) semaphore(%arg28 : memref<!tpu.dma_semaphore, #tpu.memory_space<semaphore_mem>>)
      } else {
      }
      %dma_wait3A_142 = arith.constant 0 : i32
      %dma_wait3A_143 = arith.constant 0 : i32
      %dma_wait3A_144 = tpu.memref_slice %arg2[%dma_wait3A_142, %dma_wait3A_143] : memref<10000x128xf32, #tpu.memory_space<hbm>> -> memref<10000x128xf32, #tpu.memory_space<hbm>>
      tpu.wait_indirect_dma semaphore(%arg27 : memref<!tpu.dma_semaphore, #tpu.memory_space<semaphore_mem>>) src(%dma_wait3A_144 : memref<10000x128xf32, #tpu.memory_space<hbm>>) dst(%arg16 : memref<80x128xf32, #tpu.memory_space<vmem>>)
      %dma_wait3A_145 = arith.constant 0 : i32
      %dma_wait3A_146 = arith.constant 0 : i32
      %dma_wait3A_147 = tpu.memref_slice %arg3[%dma_wait3A_145, %dma_wait3A_146] : memref<10000x128xf32, #tpu.memory_space<hbm>> -> memref<10000x128xf32, #tpu.memory_space<hbm>>
      tpu.wait_indirect_dma semaphore(%arg27 : memref<!tpu.dma_semaphore, #tpu.memory_space<semaphore_mem>>) src(%dma_wait3A_147 : memref<10000x128xf32, #tpu.memory_space<hbm>>) dst(%arg17 : memref<80x128xf32, #tpu.memory_space<vmem>>)
      %scan3A_148 = arith.constant 0 : i32
      %scan3A_149 = arith.constant 0 : i32
      %scan3A_150 = arith.constant 5 : i32
      %scan3A_151 = arith.addi %scan3A_149, %scan3A_150 : i32
      %scan3A_152 = arith.constant 1 : i32
      %scan3A_153 = scf.for %scan3A_210 = %scan3A_149 to %scan3A_151 step %scan3A_152 iter_args(%scan3A_211 = %scan3A_148) -> (i32)  : i32 {
        %mul3A_212 = arith.constant 16 : i32
        %mul3A_213 = arith.muli %scan3A_210, %mul3A_212 : i32
        %get3A_214 = arith.index_cast %mul3A_213 : i32 to index
        %get3A_215 = tpu.vector_load %arg11[%get3A_214] {strides = array<i32>} : memref<80xi32, #tpu.memory_space<vmem>>, vector<16xi32>,
        %mul3A_216 = arith.constant 16 : i32
        %mul3A_217 = arith.muli %scan3A_210, %mul3A_216 : i32
        %swap3A = arith.index_cast %mul3A_217 : i32 to index
        %swap3A_218 = tpu.vector_load %arg14[%swap3A] {strides = array<i32>} : memref<80xi32, #tpu.memory_space<vmem>>, vector<16xi32>,
        tpu.vector_store %arg14[%swap3A], %get3A_215 {strides = array<i32>} : memref<80xi32, #tpu.memory_space<vmem>>, vector<16xi32>,
        %scan3A_219 = arith.constant 0 : i32
        scf.yield %scan3A_219 : i32
      }
      %scan3A_154 = arith.constant 5 : i32
      %parallel_loop3A_155 = arith.constant 0 : i32
      %parallel_loop3A_156 = arith.constant 80 : i32
      %parallel_loop3A_157 = arith.constant 1 : i32
      scf.for %parallel_loop3A_210 = %parallel_loop3A_155 to %parallel_loop3A_156 step %parallel_loop3A_157  : i32 {
        %parallel_loop3A_211 = vector.broadcast %parallel_loop3A_210 : i32 to vector<16xi32>
        %parallel_loop3A_212 = tpu.vector_load_idx %arg10[%parallel_loop3A_211] : memref<80xi32, #tpu.memory_space<vmem>>[vector<16xi32>], vector<16xi32>,
        %parallel_loop3A_213 = tpu.vector_load_idx %arg11[%parallel_loop3A_211] : memref<80xi32, #tpu.memory_space<vmem>>[vector<16xi32>], vector<16xi32>,
        %parallel_loop3A_214 = arith.index_cast %parallel_loop3A_210 : i32 to index
        %parallel_loop3A_215 = arith.constant 0 : index
        %parallel_loop3A_216 = tpu.vector_load %arg16[%parallel_loop3A_214, %parallel_loop3A_215] {strides = array<i32>} : memref<80x128xf32, #tpu.memory_space<vmem>>, vector<16xf32>,
        %parallel_loop3A_217 = arith.index_cast %parallel_loop3A_210 : i32 to index
        %parallel_loop3A_218 = arith.constant 16 : index
        %parallel_loop3A_219 = tpu.vector_load %arg16[%parallel_loop3A_217, %parallel_loop3A_218] {strides = array<i32>} : memref<80x128xf32, #tpu.memory_space<vmem>>, vector<16xf32>,
        %parallel_loop3A_220 = arith.index_cast %parallel_loop3A_210 : i32 to index
        %parallel_loop3A_221 = arith.constant 32 : index
        %parallel_loop3A_222 = tpu.vector_load %arg16[%parallel_loop3A_220, %parallel_loop3A_221] {strides = array<i32>} : memref<80x128xf32, #tpu.memory_space<vmem>>, vector<16xf32>,
        %parallel_loop3A_223 = arith.index_cast %parallel_loop3A_210 : i32 to index
        %parallel_loop3A_224 = arith.constant 48 : index
        %parallel_loop3A_225 = tpu.vector_load %arg16[%parallel_loop3A_223, %parallel_loop3A_224] {strides = array<i32>} : memref<80x128xf32, #tpu.memory_space<vmem>>, vector<16xf32>,
        %parallel_loop3A_226 = arith.index_cast %parallel_loop3A_210 : i32 to index
        %parallel_loop3A_227 = arith.constant 64 : index
        %parallel_loop3A_228 = tpu.vector_load %arg16[%parallel_loop3A_226, %parallel_loop3A_227] {strides = array<i32>} : memref<80x128xf32, #tpu.memory_space<vmem>>, vector<16xf32>,
        %parallel_loop3A_229 = arith.index_cast %parallel_loop3A_210 : i32 to index
        %parallel_loop3A_230 = arith.constant 80 : index
        %parallel_loop3A_231 = tpu.vector_load %arg16[%parallel_loop3A_229, %parallel_loop3A_230] {strides = array<i32>} : memref<80x128xf32, #tpu.memory_space<vmem>>, vector<16xf32>,
        %parallel_loop3A_232 = arith.index_cast %parallel_loop3A_210 : i32 to index
        %parallel_loop3A_233 = arith.constant 96 : index
        %parallel_loop3A_234 = tpu.vector_load %arg16[%parallel_loop3A_232, %parallel_loop3A_233] {strides = array<i32>} : memref<80x128xf32, #tpu.memory_space<vmem>>, vector<16xf32>,
        %parallel_loop3A_235 = arith.index_cast %parallel_loop3A_210 : i32 to index
        %parallel_loop3A_236 = arith.constant 112 : index
        %parallel_loop3A_237 = tpu.vector_load %arg16[%parallel_loop3A_235, %parallel_loop3A_236] {strides = array<i32>} : memref<80x128xf32, #tpu.memory_space<vmem>>, vector<16xf32>,
        %parallel_loop3A_238 = arith.index_cast %parallel_loop3A_210 : i32 to index
        %parallel_loop3A_239 = arith.constant 0 : index
        %parallel_loop3A_240 = tpu.vector_load %arg17[%parallel_loop3A_238, %parallel_loop3A_239] {strides = array<i32>} : memref<80x128xf32, #tpu.memory_space<vmem>>, vector<16xf32>,
        %parallel_loop3A_241 = arith.addf %parallel_loop3A_216, %parallel_loop3A_240 : vector<16xf32>
        %parallel_loop3A_242 = arith.constant 2.000000e-01 : f32
        %parallel_loop3A_243 = vector.broadcast %parallel_loop3A_242 : f32 to vector<16xf32>
        %parallel_loop3A_244 = arith.mulf %parallel_loop3A_243, %parallel_loop3A_241 : vector<16xf32>
        %parallel_loop3A_245 = arith.maximumf %parallel_loop3A_241, %parallel_loop3A_244 : vector<16xf32>
        %parallel_loop3A_246 = arith.mulf %parallel_loop3A_245, %get3A_42 : vector<16xf32>
        %parallel_loop3A_247 = arith.addf %broadcast_in_dim3A_1, %parallel_loop3A_246 : vector<16xf32>
        %parallel_loop3A_248 = arith.index_cast %parallel_loop3A_210 : i32 to index
        %parallel_loop3A_249 = arith.constant 16 : index
        %parallel_loop3A_250 = tpu.vector_load %arg17[%parallel_loop3A_248, %parallel_loop3A_249] {strides = array<i32>} : memref<80x128xf32, #tpu.memory_space<vmem>>, vector<16xf32>,
        %parallel_loop3A_251 = arith.addf %parallel_loop3A_219, %parallel_loop3A_250 : vector<16xf32>
        %parallel_loop3A_252 = arith.constant 2.000000e-01 : f32
        %parallel_loop3A_253 = vector.broadcast %parallel_loop3A_252 : f32 to vector<16xf32>
        %parallel_loop3A_254 = arith.mulf %parallel_loop3A_253, %parallel_loop3A_251 : vector<16xf32>
        %parallel_loop3A_255 = arith.maximumf %parallel_loop3A_251, %parallel_loop3A_254 : vector<16xf32>
        %parallel_loop3A_256 = arith.mulf %parallel_loop3A_255, %get3A_44 : vector<16xf32>
        %parallel_loop3A_257 = arith.addf %parallel_loop3A_247, %parallel_loop3A_256 : vector<16xf32>
        %parallel_loop3A_258 = arith.index_cast %parallel_loop3A_210 : i32 to index
        %parallel_loop3A_259 = arith.constant 32 : index
        %parallel_loop3A_260 = tpu.vector_load %arg17[%parallel_loop3A_258, %parallel_loop3A_259] {strides = array<i32>} : memref<80x128xf32, #tpu.memory_space<vmem>>, vector<16xf32>,
        %parallel_loop3A_261 = arith.addf %parallel_loop3A_222, %parallel_loop3A_260 : vector<16xf32>
        %parallel_loop3A_262 = arith.constant 2.000000e-01 : f32
        %parallel_loop3A_263 = vector.broadcast %parallel_loop3A_262 : f32 to vector<16xf32>
        %parallel_loop3A_264 = arith.mulf %parallel_loop3A_263, %parallel_loop3A_261 : vector<16xf32>
        %parallel_loop3A_265 = arith.maximumf %parallel_loop3A_261, %parallel_loop3A_264 : vector<16xf32>
        %parallel_loop3A_266 = arith.mulf %parallel_loop3A_265, %get3A_46 : vector<16xf32>
        %parallel_loop3A_267 = arith.addf %parallel_loop3A_257, %parallel_loop3A_266 : vector<16xf32>
        %parallel_loop3A_268 = arith.index_cast %parallel_loop3A_210 : i32 to index
        %parallel_loop3A_269 = arith.constant 48 : index
        %parallel_loop3A_270 = tpu.vector_load %arg17[%parallel_loop3A_268, %parallel_loop3A_269] {strides = array<i32>} : memref<80x128xf32, #tpu.memory_space<vmem>>, vector<16xf32>,
        %parallel_loop3A_271 = arith.addf %parallel_loop3A_225, %parallel_loop3A_270 : vector<16xf32>
        %parallel_loop3A_272 = arith.constant 2.000000e-01 : f32
        %parallel_loop3A_273 = vector.broadcast %parallel_loop3A_272 : f32 to vector<16xf32>
        %parallel_loop3A_274 = arith.mulf %parallel_loop3A_273, %parallel_loop3A_271 : vector<16xf32>
        %parallel_loop3A_275 = arith.maximumf %parallel_loop3A_271, %parallel_loop3A_274 : vector<16xf32>
        %parallel_loop3A_276 = arith.mulf %parallel_loop3A_275, %get3A_48 : vector<16xf32>
        %parallel_loop3A_277 = arith.addf %parallel_loop3A_267, %parallel_loop3A_276 : vector<16xf32>
        %parallel_loop3A_278 = arith.index_cast %parallel_loop3A_210 : i32 to index
        %parallel_loop3A_279 = arith.constant 64 : index
        %parallel_loop3A_280 = tpu.vector_load %arg17[%parallel_loop3A_278, %parallel_loop3A_279] {strides = array<i32>} : memref<80x128xf32, #tpu.memory_space<vmem>>, vector<16xf32>,
        %parallel_loop3A_281 = arith.addf %parallel_loop3A_228, %parallel_loop3A_280 : vector<16xf32>
        %parallel_loop3A_282 = arith.constant 2.000000e-01 : f32
        %parallel_loop3A_283 = vector.broadcast %parallel_loop3A_282 : f32 to vector<16xf32>
        %parallel_loop3A_284 = arith.mulf %parallel_loop3A_283, %parallel_loop3A_281 : vector<16xf32>
        %parallel_loop3A_285 = arith.maximumf %parallel_loop3A_281, %parallel_loop3A_284 : vector<16xf32>
        %parallel_loop3A_286 = arith.mulf %parallel_loop3A_285, %get3A_50 : vector<16xf32>
        %parallel_loop3A_287 = arith.addf %parallel_loop3A_277, %parallel_loop3A_286 : vector<16xf32>
        %parallel_loop3A_288 = arith.index_cast %parallel_loop3A_210 : i32 to index
        %parallel_loop3A_289 = arith.constant 80 : index
        %parallel_loop3A_290 = tpu.vector_load %arg17[%parallel_loop3A_288, %parallel_loop3A_289] {strides = array<i32>} : memref<80x128xf32, #tpu.memory_space<vmem>>, vector<16xf32>,
        %parallel_loop3A_291 = arith.addf %parallel_loop3A_231, %parallel_loop3A_290 : vector<16xf32>
        %parallel_loop3A_292 = arith.constant 2.000000e-01 : f32
        %parallel_loop3A_293 = vector.broadcast %parallel_loop3A_292 : f32 to vector<16xf32>
        %parallel_loop3A_294 = arith.mulf %parallel_loop3A_293, %parallel_loop3A_291 : vector<16xf32>
        %parallel_loop3A_295 = arith.maximumf %parallel_loop3A_291, %parallel_loop3A_294 : vector<16xf32>
        %parallel_loop3A_296 = arith.mulf %parallel_loop3A_295, %get3A_52 : vector<16xf32>
        %parallel_loop3A_297 = arith.addf %parallel_loop3A_287, %parallel_loop3A_296 : vector<16xf32>
        %parallel_loop3A_298 = arith.index_cast %parallel_loop3A_210 : i32 to index
        %parallel_loop3A_299 = arith.constant 96 : index
        %parallel_loop3A_300 = tpu.vector_load %arg17[%parallel_loop3A_298, %parallel_loop3A_299] {strides = array<i32>} : memref<80x128xf32, #tpu.memory_space<vmem>>, vector<16xf32>,
        %parallel_loop3A_301 = arith.addf %parallel_loop3A_234, %parallel_loop3A_300 : vector<16xf32>
        %parallel_loop3A_302 = arith.constant 2.000000e-01 : f32
        %parallel_loop3A_303 = vector.broadcast %parallel_loop3A_302 : f32 to vector<16xf32>
        %parallel_loop3A_304 = arith.mulf %parallel_loop3A_303, %parallel_loop3A_301 : vector<16xf32>
        %parallel_loop3A_305 = arith.maximumf %parallel_loop3A_301, %parallel_loop3A_304 : vector<16xf32>
        %parallel_loop3A_306 = arith.mulf %parallel_loop3A_305, %get3A_54 : vector<16xf32>
        %parallel_loop3A_307 = arith.addf %parallel_loop3A_297, %parallel_loop3A_306 : vector<16xf32>
        %parallel_loop3A_308 = arith.index_cast %parallel_loop3A_210 : i32 to index
        %parallel_loop3A_309 = arith.constant 112 : index
        %parallel_loop3A_310 = tpu.vector_load %arg17[%parallel_loop3A_308, %parallel_loop3A_309] {strides = array<i32>} : memref<80x128xf32, #tpu.memory_space<vmem>>, vector<16xf32>,
        %parallel_loop3A_311 = arith.addf %parallel_loop3A_237, %parallel_loop3A_310 : vector<16xf32>
        %parallel_loop3A_312 = arith.constant 2.000000e-01 : f32
        %parallel_loop3A_313 = vector.broadcast %parallel_loop3A_312 : f32 to vector<16xf32>
        %parallel_loop3A_314 = arith.mulf %parallel_loop3A_313, %parallel_loop3A_311 : vector<16xf32>
        %parallel_loop3A_315 = arith.maximumf %parallel_loop3A_311, %parallel_loop3A_314 : vector<16xf32>
        %parallel_loop3A_316 = arith.mulf %parallel_loop3A_315, %get3A_56 : vector<16xf32>
        %parallel_loop3A_317 = arith.addf %parallel_loop3A_307, %parallel_loop3A_316 : vector<16xf32>
        %parallel_loop3A_318 = arith.constant true
        %parallel_loop3A_319 = vector.broadcast %parallel_loop3A_318 : i1 to vector<16xi1>
        %parallel_loop3A_320 = tpu.scan <sum>, %parallel_loop3A_317 masked %parallel_loop3A_319 : vector<16xf32>, vector<16xi1> -> vector<16xf32>
        %parallel_loop3A_321 = vector.extract %parallel_loop3A_320[15] : f32 from vector<16xf32>
        %parallel_loop3A_322 = arith.cmpi ne, %parallel_loop3A_212, %parallel_loop3A_213 : vector<16xi32>
        %parallel_loop3A_323 = vector.broadcast %parallel_loop3A_321 : f32 to vector<16xf32>
        %parallel_loop3A_324 = math.exp %parallel_loop3A_323 : vector<16xf32>
        %parallel_loop3A_325 = arith.constant 0.000000e+00 : f32
        %parallel_loop3A_326 = vector.broadcast %parallel_loop3A_325 : f32 to vector<16xf32>
        %parallel_loop3A_327 = arith.select %parallel_loop3A_322, %parallel_loop3A_324, %parallel_loop3A_326 : vector<16xi1>, vector<16xf32>
        %parallel_loop3A_328 = arith.mulf %parallel_loop3A_216, %parallel_loop3A_327 : vector<16xf32>
        %parallel_loop3A_329 = arith.index_cast %parallel_loop3A_210 : i32 to index
        %parallel_loop3A_330 = arith.constant 0 : index
        %parallel_loop3A_331 = tpu.vector_load %arg16[%parallel_loop3A_329, %parallel_loop3A_330] {strides = array<i32>} : memref<80x128xf32, #tpu.memory_space<vmem>>, vector<16xf32>,
        tpu.vector_store %arg16[%parallel_loop3A_329, %parallel_loop3A_330], %parallel_loop3A_328 {strides = array<i32>} : memref<80x128xf32, #tpu.memory_space<vmem>>, vector<16xf32>,
        %parallel_loop3A_332 = arith.mulf %parallel_loop3A_219, %parallel_loop3A_327 : vector<16xf32>
        %parallel_loop3A_333 = arith.index_cast %parallel_loop3A_210 : i32 to index
        %parallel_loop3A_334 = arith.constant 16 : index
        %parallel_loop3A_335 = tpu.vector_load %arg16[%parallel_loop3A_333, %parallel_loop3A_334] {strides = array<i32>} : memref<80x128xf32, #tpu.memory_space<vmem>>, vector<16xf32>,
        tpu.vector_store %arg16[%parallel_loop3A_333, %parallel_loop3A_334], %parallel_loop3A_332 {strides = array<i32>} : memref<80x128xf32, #tpu.memory_space<vmem>>, vector<16xf32>,
        %parallel_loop3A_336 = arith.mulf %parallel_loop3A_222, %parallel_loop3A_327 : vector<16xf32>
        %parallel_loop3A_337 = arith.index_cast %parallel_loop3A_210 : i32 to index
        %parallel_loop3A_338 = arith.constant 32 : index
        %parallel_loop3A_339 = tpu.vector_load %arg16[%parallel_loop3A_337, %parallel_loop3A_338] {strides = array<i32>} : memref<80x128xf32, #tpu.memory_space<vmem>>, vector<16xf32>,
        tpu.vector_store %arg16[%parallel_loop3A_337, %parallel_loop3A_338], %parallel_loop3A_336 {strides = array<i32>} : memref<80x128xf32, #tpu.memory_space<vmem>>, vector<16xf32>,
        %parallel_loop3A_340 = arith.mulf %parallel_loop3A_225, %parallel_loop3A_327 : vector<16xf32>
        %parallel_loop3A_341 = arith.index_cast %parallel_loop3A_210 : i32 to index
        %parallel_loop3A_342 = arith.constant 48 : index
        %parallel_loop3A_343 = tpu.vector_load %arg16[%parallel_loop3A_341, %parallel_loop3A_342] {strides = array<i32>} : memref<80x128xf32, #tpu.memory_space<vmem>>, vector<16xf32>,
        tpu.vector_store %arg16[%parallel_loop3A_341, %parallel_loop3A_342], %parallel_loop3A_340 {strides = array<i32>} : memref<80x128xf32, #tpu.memory_space<vmem>>, vector<16xf32>,
        %parallel_loop3A_344 = arith.mulf %parallel_loop3A_228, %parallel_loop3A_327 : vector<16xf32>
        %parallel_loop3A_345 = arith.index_cast %parallel_loop3A_210 : i32 to index
        %parallel_loop3A_346 = arith.constant 64 : index
        %parallel_loop3A_347 = tpu.vector_load %arg16[%parallel_loop3A_345, %parallel_loop3A_346] {strides = array<i32>} : memref<80x128xf32, #tpu.memory_space<vmem>>, vector<16xf32>,
        tpu.vector_store %arg16[%parallel_loop3A_345, %parallel_loop3A_346], %parallel_loop3A_344 {strides = array<i32>} : memref<80x128xf32, #tpu.memory_space<vmem>>, vector<16xf32>,
        %parallel_loop3A_348 = arith.mulf %parallel_loop3A_231, %parallel_loop3A_327 : vector<16xf32>
        %parallel_loop3A_349 = arith.index_cast %parallel_loop3A_210 : i32 to index
        %parallel_loop3A_350 = arith.constant 80 : index
        %parallel_loop3A_351 = tpu.vector_load %arg16[%parallel_loop3A_349, %parallel_loop3A_350] {strides = array<i32>} : memref<80x128xf32, #tpu.memory_space<vmem>>, vector<16xf32>,
        tpu.vector_store %arg16[%parallel_loop3A_349, %parallel_loop3A_350], %parallel_loop3A_348 {strides = array<i32>} : memref<80x128xf32, #tpu.memory_space<vmem>>, vector<16xf32>,
        %parallel_loop3A_352 = arith.mulf %parallel_loop3A_234, %parallel_loop3A_327 : vector<16xf32>
        %parallel_loop3A_353 = arith.index_cast %parallel_loop3A_210 : i32 to index
        %parallel_loop3A_354 = arith.constant 96 : index
        %parallel_loop3A_355 = tpu.vector_load %arg16[%parallel_loop3A_353, %parallel_loop3A_354] {strides = array<i32>} : memref<80x128xf32, #tpu.memory_space<vmem>>, vector<16xf32>,
        tpu.vector_store %arg16[%parallel_loop3A_353, %parallel_loop3A_354], %parallel_loop3A_352 {strides = array<i32>} : memref<80x128xf32, #tpu.memory_space<vmem>>, vector<16xf32>,
        %parallel_loop3A_356 = arith.mulf %parallel_loop3A_237, %parallel_loop3A_327 : vector<16xf32>
        %parallel_loop3A_357 = arith.index_cast %parallel_loop3A_210 : i32 to index
        %parallel_loop3A_358 = arith.constant 112 : index
        %parallel_loop3A_359 = tpu.vector_load %arg16[%parallel_loop3A_357, %parallel_loop3A_358] {strides = array<i32>} : memref<80x128xf32, #tpu.memory_space<vmem>>, vector<16xf32>,
        tpu.vector_store %arg16[%parallel_loop3A_357, %parallel_loop3A_358], %parallel_loop3A_356 {strides = array<i32>} : memref<80x128xf32, #tpu.memory_space<vmem>>, vector<16xf32>,
        tpu.vector_store_idx %arg20[%parallel_loop3A_211], %parallel_loop3A_327 masked %eq3A_59 : memref<80xf32, #tpu.memory_space<vmem>>[vector<16xi32>], vector<16xf32>, vector<16xi1>
      } {sc.loop_unroll_factor = 1 : i64, sc.parallel_access}
      %add3A_158 = arith.constant 2 : i32
      %add3A_159 = arith.addi %add3A_134, %add3A_158 : i32
      %lt3A_160 = arith.constant 125 : i32
      %lt3A_161 = arith.cmpi slt, %add3A_159, %lt3A_160 : i32
      %convert_element_type3A_162 = arith.extui %lt3A_161 : i1 to i32
      %cond3A_163 = arith.constant 0 : i32
      %cond3A_164 = arith.cmpi ne, %convert_element_type3A_162, %cond3A_163 : i32
      scf.if %cond3A_164 {
        %add3A_210 = arith.constant 2 : i32
        %add3A_211 = arith.addi %add3A_134, %add3A_210 : i32
        %mul3A_212 = arith.constant 80 : i32
        %mul3A_213 = arith.muli %add3A_211, %mul3A_212 : i32
        %add3A_214 = arith.addi %mul3A_61, %mul3A_213 : i32
        %dma_start3A_215 = tpu.memref_slice %arg5[%add3A_214] : memref<320000xi32, #tpu.memory_space<hbm>> -> memref<80xi32, #tpu.memory_space<hbm>>
        %dma_start3A_216 = tpu.memref_slice %arg5[%add3A_214] : memref<320000xi32, #tpu.memory_space<hbm>> -> memref<80xi32, #tpu.memory_space<hbm>>
        tpu.enqueue_dma source(%dma_start3A_216 : memref<80xi32, #tpu.memory_space<hbm>>) target(%arg10 : memref<80xi32, #tpu.memory_space<vmem>>) target_semaphore(%arg29 : memref<!tpu.dma_semaphore, #tpu.memory_space<semaphore_mem>>)
        %mul3A_217 = arith.constant 80 : i32
        %mul3A_218 = arith.muli %add3A_211, %mul3A_217 : i32
        %add3A_219 = arith.addi %mul3A_61, %mul3A_218 : i32
        %dma_start3A_220 = tpu.memref_slice %arg6[%add3A_219] : memref<320000xi32, #tpu.memory_space<hbm>> -> memref<80xi32, #tpu.memory_space<hbm>>
        %dma_start3A_221 = tpu.memref_slice %arg6[%add3A_219] : memref<320000xi32, #tpu.memory_space<hbm>> -> memref<80xi32, #tpu.memory_space<hbm>>
        tpu.enqueue_dma source(%dma_start3A_221 : memref<80xi32, #tpu.memory_space<hbm>>) target(%arg11 : memref<80xi32, #tpu.memory_space<vmem>>) target_semaphore(%arg29 : memref<!tpu.dma_semaphore, #tpu.memory_space<semaphore_mem>>)
      } else {
      }
      %dma_start3A_165 = arith.constant 0 : i32
      %dma_start3A_166 = arith.constant 0 : i32
      %dma_start3A_167 = tpu.memref_slice %arg25[%dma_start3A_165, %dma_start3A_166] : memref<10000x128xf32, #tpu.memory_space<vmem_shared>> -> memref<10000x128xf32, #tpu.memory_space<vmem_shared>>
      tpu.enqueue_indirect_dma source(%arg16 : memref<80x128xf32, #tpu.memory_space<vmem>>) target(%dma_start3A_167 : memref<10000x128xf32, #tpu.memory_space<vmem_shared>>) offsets(%arg14 : memref<80xi32, #tpu.memory_space<vmem>>) semaphore(%arg31 : memref<!tpu.dma_semaphore, #tpu.memory_space<semaphore_mem>>) {add = true}
      %dma_start3A_168 = arith.constant 0 : i32
      %dma_start3A_169 = tpu.memref_slice %arg26[%dma_start3A_168] : memref<10000xf32, #tpu.memory_space<vmem_shared>> -> memref<10000xf32, #tpu.memory_space<vmem_shared>>
      tpu.enqueue_indirect_dma source(%arg20 : memref<80xf32, #tpu.memory_space<vmem>>) target(%dma_start3A_169 : memref<10000xf32, #tpu.memory_space<vmem_shared>>) offsets(%arg14 : memref<80xi32, #tpu.memory_space<vmem>>) semaphore(%arg31 : memref<!tpu.dma_semaphore, #tpu.memory_space<semaphore_mem>>) {add = true}
      %mul3A_170 = arith.constant 2 : i32
      %mul3A_171 = arith.muli %mul3A_170, %scan3A_129 : i32
      %add3A_172 = arith.constant 1 : i32
      %add3A_173 = arith.addi %mul3A_171, %add3A_172 : i32
      %add3A_174 = arith.constant 1 : i32
      %add3A_175 = arith.addi %add3A_173, %add3A_174 : i32
      %lt3A_176 = arith.constant 125 : i32
      %lt3A_177 = arith.cmpi slt, %add3A_175, %lt3A_176 : i32
      %convert_element_type3A_178 = arith.extui %lt3A_177 : i1 to i32
      %cond3A_179 = arith.constant 0 : i32
      %cond3A_180 = arith.cmpi ne, %convert_element_type3A_178, %cond3A_179 : i32
      scf.if %cond3A_180 {
        %dma_wait3A_210 = tpu.memref_slice %arg5[%mul3A_61] : memref<320000xi32, #tpu.memory_space<hbm>> -> memref<80xi32, #tpu.memory_space<hbm>>
        %dma_wait3A_211 = tpu.memref_slice %arg5[%mul3A_61] : memref<320000xi32, #tpu.memory_space<hbm>> -> memref<80xi32, #tpu.memory_space<hbm>>
        tpu.wait_dma2 semaphore(%arg29 : memref<!tpu.dma_semaphore, #tpu.memory_space<semaphore_mem>>) src(%dma_wait3A_211 : memref<80xi32, #tpu.memory_space<hbm>>) dst(%arg10 : memref<80xi32, #tpu.memory_space<vmem>>)
        %dma_wait3A_212 = tpu.memref_slice %arg6[%mul3A_61] : memref<320000xi32, #tpu.memory_space<hbm>> -> memref<80xi32, #tpu.memory_space<hbm>>
        %dma_wait3A_213 = tpu.memref_slice %arg6[%mul3A_61] : memref<320000xi32, #tpu.memory_space<hbm>> -> memref<80xi32, #tpu.memory_space<hbm>>
        tpu.wait_dma2 semaphore(%arg29 : memref<!tpu.dma_semaphore, #tpu.memory_space<semaphore_mem>>) src(%dma_wait3A_213 : memref<80xi32, #tpu.memory_space<hbm>>) dst(%arg11 : memref<80xi32, #tpu.memory_space<vmem>>)
        %ge3A = arith.constant 1 : i32
        %ge3A_214 = arith.cmpi sge, %add3A_173, %ge3A : i32
        %convert_element_type3A_215 = arith.extui %ge3A_214 : i1 to i32
        %cond3A_216 = arith.constant 0 : i32
        %cond3A_217 = arith.cmpi ne, %convert_element_type3A_215, %cond3A_216 : i32
        scf.if %cond3A_217 {
          %dma_wait3A_224 = arith.constant 0 : i32
          %dma_wait3A_225 = arith.constant 0 : i32
          %dma_wait3A_226 = tpu.memref_slice %arg25[%dma_wait3A_224, %dma_wait3A_225] : memref<10000x128xf32, #tpu.memory_space<vmem_shared>> -> memref<10000x128xf32, #tpu.memory_space<vmem_shared>>
          tpu.wait_indirect_dma semaphore(%arg31 : memref<!tpu.dma_semaphore, #tpu.memory_space<semaphore_mem>>) src(%arg16 : memref<80x128xf32, #tpu.memory_space<vmem>>) dst(%dma_wait3A_226 : memref<10000x128xf32, #tpu.memory_space<vmem_shared>>)
          %dma_wait3A_227 = arith.constant 0 : i32
          %dma_wait3A_228 = tpu.memref_slice %arg26[%dma_wait3A_227] : memref<10000xf32, #tpu.memory_space<vmem_shared>> -> memref<10000xf32, #tpu.memory_space<vmem_shared>>
          tpu.wait_indirect_dma semaphore(%arg31 : memref<!tpu.dma_semaphore, #tpu.memory_space<semaphore_mem>>) src(%arg20 : memref<80xf32, #tpu.memory_space<vmem>>) dst(%dma_wait3A_228 : memref<10000xf32, #tpu.memory_space<vmem_shared>>)
        } else {
        }
        %dma_start3A_218 = arith.constant 0 : i32
        %dma_start3A_219 = arith.constant 0 : i32
        %dma_start3A_220 = tpu.memref_slice %arg2[%dma_start3A_218, %dma_start3A_219] : memref<10000x128xf32, #tpu.memory_space<hbm>> -> memref<10000x128xf32, #tpu.memory_space<hbm>>
        tpu.enqueue_indirect_dma source(%dma_start3A_220 : memref<10000x128xf32, #tpu.memory_space<hbm>>) target(%arg16 : memref<80x128xf32, #tpu.memory_space<vmem>>) offsets(%arg10 : memref<80xi32, #tpu.memory_space<vmem>>) semaphore(%arg27 : memref<!tpu.dma_semaphore, #tpu.memory_space<semaphore_mem>>)
        %dma_start3A_221 = arith.constant 0 : i32
        %dma_start3A_222 = arith.constant 0 : i32
        %dma_start3A_223 = tpu.memref_slice %arg3[%dma_start3A_221, %dma_start3A_222] : memref<10000x128xf32, #tpu.memory_space<hbm>> -> memref<10000x128xf32, #tpu.memory_space<hbm>>
        tpu.enqueue_indirect_dma source(%dma_start3A_223 : memref<10000x128xf32, #tpu.memory_space<hbm>>) target(%arg17 : memref<80x128xf32, #tpu.memory_space<vmem>>) offsets(%arg11 : memref<80xi32, #tpu.memory_space<vmem>>) semaphore(%arg27 : memref<!tpu.dma_semaphore, #tpu.memory_space<semaphore_mem>>)
      } else {
      }
      %dma_wait3A_181 = arith.constant 0 : i32
      %dma_wait3A_182 = arith.constant 0 : i32
      %dma_wait3A_183 = tpu.memref_slice %arg2[%dma_wait3A_181, %dma_wait3A_182] : memref<10000x128xf32, #tpu.memory_space<hbm>> -> memref<10000x128xf32, #tpu.memory_space<hbm>>
      tpu.wait_indirect_dma semaphore(%arg28 : memref<!tpu.dma_semaphore, #tpu.memory_space<semaphore_mem>>) src(%dma_wait3A_183 : memref<10000x128xf32, #tpu.memory_space<hbm>>) dst(%arg18 : memref<80x128xf32, #tpu.memory_space<vmem>>)
      %dma_wait3A_184 = arith.constant 0 : i32
      %dma_wait3A_185 = arith.constant 0 : i32
      %dma_wait3A_186 = tpu.memref_slice %arg3[%dma_wait3A_184, %dma_wait3A_185] : memref<10000x128xf32, #tpu.memory_space<hbm>> -> memref<10000x128xf32, #tpu.memory_space<hbm>>
      tpu.wait_indirect_dma semaphore(%arg28 : memref<!tpu.dma_semaphore, #tpu.memory_space<semaphore_mem>>) src(%dma_wait3A_186 : memref<10000x128xf32, #tpu.memory_space<hbm>>) dst(%arg19 : memref<80x128xf32, #tpu.memory_space<vmem>>)
      %scan3A_187 = arith.constant 0 : i32
      %scan3A_188 = arith.constant 0 : i32
      %scan3A_189 = arith.constant 5 : i32
      %scan3A_190 = arith.addi %scan3A_188, %scan3A_189 : i32
      %scan3A_191 = arith.constant 1 : i32
      %scan3A_192 = scf.for %scan3A_210 = %scan3A_188 to %scan3A_190 step %scan3A_191 iter_args(%scan3A_211 = %scan3A_187) -> (i32)  : i32 {
        %mul3A_212 = arith.constant 16 : i32
        %mul3A_213 = arith.muli %scan3A_210, %mul3A_212 : i32
        %get3A_214 = arith.index_cast %mul3A_213 : i32 to index
        %get3A_215 = tpu.vector_load %arg13[%get3A_214] {strides = array<i32>} : memref<80xi32, #tpu.memory_space<vmem>>, vector<16xi32>,
        %mul3A_216 = arith.constant 16 : i32
        %mul3A_217 = arith.muli %scan3A_210, %mul3A_216 : i32
        %swap3A = arith.index_cast %mul3A_217 : i32 to index
        %swap3A_218 = tpu.vector_load %arg15[%swap3A] {strides = array<i32>} : memref<80xi32, #tpu.memory_space<vmem>>, vector<16xi32>,
        tpu.vector_store %arg15[%swap3A], %get3A_215 {strides = array<i32>} : memref<80xi32, #tpu.memory_space<vmem>>, vector<16xi32>,
        %scan3A_219 = arith.constant 0 : i32
        scf.yield %scan3A_219 : i32
      }
      %scan3A_193 = arith.constant 5 : i32
      %parallel_loop3A_194 = arith.constant 0 : i32
      %parallel_loop3A_195 = arith.constant 80 : i32
      %parallel_loop3A_196 = arith.constant 1 : i32
      scf.for %parallel_loop3A_210 = %parallel_loop3A_194 to %parallel_loop3A_195 step %parallel_loop3A_196  : i32 {
        %parallel_loop3A_211 = vector.broadcast %parallel_loop3A_210 : i32 to vector<16xi32>
        %parallel_loop3A_212 = tpu.vector_load_idx %arg12[%parallel_loop3A_211] : memref<80xi32, #tpu.memory_space<vmem>>[vector<16xi32>], vector<16xi32>,
        %parallel_loop3A_213 = tpu.vector_load_idx %arg13[%parallel_loop3A_211] : memref<80xi32, #tpu.memory_space<vmem>>[vector<16xi32>], vector<16xi32>,
        %parallel_loop3A_214 = arith.index_cast %parallel_loop3A_210 : i32 to index
        %parallel_loop3A_215 = arith.constant 0 : index
        %parallel_loop3A_216 = tpu.vector_load %arg18[%parallel_loop3A_214, %parallel_loop3A_215] {strides = array<i32>} : memref<80x128xf32, #tpu.memory_space<vmem>>, vector<16xf32>,
        %parallel_loop3A_217 = arith.index_cast %parallel_loop3A_210 : i32 to index
        %parallel_loop3A_218 = arith.constant 16 : index
        %parallel_loop3A_219 = tpu.vector_load %arg18[%parallel_loop3A_217, %parallel_loop3A_218] {strides = array<i32>} : memref<80x128xf32, #tpu.memory_space<vmem>>, vector<16xf32>,
        %parallel_loop3A_220 = arith.index_cast %parallel_loop3A_210 : i32 to index
        %parallel_loop3A_221 = arith.constant 32 : index
        %parallel_loop3A_222 = tpu.vector_load %arg18[%parallel_loop3A_220, %parallel_loop3A_221] {strides = array<i32>} : memref<80x128xf32, #tpu.memory_space<vmem>>, vector<16xf32>,
        %parallel_loop3A_223 = arith.index_cast %parallel_loop3A_210 : i32 to index
        %parallel_loop3A_224 = arith.constant 48 : index
        %parallel_loop3A_225 = tpu.vector_load %arg18[%parallel_loop3A_223, %parallel_loop3A_224] {strides = array<i32>} : memref<80x128xf32, #tpu.memory_space<vmem>>, vector<16xf32>,
        %parallel_loop3A_226 = arith.index_cast %parallel_loop3A_210 : i32 to index
        %parallel_loop3A_227 = arith.constant 64 : index
        %parallel_loop3A_228 = tpu.vector_load %arg18[%parallel_loop3A_226, %parallel_loop3A_227] {strides = array<i32>} : memref<80x128xf32, #tpu.memory_space<vmem>>, vector<16xf32>,
        %parallel_loop3A_229 = arith.index_cast %parallel_loop3A_210 : i32 to index
        %parallel_loop3A_230 = arith.constant 80 : index
        %parallel_loop3A_231 = tpu.vector_load %arg18[%parallel_loop3A_229, %parallel_loop3A_230] {strides = array<i32>} : memref<80x128xf32, #tpu.memory_space<vmem>>, vector<16xf32>,
        %parallel_loop3A_232 = arith.index_cast %parallel_loop3A_210 : i32 to index
        %parallel_loop3A_233 = arith.constant 96 : index
        %parallel_loop3A_234 = tpu.vector_load %arg18[%parallel_loop3A_232, %parallel_loop3A_233] {strides = array<i32>} : memref<80x128xf32, #tpu.memory_space<vmem>>, vector<16xf32>,
        %parallel_loop3A_235 = arith.index_cast %parallel_loop3A_210 : i32 to index
        %parallel_loop3A_236 = arith.constant 112 : index
        %parallel_loop3A_237 = tpu.vector_load %arg18[%parallel_loop3A_235, %parallel_loop3A_236] {strides = array<i32>} : memref<80x128xf32, #tpu.memory_space<vmem>>, vector<16xf32>,
        %parallel_loop3A_238 = arith.index_cast %parallel_loop3A_210 : i32 to index
        %parallel_loop3A_239 = arith.constant 0 : index
        %parallel_loop3A_240 = tpu.vector_load %arg19[%parallel_loop3A_238, %parallel_loop3A_239] {strides = array<i32>} : memref<80x128xf32, #tpu.memory_space<vmem>>, vector<16xf32>,
        %parallel_loop3A_241 = arith.addf %parallel_loop3A_216, %parallel_loop3A_240 : vector<16xf32>
        %parallel_loop3A_242 = arith.constant 2.000000e-01 : f32
        %parallel_loop3A_243 = vector.broadcast %parallel_loop3A_242 : f32 to vector<16xf32>
        %parallel_loop3A_244 = arith.mulf %parallel_loop3A_243, %parallel_loop3A_241 : vector<16xf32>
        %parallel_loop3A_245 = arith.maximumf %parallel_loop3A_241, %parallel_loop3A_244 : vector<16xf32>
        %parallel_loop3A_246 = arith.mulf %parallel_loop3A_245, %get3A_42 : vector<16xf32>
        %parallel_loop3A_247 = arith.addf %broadcast_in_dim3A_1, %parallel_loop3A_246 : vector<16xf32>
        %parallel_loop3A_248 = arith.index_cast %parallel_loop3A_210 : i32 to index
        %parallel_loop3A_249 = arith.constant 16 : index
        %parallel_loop3A_250 = tpu.vector_load %arg19[%parallel_loop3A_248, %parallel_loop3A_249] {strides = array<i32>} : memref<80x128xf32, #tpu.memory_space<vmem>>, vector<16xf32>,
        %parallel_loop3A_251 = arith.addf %parallel_loop3A_219, %parallel_loop3A_250 : vector<16xf32>
        %parallel_loop3A_252 = arith.constant 2.000000e-01 : f32
        %parallel_loop3A_253 = vector.broadcast %parallel_loop3A_252 : f32 to vector<16xf32>
        %parallel_loop3A_254 = arith.mulf %parallel_loop3A_253, %parallel_loop3A_251 : vector<16xf32>
        %parallel_loop3A_255 = arith.maximumf %parallel_loop3A_251, %parallel_loop3A_254 : vector<16xf32>
        %parallel_loop3A_256 = arith.mulf %parallel_loop3A_255, %get3A_44 : vector<16xf32>
        %parallel_loop3A_257 = arith.addf %parallel_loop3A_247, %parallel_loop3A_256 : vector<16xf32>
        %parallel_loop3A_258 = arith.index_cast %parallel_loop3A_210 : i32 to index
        %parallel_loop3A_259 = arith.constant 32 : index
        %parallel_loop3A_260 = tpu.vector_load %arg19[%parallel_loop3A_258, %parallel_loop3A_259] {strides = array<i32>} : memref<80x128xf32, #tpu.memory_space<vmem>>, vector<16xf32>,
        %parallel_loop3A_261 = arith.addf %parallel_loop3A_222, %parallel_loop3A_260 : vector<16xf32>
        %parallel_loop3A_262 = arith.constant 2.000000e-01 : f32
        %parallel_loop3A_263 = vector.broadcast %parallel_loop3A_262 : f32 to vector<16xf32>
        %parallel_loop3A_264 = arith.mulf %parallel_loop3A_263, %parallel_loop3A_261 : vector<16xf32>
        %parallel_loop3A_265 = arith.maximumf %parallel_loop3A_261, %parallel_loop3A_264 : vector<16xf32>
        %parallel_loop3A_266 = arith.mulf %parallel_loop3A_265, %get3A_46 : vector<16xf32>
        %parallel_loop3A_267 = arith.addf %parallel_loop3A_257, %parallel_loop3A_266 : vector<16xf32>
        %parallel_loop3A_268 = arith.index_cast %parallel_loop3A_210 : i32 to index
        %parallel_loop3A_269 = arith.constant 48 : index
        %parallel_loop3A_270 = tpu.vector_load %arg19[%parallel_loop3A_268, %parallel_loop3A_269] {strides = array<i32>} : memref<80x128xf32, #tpu.memory_space<vmem>>, vector<16xf32>,
        %parallel_loop3A_271 = arith.addf %parallel_loop3A_225, %parallel_loop3A_270 : vector<16xf32>
        %parallel_loop3A_272 = arith.constant 2.000000e-01 : f32
        %parallel_loop3A_273 = vector.broadcast %parallel_loop3A_272 : f32 to vector<16xf32>
        %parallel_loop3A_274 = arith.mulf %parallel_loop3A_273, %parallel_loop3A_271 : vector<16xf32>
        %parallel_loop3A_275 = arith.maximumf %parallel_loop3A_271, %parallel_loop3A_274 : vector<16xf32>
        %parallel_loop3A_276 = arith.mulf %parallel_loop3A_275, %get3A_48 : vector<16xf32>
        %parallel_loop3A_277 = arith.addf %parallel_loop3A_267, %parallel_loop3A_276 : vector<16xf32>
        %parallel_loop3A_278 = arith.index_cast %parallel_loop3A_210 : i32 to index
        %parallel_loop3A_279 = arith.constant 64 : index
        %parallel_loop3A_280 = tpu.vector_load %arg19[%parallel_loop3A_278, %parallel_loop3A_279] {strides = array<i32>} : memref<80x128xf32, #tpu.memory_space<vmem>>, vector<16xf32>,
        %parallel_loop3A_281 = arith.addf %parallel_loop3A_228, %parallel_loop3A_280 : vector<16xf32>
        %parallel_loop3A_282 = arith.constant 2.000000e-01 : f32
        %parallel_loop3A_283 = vector.broadcast %parallel_loop3A_282 : f32 to vector<16xf32>
        %parallel_loop3A_284 = arith.mulf %parallel_loop3A_283, %parallel_loop3A_281 : vector<16xf32>
        %parallel_loop3A_285 = arith.maximumf %parallel_loop3A_281, %parallel_loop3A_284 : vector<16xf32>
        %parallel_loop3A_286 = arith.mulf %parallel_loop3A_285, %get3A_50 : vector<16xf32>
        %parallel_loop3A_287 = arith.addf %parallel_loop3A_277, %parallel_loop3A_286 : vector<16xf32>
        %parallel_loop3A_288 = arith.index_cast %parallel_loop3A_210 : i32 to index
        %parallel_loop3A_289 = arith.constant 80 : index
        %parallel_loop3A_290 = tpu.vector_load %arg19[%parallel_loop3A_288, %parallel_loop3A_289] {strides = array<i32>} : memref<80x128xf32, #tpu.memory_space<vmem>>, vector<16xf32>,
        %parallel_loop3A_291 = arith.addf %parallel_loop3A_231, %parallel_loop3A_290 : vector<16xf32>
        %parallel_loop3A_292 = arith.constant 2.000000e-01 : f32
        %parallel_loop3A_293 = vector.broadcast %parallel_loop3A_292 : f32 to vector<16xf32>
        %parallel_loop3A_294 = arith.mulf %parallel_loop3A_293, %parallel_loop3A_291 : vector<16xf32>
        %parallel_loop3A_295 = arith.maximumf %parallel_loop3A_291, %parallel_loop3A_294 : vector<16xf32>
        %parallel_loop3A_296 = arith.mulf %parallel_loop3A_295, %get3A_52 : vector<16xf32>
        %parallel_loop3A_297 = arith.addf %parallel_loop3A_287, %parallel_loop3A_296 : vector<16xf32>
        %parallel_loop3A_298 = arith.index_cast %parallel_loop3A_210 : i32 to index
        %parallel_loop3A_299 = arith.constant 96 : index
        %parallel_loop3A_300 = tpu.vector_load %arg19[%parallel_loop3A_298, %parallel_loop3A_299] {strides = array<i32>} : memref<80x128xf32, #tpu.memory_space<vmem>>, vector<16xf32>,
        %parallel_loop3A_301 = arith.addf %parallel_loop3A_234, %parallel_loop3A_300 : vector<16xf32>
        %parallel_loop3A_302 = arith.constant 2.000000e-01 : f32
        %parallel_loop3A_303 = vector.broadcast %parallel_loop3A_302 : f32 to vector<16xf32>
        %parallel_loop3A_304 = arith.mulf %parallel_loop3A_303, %parallel_loop3A_301 : vector<16xf32>
        %parallel_loop3A_305 = arith.maximumf %parallel_loop3A_301, %parallel_loop3A_304 : vector<16xf32>
        %parallel_loop3A_306 = arith.mulf %parallel_loop3A_305, %get3A_54 : vector<16xf32>
        %parallel_loop3A_307 = arith.addf %parallel_loop3A_297, %parallel_loop3A_306 : vector<16xf32>
        %parallel_loop3A_308 = arith.index_cast %parallel_loop3A_210 : i32 to index
        %parallel_loop3A_309 = arith.constant 112 : index
        %parallel_loop3A_310 = tpu.vector_load %arg19[%parallel_loop3A_308, %parallel_loop3A_309] {strides = array<i32>} : memref<80x128xf32, #tpu.memory_space<vmem>>, vector<16xf32>,
        %parallel_loop3A_311 = arith.addf %parallel_loop3A_237, %parallel_loop3A_310 : vector<16xf32>
        %parallel_loop3A_312 = arith.constant 2.000000e-01 : f32
        %parallel_loop3A_313 = vector.broadcast %parallel_loop3A_312 : f32 to vector<16xf32>
        %parallel_loop3A_314 = arith.mulf %parallel_loop3A_313, %parallel_loop3A_311 : vector<16xf32>
        %parallel_loop3A_315 = arith.maximumf %parallel_loop3A_311, %parallel_loop3A_314 : vector<16xf32>
        %parallel_loop3A_316 = arith.mulf %parallel_loop3A_315, %get3A_56 : vector<16xf32>
        %parallel_loop3A_317 = arith.addf %parallel_loop3A_307, %parallel_loop3A_316 : vector<16xf32>
        %parallel_loop3A_318 = arith.constant true
        %parallel_loop3A_319 = vector.broadcast %parallel_loop3A_318 : i1 to vector<16xi1>
        %parallel_loop3A_320 = tpu.scan <sum>, %parallel_loop3A_317 masked %parallel_loop3A_319 : vector<16xf32>, vector<16xi1> -> vector<16xf32>
        %parallel_loop3A_321 = vector.extract %parallel_loop3A_320[15] : f32 from vector<16xf32>
        %parallel_loop3A_322 = arith.cmpi ne, %parallel_loop3A_212, %parallel_loop3A_213 : vector<16xi32>
        %parallel_loop3A_323 = vector.broadcast %parallel_loop3A_321 : f32 to vector<16xf32>
        %parallel_loop3A_324 = math.exp %parallel_loop3A_323 : vector<16xf32>
        %parallel_loop3A_325 = arith.constant 0.000000e+00 : f32
        %parallel_loop3A_326 = vector.broadcast %parallel_loop3A_325 : f32 to vector<16xf32>
        %parallel_loop3A_327 = arith.select %parallel_loop3A_322, %parallel_loop3A_324, %parallel_loop3A_326 : vector<16xi1>, vector<16xf32>
        %parallel_loop3A_328 = arith.mulf %parallel_loop3A_216, %parallel_loop3A_327 : vector<16xf32>
        %parallel_loop3A_329 = arith.index_cast %parallel_loop3A_210 : i32 to index
        %parallel_loop3A_330 = arith.constant 0 : index
        %parallel_loop3A_331 = tpu.vector_load %arg18[%parallel_loop3A_329, %parallel_loop3A_330] {strides = array<i32>} : memref<80x128xf32, #tpu.memory_space<vmem>>, vector<16xf32>,
        tpu.vector_store %arg18[%parallel_loop3A_329, %parallel_loop3A_330], %parallel_loop3A_328 {strides = array<i32>} : memref<80x128xf32, #tpu.memory_space<vmem>>, vector<16xf32>,
        %parallel_loop3A_332 = arith.mulf %parallel_loop3A_219, %parallel_loop3A_327 : vector<16xf32>
        %parallel_loop3A_333 = arith.index_cast %parallel_loop3A_210 : i32 to index
        %parallel_loop3A_334 = arith.constant 16 : index
        %parallel_loop3A_335 = tpu.vector_load %arg18[%parallel_loop3A_333, %parallel_loop3A_334] {strides = array<i32>} : memref<80x128xf32, #tpu.memory_space<vmem>>, vector<16xf32>,
        tpu.vector_store %arg18[%parallel_loop3A_333, %parallel_loop3A_334], %parallel_loop3A_332 {strides = array<i32>} : memref<80x128xf32, #tpu.memory_space<vmem>>, vector<16xf32>,
        %parallel_loop3A_336 = arith.mulf %parallel_loop3A_222, %parallel_loop3A_327 : vector<16xf32>
        %parallel_loop3A_337 = arith.index_cast %parallel_loop3A_210 : i32 to index
        %parallel_loop3A_338 = arith.constant 32 : index
        %parallel_loop3A_339 = tpu.vector_load %arg18[%parallel_loop3A_337, %parallel_loop3A_338] {strides = array<i32>} : memref<80x128xf32, #tpu.memory_space<vmem>>, vector<16xf32>,
        tpu.vector_store %arg18[%parallel_loop3A_337, %parallel_loop3A_338], %parallel_loop3A_336 {strides = array<i32>} : memref<80x128xf32, #tpu.memory_space<vmem>>, vector<16xf32>,
        %parallel_loop3A_340 = arith.mulf %parallel_loop3A_225, %parallel_loop3A_327 : vector<16xf32>
        %parallel_loop3A_341 = arith.index_cast %parallel_loop3A_210 : i32 to index
        %parallel_loop3A_342 = arith.constant 48 : index
        %parallel_loop3A_343 = tpu.vector_load %arg18[%parallel_loop3A_341, %parallel_loop3A_342] {strides = array<i32>} : memref<80x128xf32, #tpu.memory_space<vmem>>, vector<16xf32>,
        tpu.vector_store %arg18[%parallel_loop3A_341, %parallel_loop3A_342], %parallel_loop3A_340 {strides = array<i32>} : memref<80x128xf32, #tpu.memory_space<vmem>>, vector<16xf32>,
        %parallel_loop3A_344 = arith.mulf %parallel_loop3A_228, %parallel_loop3A_327 : vector<16xf32>
        %parallel_loop3A_345 = arith.index_cast %parallel_loop3A_210 : i32 to index
        %parallel_loop3A_346 = arith.constant 64 : index
        %parallel_loop3A_347 = tpu.vector_load %arg18[%parallel_loop3A_345, %parallel_loop3A_346] {strides = array<i32>} : memref<80x128xf32, #tpu.memory_space<vmem>>, vector<16xf32>,
        tpu.vector_store %arg18[%parallel_loop3A_345, %parallel_loop3A_346], %parallel_loop3A_344 {strides = array<i32>} : memref<80x128xf32, #tpu.memory_space<vmem>>, vector<16xf32>,
        %parallel_loop3A_348 = arith.mulf %parallel_loop3A_231, %parallel_loop3A_327 : vector<16xf32>
        %parallel_loop3A_349 = arith.index_cast %parallel_loop3A_210 : i32 to index
        %parallel_loop3A_350 = arith.constant 80 : index
        %parallel_loop3A_351 = tpu.vector_load %arg18[%parallel_loop3A_349, %parallel_loop3A_350] {strides = array<i32>} : memref<80x128xf32, #tpu.memory_space<vmem>>, vector<16xf32>,
        tpu.vector_store %arg18[%parallel_loop3A_349, %parallel_loop3A_350], %parallel_loop3A_348 {strides = array<i32>} : memref<80x128xf32, #tpu.memory_space<vmem>>, vector<16xf32>,
        %parallel_loop3A_352 = arith.mulf %parallel_loop3A_234, %parallel_loop3A_327 : vector<16xf32>
        %parallel_loop3A_353 = arith.index_cast %parallel_loop3A_210 : i32 to index
        %parallel_loop3A_354 = arith.constant 96 : index
        %parallel_loop3A_355 = tpu.vector_load %arg18[%parallel_loop3A_353, %parallel_loop3A_354] {strides = array<i32>} : memref<80x128xf32, #tpu.memory_space<vmem>>, vector<16xf32>,
        tpu.vector_store %arg18[%parallel_loop3A_353, %parallel_loop3A_354], %parallel_loop3A_352 {strides = array<i32>} : memref<80x128xf32, #tpu.memory_space<vmem>>, vector<16xf32>,
        %parallel_loop3A_356 = arith.mulf %parallel_loop3A_237, %parallel_loop3A_327 : vector<16xf32>
        %parallel_loop3A_357 = arith.index_cast %parallel_loop3A_210 : i32 to index
        %parallel_loop3A_358 = arith.constant 112 : index
        %parallel_loop3A_359 = tpu.vector_load %arg18[%parallel_loop3A_357, %parallel_loop3A_358] {strides = array<i32>} : memref<80x128xf32, #tpu.memory_space<vmem>>, vector<16xf32>,
        tpu.vector_store %arg18[%parallel_loop3A_357, %parallel_loop3A_358], %parallel_loop3A_356 {strides = array<i32>} : memref<80x128xf32, #tpu.memory_space<vmem>>, vector<16xf32>,
        tpu.vector_store_idx %arg21[%parallel_loop3A_211], %parallel_loop3A_327 masked %eq3A_59 : memref<80xf32, #tpu.memory_space<vmem>>[vector<16xi32>], vector<16xf32>, vector<16xi1>
      } {sc.loop_unroll_factor = 1 : i64, sc.parallel_access}
      %add3A_197 = arith.constant 2 : i32
      %add3A_198 = arith.addi %add3A_173, %add3A_197 : i32
      %lt3A_199 = arith.constant 125 : i32
      %lt3A_200 = arith.cmpi slt, %add3A_198, %lt3A_199 : i32
      %convert_element_type3A_201 = arith.extui %lt3A_200 : i1 to i32
      %cond3A_202 = arith.constant 0 : i32
      %cond3A_203 = arith.cmpi ne, %convert_element_type3A_201, %cond3A_202 : i32
      scf.if %cond3A_203 {
        %add3A_210 = arith.constant 2 : i32
        %add3A_211 = arith.addi %add3A_173, %add3A_210 : i32
        %mul3A_212 = arith.constant 80 : i32
        %mul3A_213 = arith.muli %add3A_211, %mul3A_212 : i32
        %add3A_214 = arith.addi %mul3A_61, %mul3A_213 : i32
        %dma_start3A_215 = tpu.memref_slice %arg5[%add3A_214] : memref<320000xi32, #tpu.memory_space<hbm>> -> memref<80xi32, #tpu.memory_space<hbm>>
        %dma_start3A_216 = tpu.memref_slice %arg5[%add3A_214] : memref<320000xi32, #tpu.memory_space<hbm>> -> memref<80xi32, #tpu.memory_space<hbm>>
        tpu.enqueue_dma source(%dma_start3A_216 : memref<80xi32, #tpu.memory_space<hbm>>) target(%arg12 : memref<80xi32, #tpu.memory_space<vmem>>) target_semaphore(%arg30 : memref<!tpu.dma_semaphore, #tpu.memory_space<semaphore_mem>>)
        %mul3A_217 = arith.constant 80 : i32
        %mul3A_218 = arith.muli %add3A_211, %mul3A_217 : i32
        %add3A_219 = arith.addi %mul3A_61, %mul3A_218 : i32
        %dma_start3A_220 = tpu.memref_slice %arg6[%add3A_219] : memref<320000xi32, #tpu.memory_space<hbm>> -> memref<80xi32, #tpu.memory_space<hbm>>
        %dma_start3A_221 = tpu.memref_slice %arg6[%add3A_219] : memref<320000xi32, #tpu.memory_space<hbm>> -> memref<80xi32, #tpu.memory_space<hbm>>
        tpu.enqueue_dma source(%dma_start3A_221 : memref<80xi32, #tpu.memory_space<hbm>>) target(%arg13 : memref<80xi32, #tpu.memory_space<vmem>>) target_semaphore(%arg30 : memref<!tpu.dma_semaphore, #tpu.memory_space<semaphore_mem>>)
      } else {
      }
      %dma_start3A_204 = arith.constant 0 : i32
      %dma_start3A_205 = arith.constant 0 : i32
      %dma_start3A_206 = tpu.memref_slice %arg25[%dma_start3A_204, %dma_start3A_205] : memref<10000x128xf32, #tpu.memory_space<vmem_shared>> -> memref<10000x128xf32, #tpu.memory_space<vmem_shared>>
      tpu.enqueue_indirect_dma source(%arg18 : memref<80x128xf32, #tpu.memory_space<vmem>>) target(%dma_start3A_206 : memref<10000x128xf32, #tpu.memory_space<vmem_shared>>) offsets(%arg15 : memref<80xi32, #tpu.memory_space<vmem>>) semaphore(%arg32 : memref<!tpu.dma_semaphore, #tpu.memory_space<semaphore_mem>>) {add = true}
      %dma_start3A_207 = arith.constant 0 : i32
      %dma_start3A_208 = tpu.memref_slice %arg26[%dma_start3A_207] : memref<10000xf32, #tpu.memory_space<vmem_shared>> -> memref<10000xf32, #tpu.memory_space<vmem_shared>>
      tpu.enqueue_indirect_dma source(%arg21 : memref<80xf32, #tpu.memory_space<vmem>>) target(%dma_start3A_208 : memref<10000xf32, #tpu.memory_space<vmem_shared>>) offsets(%arg15 : memref<80xi32, #tpu.memory_space<vmem>>) semaphore(%arg32 : memref<!tpu.dma_semaphore, #tpu.memory_space<semaphore_mem>>) {add = true}
      %scan3A_209 = arith.constant 0 : i32
      scf.yield %scan3A_209 : i32
    }
    %scan3A_81 = arith.constant 62 : i32
    %dma_wait3A = arith.constant 0 : i32
    %dma_wait3A_82 = arith.constant 0 : i32
    %dma_wait3A_83 = tpu.memref_slice %arg2[%dma_wait3A, %dma_wait3A_82] : memref<10000x128xf32, #tpu.memory_space<hbm>> -> memref<10000x128xf32, #tpu.memory_space<hbm>>
    tpu.wait_indirect_dma semaphore(%arg27 : memref<!tpu.dma_semaphore, #tpu.memory_space<semaphore_mem>>) src(%dma_wait3A_83 : memref<10000x128xf32, #tpu.memory_space<hbm>>) dst(%arg16 : memref<80x128xf32, #tpu.memory_space<vmem>>)
    %dma_wait3A_84 = arith.constant 0 : i32
    %dma_wait3A_85 = arith.constant 0 : i32
    %dma_wait3A_86 = tpu.memref_slice %arg3[%dma_wait3A_84, %dma_wait3A_85] : memref<10000x128xf32, #tpu.memory_space<hbm>> -> memref<10000x128xf32, #tpu.memory_space<hbm>>
    tpu.wait_indirect_dma semaphore(%arg27 : memref<!tpu.dma_semaphore, #tpu.memory_space<semaphore_mem>>) src(%dma_wait3A_86 : memref<10000x128xf32, #tpu.memory_space<hbm>>) dst(%arg17 : memref<80x128xf32, #tpu.memory_space<vmem>>)
    %scan3A_87 = arith.constant 0 : i32
    %scan3A_88 = arith.constant 0 : i32
    %scan3A_89 = arith.constant 5 : i32
    %scan3A_90 = arith.addi %scan3A_88, %scan3A_89 : i32
    %scan3A_91 = arith.constant 1 : i32
    %scan3A_92 = scf.for %scan3A_129 = %scan3A_88 to %scan3A_90 step %scan3A_91 iter_args(%scan3A_130 = %scan3A_87) -> (i32)  : i32 {
      %mul3A_131 = arith.constant 16 : i32
      %mul3A_132 = arith.muli %scan3A_129, %mul3A_131 : i32
      %get3A_133 = arith.index_cast %mul3A_132 : i32 to index
      %get3A_134 = tpu.vector_load %arg11[%get3A_133] {strides = array<i32>} : memref<80xi32, #tpu.memory_space<vmem>>, vector<16xi32>,
      %mul3A_135 = arith.constant 16 : i32
      %mul3A_136 = arith.muli %scan3A_129, %mul3A_135 : i32
      %swap3A = arith.index_cast %mul3A_136 : i32 to index
      %swap3A_137 = tpu.vector_load %arg14[%swap3A] {strides = array<i32>} : memref<80xi32, #tpu.memory_space<vmem>>, vector<16xi32>,
      tpu.vector_store %arg14[%swap3A], %get3A_134 {strides = array<i32>} : memref<80xi32, #tpu.memory_space<vmem>>, vector<16xi32>,
      %scan3A_138 = arith.constant 0 : i32
      scf.yield %scan3A_138 : i32
    }
    %scan3A_93 = arith.constant 5 : i32
    %parallel_loop3A = arith.constant 0 : i32
    %parallel_loop3A_94 = arith.constant 80 : i32
    %parallel_loop3A_95 = arith.constant 1 : i32
    scf.for %parallel_loop3A_129 = %parallel_loop3A to %parallel_loop3A_94 step %parallel_loop3A_95  : i32 {
      %parallel_loop3A_130 = vector.broadcast %parallel_loop3A_129 : i32 to vector<16xi32>
      %parallel_loop3A_131 = tpu.vector_load_idx %arg10[%parallel_loop3A_130] : memref<80xi32, #tpu.memory_space<vmem>>[vector<16xi32>], vector<16xi32>,
      %parallel_loop3A_132 = tpu.vector_load_idx %arg11[%parallel_loop3A_130] : memref<80xi32, #tpu.memory_space<vmem>>[vector<16xi32>], vector<16xi32>,
      %parallel_loop3A_133 = arith.index_cast %parallel_loop3A_129 : i32 to index
      %parallel_loop3A_134 = arith.constant 0 : index
      %parallel_loop3A_135 = tpu.vector_load %arg16[%parallel_loop3A_133, %parallel_loop3A_134] {strides = array<i32>} : memref<80x128xf32, #tpu.memory_space<vmem>>, vector<16xf32>,
      %parallel_loop3A_136 = arith.index_cast %parallel_loop3A_129 : i32 to index
      %parallel_loop3A_137 = arith.constant 16 : index
      %parallel_loop3A_138 = tpu.vector_load %arg16[%parallel_loop3A_136, %parallel_loop3A_137] {strides = array<i32>} : memref<80x128xf32, #tpu.memory_space<vmem>>, vector<16xf32>,
      %parallel_loop3A_139 = arith.index_cast %parallel_loop3A_129 : i32 to index
      %parallel_loop3A_140 = arith.constant 32 : index
      %parallel_loop3A_141 = tpu.vector_load %arg16[%parallel_loop3A_139, %parallel_loop3A_140] {strides = array<i32>} : memref<80x128xf32, #tpu.memory_space<vmem>>, vector<16xf32>,
      %parallel_loop3A_142 = arith.index_cast %parallel_loop3A_129 : i32 to index
      %parallel_loop3A_143 = arith.constant 48 : index
      %parallel_loop3A_144 = tpu.vector_load %arg16[%parallel_loop3A_142, %parallel_loop3A_143] {strides = array<i32>} : memref<80x128xf32, #tpu.memory_space<vmem>>, vector<16xf32>,
      %parallel_loop3A_145 = arith.index_cast %parallel_loop3A_129 : i32 to index
      %parallel_loop3A_146 = arith.constant 64 : index
      %parallel_loop3A_147 = tpu.vector_load %arg16[%parallel_loop3A_145, %parallel_loop3A_146] {strides = array<i32>} : memref<80x128xf32, #tpu.memory_space<vmem>>, vector<16xf32>,
      %parallel_loop3A_148 = arith.index_cast %parallel_loop3A_129 : i32 to index
      %parallel_loop3A_149 = arith.constant 80 : index
      %parallel_loop3A_150 = tpu.vector_load %arg16[%parallel_loop3A_148, %parallel_loop3A_149] {strides = array<i32>} : memref<80x128xf32, #tpu.memory_space<vmem>>, vector<16xf32>,
      %parallel_loop3A_151 = arith.index_cast %parallel_loop3A_129 : i32 to index
      %parallel_loop3A_152 = arith.constant 96 : index
      %parallel_loop3A_153 = tpu.vector_load %arg16[%parallel_loop3A_151, %parallel_loop3A_152] {strides = array<i32>} : memref<80x128xf32, #tpu.memory_space<vmem>>, vector<16xf32>,
      %parallel_loop3A_154 = arith.index_cast %parallel_loop3A_129 : i32 to index
      %parallel_loop3A_155 = arith.constant 112 : index
      %parallel_loop3A_156 = tpu.vector_load %arg16[%parallel_loop3A_154, %parallel_loop3A_155] {strides = array<i32>} : memref<80x128xf32, #tpu.memory_space<vmem>>, vector<16xf32>,
      %parallel_loop3A_157 = arith.index_cast %parallel_loop3A_129 : i32 to index
      %parallel_loop3A_158 = arith.constant 0 : index
      %parallel_loop3A_159 = tpu.vector_load %arg17[%parallel_loop3A_157, %parallel_loop3A_158] {strides = array<i32>} : memref<80x128xf32, #tpu.memory_space<vmem>>, vector<16xf32>,
      %parallel_loop3A_160 = arith.addf %parallel_loop3A_135, %parallel_loop3A_159 : vector<16xf32>
      %parallel_loop3A_161 = arith.constant 2.000000e-01 : f32
      %parallel_loop3A_162 = vector.broadcast %parallel_loop3A_161 : f32 to vector<16xf32>
      %parallel_loop3A_163 = arith.mulf %parallel_loop3A_162, %parallel_loop3A_160 : vector<16xf32>
      %parallel_loop3A_164 = arith.maximumf %parallel_loop3A_160, %parallel_loop3A_163 : vector<16xf32>
      %parallel_loop3A_165 = arith.mulf %parallel_loop3A_164, %get3A_42 : vector<16xf32>
      %parallel_loop3A_166 = arith.addf %broadcast_in_dim3A_1, %parallel_loop3A_165 : vector<16xf32>
      %parallel_loop3A_167 = arith.index_cast %parallel_loop3A_129 : i32 to index
      %parallel_loop3A_168 = arith.constant 16 : index
      %parallel_loop3A_169 = tpu.vector_load %arg17[%parallel_loop3A_167, %parallel_loop3A_168] {strides = array<i32>} : memref<80x128xf32, #tpu.memory_space<vmem>>, vector<16xf32>,
      %parallel_loop3A_170 = arith.addf %parallel_loop3A_138, %parallel_loop3A_169 : vector<16xf32>
      %parallel_loop3A_171 = arith.constant 2.000000e-01 : f32
      %parallel_loop3A_172 = vector.broadcast %parallel_loop3A_171 : f32 to vector<16xf32>
      %parallel_loop3A_173 = arith.mulf %parallel_loop3A_172, %parallel_loop3A_170 : vector<16xf32>
      %parallel_loop3A_174 = arith.maximumf %parallel_loop3A_170, %parallel_loop3A_173 : vector<16xf32>
      %parallel_loop3A_175 = arith.mulf %parallel_loop3A_174, %get3A_44 : vector<16xf32>
      %parallel_loop3A_176 = arith.addf %parallel_loop3A_166, %parallel_loop3A_175 : vector<16xf32>
      %parallel_loop3A_177 = arith.index_cast %parallel_loop3A_129 : i32 to index
      %parallel_loop3A_178 = arith.constant 32 : index
      %parallel_loop3A_179 = tpu.vector_load %arg17[%parallel_loop3A_177, %parallel_loop3A_178] {strides = array<i32>} : memref<80x128xf32, #tpu.memory_space<vmem>>, vector<16xf32>,
      %parallel_loop3A_180 = arith.addf %parallel_loop3A_141, %parallel_loop3A_179 : vector<16xf32>
      %parallel_loop3A_181 = arith.constant 2.000000e-01 : f32
      %parallel_loop3A_182 = vector.broadcast %parallel_loop3A_181 : f32 to vector<16xf32>
      %parallel_loop3A_183 = arith.mulf %parallel_loop3A_182, %parallel_loop3A_180 : vector<16xf32>
      %parallel_loop3A_184 = arith.maximumf %parallel_loop3A_180, %parallel_loop3A_183 : vector<16xf32>
      %parallel_loop3A_185 = arith.mulf %parallel_loop3A_184, %get3A_46 : vector<16xf32>
      %parallel_loop3A_186 = arith.addf %parallel_loop3A_176, %parallel_loop3A_185 : vector<16xf32>
      %parallel_loop3A_187 = arith.index_cast %parallel_loop3A_129 : i32 to index
      %parallel_loop3A_188 = arith.constant 48 : index
      %parallel_loop3A_189 = tpu.vector_load %arg17[%parallel_loop3A_187, %parallel_loop3A_188] {strides = array<i32>} : memref<80x128xf32, #tpu.memory_space<vmem>>, vector<16xf32>,
      %parallel_loop3A_190 = arith.addf %parallel_loop3A_144, %parallel_loop3A_189 : vector<16xf32>
      %parallel_loop3A_191 = arith.constant 2.000000e-01 : f32
      %parallel_loop3A_192 = vector.broadcast %parallel_loop3A_191 : f32 to vector<16xf32>
      %parallel_loop3A_193 = arith.mulf %parallel_loop3A_192, %parallel_loop3A_190 : vector<16xf32>
      %parallel_loop3A_194 = arith.maximumf %parallel_loop3A_190, %parallel_loop3A_193 : vector<16xf32>
      %parallel_loop3A_195 = arith.mulf %parallel_loop3A_194, %get3A_48 : vector<16xf32>
      %parallel_loop3A_196 = arith.addf %parallel_loop3A_186, %parallel_loop3A_195 : vector<16xf32>
      %parallel_loop3A_197 = arith.index_cast %parallel_loop3A_129 : i32 to index
      %parallel_loop3A_198 = arith.constant 64 : index
      %parallel_loop3A_199 = tpu.vector_load %arg17[%parallel_loop3A_197, %parallel_loop3A_198] {strides = array<i32>} : memref<80x128xf32, #tpu.memory_space<vmem>>, vector<16xf32>,
      %parallel_loop3A_200 = arith.addf %parallel_loop3A_147, %parallel_loop3A_199 : vector<16xf32>
      %parallel_loop3A_201 = arith.constant 2.000000e-01 : f32
      %parallel_loop3A_202 = vector.broadcast %parallel_loop3A_201 : f32 to vector<16xf32>
      %parallel_loop3A_203 = arith.mulf %parallel_loop3A_202, %parallel_loop3A_200 : vector<16xf32>
      %parallel_loop3A_204 = arith.maximumf %parallel_loop3A_200, %parallel_loop3A_203 : vector<16xf32>
      %parallel_loop3A_205 = arith.mulf %parallel_loop3A_204, %get3A_50 : vector<16xf32>
      %parallel_loop3A_206 = arith.addf %parallel_loop3A_196, %parallel_loop3A_205 : vector<16xf32>
      %parallel_loop3A_207 = arith.index_cast %parallel_loop3A_129 : i32 to index
      %parallel_loop3A_208 = arith.constant 80 : index
      %parallel_loop3A_209 = tpu.vector_load %arg17[%parallel_loop3A_207, %parallel_loop3A_208] {strides = array<i32>} : memref<80x128xf32, #tpu.memory_space<vmem>>, vector<16xf32>,
      %parallel_loop3A_210 = arith.addf %parallel_loop3A_150, %parallel_loop3A_209 : vector<16xf32>
      %parallel_loop3A_211 = arith.constant 2.000000e-01 : f32
      %parallel_loop3A_212 = vector.broadcast %parallel_loop3A_211 : f32 to vector<16xf32>
      %parallel_loop3A_213 = arith.mulf %parallel_loop3A_212, %parallel_loop3A_210 : vector<16xf32>
      %parallel_loop3A_214 = arith.maximumf %parallel_loop3A_210, %parallel_loop3A_213 : vector<16xf32>
      %parallel_loop3A_215 = arith.mulf %parallel_loop3A_214, %get3A_52 : vector<16xf32>
      %parallel_loop3A_216 = arith.addf %parallel_loop3A_206, %parallel_loop3A_215 : vector<16xf32>
      %parallel_loop3A_217 = arith.index_cast %parallel_loop3A_129 : i32 to index
      %parallel_loop3A_218 = arith.constant 96 : index
      %parallel_loop3A_219 = tpu.vector_load %arg17[%parallel_loop3A_217, %parallel_loop3A_218] {strides = array<i32>} : memref<80x128xf32, #tpu.memory_space<vmem>>, vector<16xf32>,
      %parallel_loop3A_220 = arith.addf %parallel_loop3A_153, %parallel_loop3A_219 : vector<16xf32>
      %parallel_loop3A_221 = arith.constant 2.000000e-01 : f32
      %parallel_loop3A_222 = vector.broadcast %parallel_loop3A_221 : f32 to vector<16xf32>
      %parallel_loop3A_223 = arith.mulf %parallel_loop3A_222, %parallel_loop3A_220 : vector<16xf32>
      %parallel_loop3A_224 = arith.maximumf %parallel_loop3A_220, %parallel_loop3A_223 : vector<16xf32>
      %parallel_loop3A_225 = arith.mulf %parallel_loop3A_224, %get3A_54 : vector<16xf32>
      %parallel_loop3A_226 = arith.addf %parallel_loop3A_216, %parallel_loop3A_225 : vector<16xf32>
      %parallel_loop3A_227 = arith.index_cast %parallel_loop3A_129 : i32 to index
      %parallel_loop3A_228 = arith.constant 112 : index
      %parallel_loop3A_229 = tpu.vector_load %arg17[%parallel_loop3A_227, %parallel_loop3A_228] {strides = array<i32>} : memref<80x128xf32, #tpu.memory_space<vmem>>, vector<16xf32>,
      %parallel_loop3A_230 = arith.addf %parallel_loop3A_156, %parallel_loop3A_229 : vector<16xf32>
      %parallel_loop3A_231 = arith.constant 2.000000e-01 : f32
      %parallel_loop3A_232 = vector.broadcast %parallel_loop3A_231 : f32 to vector<16xf32>
      %parallel_loop3A_233 = arith.mulf %parallel_loop3A_232, %parallel_loop3A_230 : vector<16xf32>
      %parallel_loop3A_234 = arith.maximumf %parallel_loop3A_230, %parallel_loop3A_233 : vector<16xf32>
      %parallel_loop3A_235 = arith.mulf %parallel_loop3A_234, %get3A_56 : vector<16xf32>
      %parallel_loop3A_236 = arith.addf %parallel_loop3A_226, %parallel_loop3A_235 : vector<16xf32>
      %parallel_loop3A_237 = arith.constant true
      %parallel_loop3A_238 = vector.broadcast %parallel_loop3A_237 : i1 to vector<16xi1>
      %parallel_loop3A_239 = tpu.scan <sum>, %parallel_loop3A_236 masked %parallel_loop3A_238 : vector<16xf32>, vector<16xi1> -> vector<16xf32>
      %parallel_loop3A_240 = vector.extract %parallel_loop3A_239[15] : f32 from vector<16xf32>
      %parallel_loop3A_241 = arith.cmpi ne, %parallel_loop3A_131, %parallel_loop3A_132 : vector<16xi32>
      %parallel_loop3A_242 = vector.broadcast %parallel_loop3A_240 : f32 to vector<16xf32>
      %parallel_loop3A_243 = math.exp %parallel_loop3A_242 : vector<16xf32>
      %parallel_loop3A_244 = arith.constant 0.000000e+00 : f32
      %parallel_loop3A_245 = vector.broadcast %parallel_loop3A_244 : f32 to vector<16xf32>
      %parallel_loop3A_246 = arith.select %parallel_loop3A_241, %parallel_loop3A_243, %parallel_loop3A_245 : vector<16xi1>, vector<16xf32>
      %parallel_loop3A_247 = arith.mulf %parallel_loop3A_135, %parallel_loop3A_246 : vector<16xf32>
      %parallel_loop3A_248 = arith.index_cast %parallel_loop3A_129 : i32 to index
      %parallel_loop3A_249 = arith.constant 0 : index
      %parallel_loop3A_250 = tpu.vector_load %arg16[%parallel_loop3A_248, %parallel_loop3A_249] {strides = array<i32>} : memref<80x128xf32, #tpu.memory_space<vmem>>, vector<16xf32>,
      tpu.vector_store %arg16[%parallel_loop3A_248, %parallel_loop3A_249], %parallel_loop3A_247 {strides = array<i32>} : memref<80x128xf32, #tpu.memory_space<vmem>>, vector<16xf32>,
      %parallel_loop3A_251 = arith.mulf %parallel_loop3A_138, %parallel_loop3A_246 : vector<16xf32>
      %parallel_loop3A_252 = arith.index_cast %parallel_loop3A_129 : i32 to index
      %parallel_loop3A_253 = arith.constant 16 : index
      %parallel_loop3A_254 = tpu.vector_load %arg16[%parallel_loop3A_252, %parallel_loop3A_253] {strides = array<i32>} : memref<80x128xf32, #tpu.memory_space<vmem>>, vector<16xf32>,
      tpu.vector_store %arg16[%parallel_loop3A_252, %parallel_loop3A_253], %parallel_loop3A_251 {strides = array<i32>} : memref<80x128xf32, #tpu.memory_space<vmem>>, vector<16xf32>,
      %parallel_loop3A_255 = arith.mulf %parallel_loop3A_141, %parallel_loop3A_246 : vector<16xf32>
      %parallel_loop3A_256 = arith.index_cast %parallel_loop3A_129 : i32 to index
      %parallel_loop3A_257 = arith.constant 32 : index
      %parallel_loop3A_258 = tpu.vector_load %arg16[%parallel_loop3A_256, %parallel_loop3A_257] {strides = array<i32>} : memref<80x128xf32, #tpu.memory_space<vmem>>, vector<16xf32>,
      tpu.vector_store %arg16[%parallel_loop3A_256, %parallel_loop3A_257], %parallel_loop3A_255 {strides = array<i32>} : memref<80x128xf32, #tpu.memory_space<vmem>>, vector<16xf32>,
      %parallel_loop3A_259 = arith.mulf %parallel_loop3A_144, %parallel_loop3A_246 : vector<16xf32>
      %parallel_loop3A_260 = arith.index_cast %parallel_loop3A_129 : i32 to index
      %parallel_loop3A_261 = arith.constant 48 : index
      %parallel_loop3A_262 = tpu.vector_load %arg16[%parallel_loop3A_260, %parallel_loop3A_261] {strides = array<i32>} : memref<80x128xf32, #tpu.memory_space<vmem>>, vector<16xf32>,
      tpu.vector_store %arg16[%parallel_loop3A_260, %parallel_loop3A_261], %parallel_loop3A_259 {strides = array<i32>} : memref<80x128xf32, #tpu.memory_space<vmem>>, vector<16xf32>,
      %parallel_loop3A_263 = arith.mulf %parallel_loop3A_147, %parallel_loop3A_246 : vector<16xf32>
      %parallel_loop3A_264 = arith.index_cast %parallel_loop3A_129 : i32 to index
      %parallel_loop3A_265 = arith.constant 64 : index
      %parallel_loop3A_266 = tpu.vector_load %arg16[%parallel_loop3A_264, %parallel_loop3A_265] {strides = array<i32>} : memref<80x128xf32, #tpu.memory_space<vmem>>, vector<16xf32>,
      tpu.vector_store %arg16[%parallel_loop3A_264, %parallel_loop3A_265], %parallel_loop3A_263 {strides = array<i32>} : memref<80x128xf32, #tpu.memory_space<vmem>>, vector<16xf32>,
      %parallel_loop3A_267 = arith.mulf %parallel_loop3A_150, %parallel_loop3A_246 : vector<16xf32>
      %parallel_loop3A_268 = arith.index_cast %parallel_loop3A_129 : i32 to index
      %parallel_loop3A_269 = arith.constant 80 : index
      %parallel_loop3A_270 = tpu.vector_load %arg16[%parallel_loop3A_268, %parallel_loop3A_269] {strides = array<i32>} : memref<80x128xf32, #tpu.memory_space<vmem>>, vector<16xf32>,
      tpu.vector_store %arg16[%parallel_loop3A_268, %parallel_loop3A_269], %parallel_loop3A_267 {strides = array<i32>} : memref<80x128xf32, #tpu.memory_space<vmem>>, vector<16xf32>,
      %parallel_loop3A_271 = arith.mulf %parallel_loop3A_153, %parallel_loop3A_246 : vector<16xf32>
      %parallel_loop3A_272 = arith.index_cast %parallel_loop3A_129 : i32 to index
      %parallel_loop3A_273 = arith.constant 96 : index
      %parallel_loop3A_274 = tpu.vector_load %arg16[%parallel_loop3A_272, %parallel_loop3A_273] {strides = array<i32>} : memref<80x128xf32, #tpu.memory_space<vmem>>, vector<16xf32>,
      tpu.vector_store %arg16[%parallel_loop3A_272, %parallel_loop3A_273], %parallel_loop3A_271 {strides = array<i32>} : memref<80x128xf32, #tpu.memory_space<vmem>>, vector<16xf32>,
      %parallel_loop3A_275 = arith.mulf %parallel_loop3A_156, %parallel_loop3A_246 : vector<16xf32>
      %parallel_loop3A_276 = arith.index_cast %parallel_loop3A_129 : i32 to index
      %parallel_loop3A_277 = arith.constant 112 : index
      %parallel_loop3A_278 = tpu.vector_load %arg16[%parallel_loop3A_276, %parallel_loop3A_277] {strides = array<i32>} : memref<80x128xf32, #tpu.memory_space<vmem>>, vector<16xf32>,
      tpu.vector_store %arg16[%parallel_loop3A_276, %parallel_loop3A_277], %parallel_loop3A_275 {strides = array<i32>} : memref<80x128xf32, #tpu.memory_space<vmem>>, vector<16xf32>,
      tpu.vector_store_idx %arg20[%parallel_loop3A_130], %parallel_loop3A_246 masked %eq3A_59 : memref<80xf32, #tpu.memory_space<vmem>>[vector<16xi32>], vector<16xf32>, vector<16xi1>
    } {sc.loop_unroll_factor = 1 : i64, sc.parallel_access}
    %dma_wait3A_96 = arith.constant 0 : i32
    %dma_wait3A_97 = arith.constant 0 : i32
    %dma_wait3A_98 = tpu.memref_slice %arg25[%dma_wait3A_96, %dma_wait3A_97] : memref<10000x128xf32, #tpu.memory_space<vmem_shared>> -> memref<10000x128xf32, #tpu.memory_space<vmem_shared>>
    tpu.wait_indirect_dma semaphore(%arg32 : memref<!tpu.dma_semaphore, #tpu.memory_space<semaphore_mem>>) src(%arg18 : memref<80x128xf32, #tpu.memory_space<vmem>>) dst(%dma_wait3A_98 : memref<10000x128xf32, #tpu.memory_space<vmem_shared>>)
    %dma_wait3A_99 = arith.constant 0 : i32
    %dma_wait3A_100 = tpu.memref_slice %arg26[%dma_wait3A_99] : memref<10000xf32, #tpu.memory_space<vmem_shared>> -> memref<10000xf32, #tpu.memory_space<vmem_shared>>
    tpu.wait_indirect_dma semaphore(%arg32 : memref<!tpu.dma_semaphore, #tpu.memory_space<semaphore_mem>>) src(%arg21 : memref<80xf32, #tpu.memory_space<vmem>>) dst(%dma_wait3A_100 : memref<10000xf32, #tpu.memory_space<vmem_shared>>)
    %dma_start3A_101 = arith.constant 0 : i32
    %dma_start3A_102 = arith.constant 0 : i32
    %dma_start3A_103 = tpu.memref_slice %arg25[%dma_start3A_101, %dma_start3A_102] : memref<10000x128xf32, #tpu.memory_space<vmem_shared>> -> memref<10000x128xf32, #tpu.memory_space<vmem_shared>>
    tpu.enqueue_indirect_dma source(%arg16 : memref<80x128xf32, #tpu.memory_space<vmem>>) target(%dma_start3A_103 : memref<10000x128xf32, #tpu.memory_space<vmem_shared>>) offsets(%arg14 : memref<80xi32, #tpu.memory_space<vmem>>) semaphore(%arg31 : memref<!tpu.dma_semaphore, #tpu.memory_space<semaphore_mem>>) {add = true}
    %dma_start3A_104 = arith.constant 0 : i32
    %dma_start3A_105 = tpu.memref_slice %arg26[%dma_start3A_104] : memref<10000xf32, #tpu.memory_space<vmem_shared>> -> memref<10000xf32, #tpu.memory_space<vmem_shared>>
    tpu.enqueue_indirect_dma source(%arg20 : memref<80xf32, #tpu.memory_space<vmem>>) target(%dma_start3A_105 : memref<10000xf32, #tpu.memory_space<vmem_shared>>) offsets(%arg14 : memref<80xi32, #tpu.memory_space<vmem>>) semaphore(%arg31 : memref<!tpu.dma_semaphore, #tpu.memory_space<semaphore_mem>>) {add = true}
    %dma_wait3A_106 = arith.constant 0 : i32
    %dma_wait3A_107 = arith.constant 0 : i32
    %dma_wait3A_108 = tpu.memref_slice %arg25[%dma_wait3A_106, %dma_wait3A_107] : memref<10000x128xf32, #tpu.memory_space<vmem_shared>> -> memref<10000x128xf32, #tpu.memory_space<vmem_shared>>
    tpu.wait_indirect_dma semaphore(%arg31 : memref<!tpu.dma_semaphore, #tpu.memory_space<semaphore_mem>>) src(%arg16 : memref<80x128xf32, #tpu.memory_space<vmem>>) dst(%dma_wait3A_108 : memref<10000x128xf32, #tpu.memory_space<vmem_shared>>)
    %dma_wait3A_109 = arith.constant 0 : i32
    %dma_wait3A_110 = tpu.memref_slice %arg26[%dma_wait3A_109] : memref<10000xf32, #tpu.memory_space<vmem_shared>> -> memref<10000xf32, #tpu.memory_space<vmem_shared>>
    tpu.wait_indirect_dma semaphore(%arg31 : memref<!tpu.dma_semaphore, #tpu.memory_space<semaphore_mem>>) src(%arg20 : memref<80xf32, #tpu.memory_space<vmem>>) dst(%dma_wait3A_110 : memref<10000xf32, #tpu.memory_space<vmem_shared>>)
    %barrier3A_111 = arith.constant 0 : index
    tpu.barrier barrier_id(%barrier3A_111)
    %scan3A_112 = arith.constant 0 : i32
    %scan3A_113 = arith.constant 0 : i32
    %scan3A_114 = arith.constant 40 : i32
    %scan3A_115 = arith.addi %scan3A_113, %scan3A_114 : i32
    %scan3A_116 = arith.constant 1 : i32
    %scan3A_117 = scf.for %scan3A_129 = %scan3A_113 to %scan3A_115 step %scan3A_116 iter_args(%scan3A_130 = %scan3A_112) -> (i32)  : i32 {
      %mul3A_131 = arith.constant 16 : i32
      %mul3A_132 = arith.muli %mul3A_131, %scan3A_129 : i32
      %add3A_133 = arith.addi %arg1, %mul3A_132 : i32
      %lt3A_134 = arith.constant 625 : i32
      %lt3A_135 = arith.cmpi slt, %add3A_133, %lt3A_134 : i32
      %convert_element_type3A_136 = arith.extui %lt3A_135 : i1 to i32
      %cond3A_137 = arith.constant 0 : i32
      %cond3A_138 = arith.cmpi ne, %convert_element_type3A_136, %cond3A_137 : i32
      scf.if %cond3A_138 {
        %mul3A_140 = arith.constant 16 : i32
        %mul3A_141 = arith.muli %add3A_133, %mul3A_140 : i32
        "tpu.region"() ({
          %run_scoped3A = tpu.sem_alloc : memref<!tpu.dma_semaphore, #tpu.memory_space<semaphore_mem>>
          %dma_start3A_144 = arith.constant 0 : i32
          %dma_start3A_145 = tpu.memref_slice %arg25[%mul3A_141, %dma_start3A_144] : memref<10000x128xf32, #tpu.memory_space<vmem_shared>> -> memref<16x128xf32, #tpu.memory_space<vmem_shared>>
          %dma_start3A_146 = arith.constant 0 : i32
          %dma_start3A_147 = tpu.memref_slice %arg25[%mul3A_141, %dma_start3A_146] : memref<10000x128xf32, #tpu.memory_space<vmem_shared>> -> memref<16x128xf32, #tpu.memory_space<vmem_shared>>
          tpu.enqueue_dma source(%dma_start3A_147 : memref<16x128xf32, #tpu.memory_space<vmem_shared>>) target(%arg23 : memref<16x128xf32, #tpu.memory_space<vmem>>) target_semaphore(%run_scoped3A : memref<!tpu.dma_semaphore, #tpu.memory_space<semaphore_mem>>)
          %dma_wait3A_148 = arith.constant 0 : i32
          %dma_wait3A_149 = tpu.memref_slice %arg25[%mul3A_141, %dma_wait3A_148] : memref<10000x128xf32, #tpu.memory_space<vmem_shared>> -> memref<16x128xf32, #tpu.memory_space<vmem_shared>>
          %dma_wait3A_150 = arith.constant 0 : i32
          %dma_wait3A_151 = tpu.memref_slice %arg25[%mul3A_141, %dma_wait3A_150] : memref<10000x128xf32, #tpu.memory_space<vmem_shared>> -> memref<16x128xf32, #tpu.memory_space<vmem_shared>>
          tpu.wait_dma2 semaphore(%run_scoped3A : memref<!tpu.dma_semaphore, #tpu.memory_space<semaphore_mem>>) src(%dma_wait3A_151 : memref<16x128xf32, #tpu.memory_space<vmem_shared>>) dst(%arg23 : memref<16x128xf32, #tpu.memory_space<vmem>>)
          tpu.yield
        }) : () -> ()
        %mul3A_142 = arith.constant 16 : i32
        %mul3A_143 = arith.muli %add3A_133, %mul3A_142 : i32
        "tpu.region"() ({
          %run_scoped3A = tpu.sem_alloc : memref<!tpu.dma_semaphore, #tpu.memory_space<semaphore_mem>>
          %dma_start3A_144 = arith.constant 0 : i32
          %dma_start3A_145 = tpu.memref_slice %arg7[%arg0, %mul3A_143, %dma_start3A_144] : memref<2x10000x128xf32, #tpu.memory_space<hbm>> -> memref<1x16x128xf32, #tpu.memory_space<hbm>>
          %dma_start3A_146 = tpu.memref_squeeze %dma_start3A_145 : memref<1x16x128xf32, #tpu.memory_space<hbm>> -> memref<16x128xf32, #tpu.memory_space<hbm>>
          %dma_start3A_147 = arith.constant 0 : i32
          %dma_start3A_148 = tpu.memref_slice %arg7[%arg0, %mul3A_143, %dma_start3A_147] : memref<2x10000x128xf32, #tpu.memory_space<hbm>> -> memref<1x16x128xf32, #tpu.memory_space<hbm>>
          %dma_start3A_149 = tpu.memref_squeeze %dma_start3A_148 : memref<1x16x128xf32, #tpu.memory_space<hbm>> -> memref<16x128xf32, #tpu.memory_space<hbm>>
          tpu.enqueue_dma source(%arg23 : memref<16x128xf32, #tpu.memory_space<vmem>>) target(%dma_start3A_149 : memref<16x128xf32, #tpu.memory_space<hbm>>) target_semaphore(%run_scoped3A : memref<!tpu.dma_semaphore, #tpu.memory_space<semaphore_mem>>)
          %dma_wait3A_150 = arith.constant 0 : i32
          %dma_wait3A_151 = tpu.memref_slice %arg7[%arg0, %mul3A_143, %dma_wait3A_150] : memref<2x10000x128xf32, #tpu.memory_space<hbm>> -> memref<1x16x128xf32, #tpu.memory_space<hbm>>
          %dma_wait3A_152 = tpu.memref_squeeze %dma_wait3A_151 : memref<1x16x128xf32, #tpu.memory_space<hbm>> -> memref<16x128xf32, #tpu.memory_space<hbm>>
          %dma_wait3A_153 = arith.constant 0 : i32
          %dma_wait3A_154 = tpu.memref_slice %arg7[%arg0, %mul3A_143, %dma_wait3A_153] : memref<2x10000x128xf32, #tpu.memory_space<hbm>> -> memref<1x16x128xf32, #tpu.memory_space<hbm>>
          %dma_wait3A_155 = tpu.memref_squeeze %dma_wait3A_154 : memref<1x16x128xf32, #tpu.memory_space<hbm>> -> memref<16x128xf32, #tpu.memory_space<hbm>>
          tpu.wait_dma2 semaphore(%run_scoped3A : memref<!tpu.dma_semaphore, #tpu.memory_space<semaphore_mem>>) src(%arg23 : memref<16x128xf32, #tpu.memory_space<vmem>>) dst(%dma_wait3A_155 : memref<16x128xf32, #tpu.memory_space<hbm>>)
          tpu.yield
        }) : () -> ()
      } else {
      }
      %scan3A_139 = arith.constant 0 : i32
      scf.yield %scan3A_139 : i32
    }
    %scan3A_118 = arith.constant 40 : i32
    %eq3A_119 = arith.constant 0 : i32
    %eq3A_120 = arith.cmpi eq, %arg0, %eq3A_119 : i32
    %convert_element_type3A_121 = arith.extui %eq3A_120 : i1 to i32
    %cond3A_122 = arith.constant 0 : i32
    %cond3A_123 = arith.cmpi ne, %convert_element_type3A_121, %cond3A_122 : i32
    scf.if %cond3A_123 {
      %add3A_129 = arith.constant 0 : i32
      %add3A_130 = arith.addi %arg1, %add3A_129 : i32
      %lt3A_131 = arith.constant 19 : i32
      %lt3A_132 = arith.cmpi slt, %add3A_130, %lt3A_131 : i32
      %convert_element_type3A_133 = arith.extui %lt3A_132 : i1 to i32
      %cond3A_134 = arith.constant 0 : i32
      %cond3A_135 = arith.cmpi ne, %convert_element_type3A_133, %cond3A_134 : i32
      scf.if %cond3A_135 {
        %mul3A_153 = arith.constant 512 : i32
        %mul3A_154 = arith.muli %add3A_130, %mul3A_153 : i32
        "tpu.region"() ({
          %run_scoped3A = tpu.sem_alloc : memref<!tpu.dma_semaphore, #tpu.memory_space<semaphore_mem>>
          %dma_start3A_157 = tpu.memref_slice %arg26[%mul3A_154] : memref<10000xf32, #tpu.memory_space<vmem_shared>> -> memref<512xf32, #tpu.memory_space<vmem_shared>>
          %dma_start3A_158 = tpu.memref_slice %arg26[%mul3A_154] : memref<10000xf32, #tpu.memory_space<vmem_shared>> -> memref<512xf32, #tpu.memory_space<vmem_shared>>
          tpu.enqueue_dma source(%dma_start3A_158 : memref<512xf32, #tpu.memory_space<vmem_shared>>) target(%arg24 : memref<512xf32, #tpu.memory_space<vmem>>) target_semaphore(%run_scoped3A : memref<!tpu.dma_semaphore, #tpu.memory_space<semaphore_mem>>)
          %dma_wait3A_159 = tpu.memref_slice %arg26[%mul3A_154] : memref<10000xf32, #tpu.memory_space<vmem_shared>> -> memref<512xf32, #tpu.memory_space<vmem_shared>>
          %dma_wait3A_160 = tpu.memref_slice %arg26[%mul3A_154] : memref<10000xf32, #tpu.memory_space<vmem_shared>> -> memref<512xf32, #tpu.memory_space<vmem_shared>>
          tpu.wait_dma2 semaphore(%run_scoped3A : memref<!tpu.dma_semaphore, #tpu.memory_space<semaphore_mem>>) src(%dma_wait3A_160 : memref<512xf32, #tpu.memory_space<vmem_shared>>) dst(%arg24 : memref<512xf32, #tpu.memory_space<vmem>>)
          tpu.yield
        }) : () -> ()
        %mul3A_155 = arith.constant 512 : i32
        %mul3A_156 = arith.muli %add3A_130, %mul3A_155 : i32
        "tpu.region"() ({
          %run_scoped3A = tpu.sem_alloc : memref<!tpu.dma_semaphore, #tpu.memory_space<semaphore_mem>>
          %dma_start3A_157 = tpu.memref_slice %arg8[%mul3A_156] : memref<10000xf32, #tpu.memory_space<hbm>> -> memref<512xf32, #tpu.memory_space<hbm>>
          %dma_start3A_158 = tpu.memref_slice %arg8[%mul3A_156] : memref<10000xf32, #tpu.memory_space<hbm>> -> memref<512xf32, #tpu.memory_space<hbm>>
          tpu.enqueue_dma source(%arg24 : memref<512xf32, #tpu.memory_space<vmem>>) target(%dma_start3A_158 : memref<512xf32, #tpu.memory_space<hbm>>) target_semaphore(%run_scoped3A : memref<!tpu.dma_semaphore, #tpu.memory_space<semaphore_mem>>)
          %dma_wait3A_159 = tpu.memref_slice %arg8[%mul3A_156] : memref<10000xf32, #tpu.memory_space<hbm>> -> memref<512xf32, #tpu.memory_space<hbm>>
          %dma_wait3A_160 = tpu.memref_slice %arg8[%mul3A_156] : memref<10000xf32, #tpu.memory_space<hbm>> -> memref<512xf32, #tpu.memory_space<hbm>>
          tpu.wait_dma2 semaphore(%run_scoped3A : memref<!tpu.dma_semaphore, #tpu.memory_space<semaphore_mem>>) src(%arg24 : memref<512xf32, #tpu.memory_space<vmem>>) dst(%dma_wait3A_160 : memref<512xf32, #tpu.memory_space<hbm>>)
          tpu.yield
        }) : () -> ()
      } else {
      }
      %eq3A_136 = arith.constant 19 : i32
      %eq3A_137 = arith.cmpi eq, %add3A_130, %eq3A_136 : i32
      %convert_element_type3A_138 = arith.extui %eq3A_137 : i1 to i32
      %cond3A_139 = arith.constant 0 : i32
      %cond3A_140 = arith.cmpi ne, %convert_element_type3A_138, %cond3A_139 : i32
      scf.if %cond3A_140 {
        "tpu.region"() ({
          %run_scoped3A = tpu.sem_alloc : memref<!tpu.dma_semaphore, #tpu.memory_space<semaphore_mem>>
          %dma_start3A_153 = arith.constant 0 : i32
          %dma_start3A_154 = tpu.memref_slice %arg24[%dma_start3A_153] : memref<512xf32, #tpu.memory_space<vmem>> -> memref<272xf32, #tpu.memory_space<vmem>>
          %dma_start3A_155 = arith.constant 9728 : i32
          %dma_start3A_156 = tpu.memref_slice %arg26[%dma_start3A_155] : memref<10000xf32, #tpu.memory_space<vmem_shared>> -> memref<272xf32, #tpu.memory_space<vmem_shared>>
          %dma_start3A_157 = arith.constant 0 : i32
          %dma_start3A_158 = tpu.memref_slice %arg24[%dma_start3A_157] : memref<512xf32, #tpu.memory_space<vmem>> -> memref<272xf32, #tpu.memory_space<vmem>>
          %dma_start3A_159 = arith.constant 9728 : i32
          %dma_start3A_160 = tpu.memref_slice %arg26[%dma_start3A_159] : memref<10000xf32, #tpu.memory_space<vmem_shared>> -> memref<272xf32, #tpu.memory_space<vmem_shared>>
          tpu.enqueue_dma source(%dma_start3A_160 : memref<272xf32, #tpu.memory_space<vmem_shared>>) target(%dma_start3A_158 : memref<272xf32, #tpu.memory_space<vmem>>) target_semaphore(%run_scoped3A : memref<!tpu.dma_semaphore, #tpu.memory_space<semaphore_mem>>)
          %dma_wait3A_161 = arith.constant 0 : i32
          %dma_wait3A_162 = tpu.memref_slice %arg24[%dma_wait3A_161] : memref<512xf32, #tpu.memory_space<vmem>> -> memref<272xf32, #tpu.memory_space<vmem>>
          %dma_wait3A_163 = arith.constant 9728 : i32
          %dma_wait3A_164 = tpu.memref_slice %arg26[%dma_wait3A_163] : memref<10000xf32, #tpu.memory_space<vmem_shared>> -> memref<272xf32, #tpu.memory_space<vmem_shared>>
          %dma_wait3A_165 = arith.constant 0 : i32
          %dma_wait3A_166 = tpu.memref_slice %arg24[%dma_wait3A_165] : memref<512xf32, #tpu.memory_space<vmem>> -> memref<272xf32, #tpu.memory_space<vmem>>
          %dma_wait3A_167 = arith.constant 9728 : i32
          %dma_wait3A_168 = tpu.memref_slice %arg26[%dma_wait3A_167] : memref<10000xf32, #tpu.memory_space<vmem_shared>> -> memref<272xf32, #tpu.memory_space<vmem_shared>>
          tpu.wait_dma2 semaphore(%run_scoped3A : memref<!tpu.dma_semaphore, #tpu.memory_space<semaphore_mem>>) src(%dma_wait3A_168 : memref<272xf32, #tpu.memory_space<vmem_shared>>) dst(%dma_wait3A_166 : memref<272xf32, #tpu.memory_space<vmem>>)
          tpu.yield
        }) : () -> ()
        "tpu.region"() ({
          %run_scoped3A = tpu.sem_alloc : memref<!tpu.dma_semaphore, #tpu.memory_space<semaphore_mem>>
          %dma_start3A_153 = arith.constant 0 : i32
          %dma_start3A_154 = tpu.memref_slice %arg24[%dma_start3A_153] : memref<512xf32, #tpu.memory_space<vmem>> -> memref<272xf32, #tpu.memory_space<vmem>>
          %dma_start3A_155 = arith.constant 9728 : i32
          %dma_start3A_156 = tpu.memref_slice %arg8[%dma_start3A_155] : memref<10000xf32, #tpu.memory_space<hbm>> -> memref<272xf32, #tpu.memory_space<hbm>>
          %dma_start3A_157 = arith.constant 9728 : i32
          %dma_start3A_158 = tpu.memref_slice %arg8[%dma_start3A_157] : memref<10000xf32, #tpu.memory_space<hbm>> -> memref<272xf32, #tpu.memory_space<hbm>>
          %dma_start3A_159 = arith.constant 0 : i32
          %dma_start3A_160 = tpu.memref_slice %arg24[%dma_start3A_159] : memref<512xf32, #tpu.memory_space<vmem>> -> memref<272xf32, #tpu.memory_space<vmem>>
          tpu.enqueue_dma source(%dma_start3A_160 : memref<272xf32, #tpu.memory_space<vmem>>) target(%dma_start3A_158 : memref<272xf32, #tpu.memory_space<hbm>>) target_semaphore(%run_scoped3A : memref<!tpu.dma_semaphore, #tpu.memory_space<semaphore_mem>>)
          %dma_wait3A_161 = arith.constant 0 : i32
          %dma_wait3A_162 = tpu.memref_slice %arg24[%dma_wait3A_161] : memref<512xf32, #tpu.memory_space<vmem>> -> memref<272xf32, #tpu.memory_space<vmem>>
          %dma_wait3A_163 = arith.constant 9728 : i32
          %dma_wait3A_164 = tpu.memref_slice %arg8[%dma_wait3A_163] : memref<10000xf32, #tpu.memory_space<hbm>> -> memref<272xf32, #tpu.memory_space<hbm>>
          %dma_wait3A_165 = arith.constant 9728 : i32
          %dma_wait3A_166 = tpu.memref_slice %arg8[%dma_wait3A_165] : memref<10000xf32, #tpu.memory_space<hbm>> -> memref<272xf32, #tpu.memory_space<hbm>>
          %dma_wait3A_167 = arith.constant 0 : i32
          %dma_wait3A_168 = tpu.memref_slice %arg24[%dma_wait3A_167] : memref<512xf32, #tpu.memory_space<vmem>> -> memref<272xf32, #tpu.memory_space<vmem>>
          tpu.wait_dma2 semaphore(%run_scoped3A : memref<!tpu.dma_semaphore, #tpu.memory_space<semaphore_mem>>) src(%dma_wait3A_168 : memref<272xf32, #tpu.memory_space<vmem>>) dst(%dma_wait3A_166 : memref<272xf32, #tpu.memory_space<hbm>>)
          tpu.yield
        }) : () -> ()
      } else {
      }
      %add3A_141 = arith.constant 16 : i32
      %add3A_142 = arith.addi %arg1, %add3A_141 : i32
      %lt3A_143 = arith.constant 19 : i32
      %lt3A_144 = arith.cmpi slt, %add3A_142, %lt3A_143 : i32
      %convert_element_type3A_145 = arith.extui %lt3A_144 : i1 to i32
      %cond3A_146 = arith.constant 0 : i32
      %cond3A_147 = arith.cmpi ne, %convert_element_type3A_145, %cond3A_146 : i32
      scf.if %cond3A_147 {
        %mul3A_153 = arith.constant 512 : i32
        %mul3A_154 = arith.muli %add3A_142, %mul3A_153 : i32
        "tpu.region"() ({
          %run_scoped3A = tpu.sem_alloc : memref<!tpu.dma_semaphore, #tpu.memory_space<semaphore_mem>>
          %dma_start3A_157 = tpu.memref_slice %arg26[%mul3A_154] : memref<10000xf32, #tpu.memory_space<vmem_shared>> -> memref<512xf32, #tpu.memory_space<vmem_shared>>
          %dma_start3A_158 = tpu.memref_slice %arg26[%mul3A_154] : memref<10000xf32, #tpu.memory_space<vmem_shared>> -> memref<512xf32, #tpu.memory_space<vmem_shared>>
          tpu.enqueue_dma source(%dma_start3A_158 : memref<512xf32, #tpu.memory_space<vmem_shared>>) target(%arg24 : memref<512xf32, #tpu.memory_space<vmem>>) target_semaphore(%run_scoped3A : memref<!tpu.dma_semaphore, #tpu.memory_space<semaphore_mem>>)
          %dma_wait3A_159 = tpu.memref_slice %arg26[%mul3A_154] : memref<10000xf32, #tpu.memory_space<vmem_shared>> -> memref<512xf32, #tpu.memory_space<vmem_shared>>
          %dma_wait3A_160 = tpu.memref_slice %arg26[%mul3A_154] : memref<10000xf32, #tpu.memory_space<vmem_shared>> -> memref<512xf32, #tpu.memory_space<vmem_shared>>
          tpu.wait_dma2 semaphore(%run_scoped3A : memref<!tpu.dma_semaphore, #tpu.memory_space<semaphore_mem>>) src(%dma_wait3A_160 : memref<512xf32, #tpu.memory_space<vmem_shared>>) dst(%arg24 : memref<512xf32, #tpu.memory_space<vmem>>)
          tpu.yield
        }) : () -> ()
        %mul3A_155 = arith.constant 512 : i32
        %mul3A_156 = arith.muli %add3A_142, %mul3A_155 : i32
        "tpu.region"() ({
          %run_scoped3A = tpu.sem_alloc : memref<!tpu.dma_semaphore, #tpu.memory_space<semaphore_mem>>
          %dma_start3A_157 = tpu.memref_slice %arg8[%mul3A_156] : memref<10000xf32, #tpu.memory_space<hbm>> -> memref<512xf32, #tpu.memory_space<hbm>>
          %dma_start3A_158 = tpu.memref_slice %arg8[%mul3A_156] : memref<10000xf32, #tpu.memory_space<hbm>> -> memref<512xf32, #tpu.memory_space<hbm>>
          tpu.enqueue_dma source(%arg24 : memref<512xf32, #tpu.memory_space<vmem>>) target(%dma_start3A_158 : memref<512xf32, #tpu.memory_space<hbm>>) target_semaphore(%run_scoped3A : memref<!tpu.dma_semaphore, #tpu.memory_space<semaphore_mem>>)
          %dma_wait3A_159 = tpu.memref_slice %arg8[%mul3A_156] : memref<10000xf32, #tpu.memory_space<hbm>> -> memref<512xf32, #tpu.memory_space<hbm>>
          %dma_wait3A_160 = tpu.memref_slice %arg8[%mul3A_156] : memref<10000xf32, #tpu.memory_space<hbm>> -> memref<512xf32, #tpu.memory_space<hbm>>
          tpu.wait_dma2 semaphore(%run_scoped3A : memref<!tpu.dma_semaphore, #tpu.memory_space<semaphore_mem>>) src(%arg24 : memref<512xf32, #tpu.memory_space<vmem>>) dst(%dma_wait3A_160 : memref<512xf32, #tpu.memory_space<hbm>>)
          tpu.yield
        }) : () -> ()
      } else {
      }
      %eq3A_148 = arith.constant 19 : i32
      %eq3A_149 = arith.cmpi eq, %add3A_142, %eq3A_148 : i32
      %convert_element_type3A_150 = arith.extui %eq3A_149 : i1 to i32
      %cond3A_151 = arith.constant 0 : i32
      %cond3A_152 = arith.cmpi ne, %convert_element_type3A_150, %cond3A_151 : i32
      scf.if %cond3A_152 {
        "tpu.region"() ({
          %run_scoped3A = tpu.sem_alloc : memref<!tpu.dma_semaphore, #tpu.memory_space<semaphore_mem>>
          %dma_start3A_153 = arith.constant 0 : i32
          %dma_start3A_154 = tpu.memref_slice %arg24[%dma_start3A_153] : memref<512xf32, #tpu.memory_space<vmem>> -> memref<272xf32, #tpu.memory_space<vmem>>
          %dma_start3A_155 = arith.constant 9728 : i32
          %dma_start3A_156 = tpu.memref_slice %arg26[%dma_start3A_155] : memref<10000xf32, #tpu.memory_space<vmem_shared>> -> memref<272xf32, #tpu.memory_space<vmem_shared>>
          %dma_start3A_157 = arith.constant 0 : i32
          %dma_start3A_158 = tpu.memref_slice %arg24[%dma_start3A_157] : memref<512xf32, #tpu.memory_space<vmem>> -> memref<272xf32, #tpu.memory_space<vmem>>
          %dma_start3A_159 = arith.constant 9728 : i32
          %dma_start3A_160 = tpu.memref_slice %arg26[%dma_start3A_159] : memref<10000xf32, #tpu.memory_space<vmem_shared>> -> memref<272xf32, #tpu.memory_space<vmem_shared>>
          tpu.enqueue_dma source(%dma_start3A_160 : memref<272xf32, #tpu.memory_space<vmem_shared>>) target(%dma_start3A_158 : memref<272xf32, #tpu.memory_space<vmem>>) target_semaphore(%run_scoped3A : memref<!tpu.dma_semaphore, #tpu.memory_space<semaphore_mem>>)
          %dma_wait3A_161 = arith.constant 0 : i32
          %dma_wait3A_162 = tpu.memref_slice %arg24[%dma_wait3A_161] : memref<512xf32, #tpu.memory_space<vmem>> -> memref<272xf32, #tpu.memory_space<vmem>>
          %dma_wait3A_163 = arith.constant 9728 : i32
          %dma_wait3A_164 = tpu.memref_slice %arg26[%dma_wait3A_163] : memref<10000xf32, #tpu.memory_space<vmem_shared>> -> memref<272xf32, #tpu.memory_space<vmem_shared>>
          %dma_wait3A_165 = arith.constant 0 : i32
          %dma_wait3A_166 = tpu.memref_slice %arg24[%dma_wait3A_165] : memref<512xf32, #tpu.memory_space<vmem>> -> memref<272xf32, #tpu.memory_space<vmem>>
          %dma_wait3A_167 = arith.constant 9728 : i32
          %dma_wait3A_168 = tpu.memref_slice %arg26[%dma_wait3A_167] : memref<10000xf32, #tpu.memory_space<vmem_shared>> -> memref<272xf32, #tpu.memory_space<vmem_shared>>
          tpu.wait_dma2 semaphore(%run_scoped3A : memref<!tpu.dma_semaphore, #tpu.memory_space<semaphore_mem>>) src(%dma_wait3A_168 : memref<272xf32, #tpu.memory_space<vmem_shared>>) dst(%dma_wait3A_166 : memref<272xf32, #tpu.memory_space<vmem>>)
          tpu.yield
        }) : () -> ()
        "tpu.region"() ({
          %run_scoped3A = tpu.sem_alloc : memref<!tpu.dma_semaphore, #tpu.memory_space<semaphore_mem>>
          %dma_start3A_153 = arith.constant 0 : i32
          %dma_start3A_154 = tpu.memref_slice %arg24[%dma_start3A_153] : memref<512xf32, #tpu.memory_space<vmem>> -> memref<272xf32, #tpu.memory_space<vmem>>
          %dma_start3A_155 = arith.constant 9728 : i32
          %dma_start3A_156 = tpu.memref_slice %arg8[%dma_start3A_155] : memref<10000xf32, #tpu.memory_space<hbm>> -> memref<272xf32, #tpu.memory_space<hbm>>
          %dma_start3A_157 = arith.constant 9728 : i32
          %dma_start3A_158 = tpu.memref_slice %arg8[%dma_start3A_157] : memref<10000xf32, #tpu.memory_space<hbm>> -> memref<272xf32, #tpu.memory_space<hbm>>
          %dma_start3A_159 = arith.constant 0 : i32
          %dma_start3A_160 = tpu.memref_slice %arg24[%dma_start3A_159] : memref<512xf32, #tpu.memory_space<vmem>> -> memref<272xf32, #tpu.memory_space<vmem>>
          tpu.enqueue_dma source(%dma_start3A_160 : memref<272xf32, #tpu.memory_space<vmem>>) target(%dma_start3A_158 : memref<272xf32, #tpu.memory_space<hbm>>) target_semaphore(%run_scoped3A : memref<!tpu.dma_semaphore, #tpu.memory_space<semaphore_mem>>)
          %dma_wait3A_161 = arith.constant 0 : i32
          %dma_wait3A_162 = tpu.memref_slice %arg24[%dma_wait3A_161] : memref<512xf32, #tpu.memory_space<vmem>> -> memref<272xf32, #tpu.memory_space<vmem>>
          %dma_wait3A_163 = arith.constant 9728 : i32
          %dma_wait3A_164 = tpu.memref_slice %arg8[%dma_wait3A_163] : memref<10000xf32, #tpu.memory_space<hbm>> -> memref<272xf32, #tpu.memory_space<hbm>>
          %dma_wait3A_165 = arith.constant 9728 : i32
          %dma_wait3A_166 = tpu.memref_slice %arg8[%dma_wait3A_165] : memref<10000xf32, #tpu.memory_space<hbm>> -> memref<272xf32, #tpu.memory_space<hbm>>
          %dma_wait3A_167 = arith.constant 0 : i32
          %dma_wait3A_168 = tpu.memref_slice %arg24[%dma_wait3A_167] : memref<512xf32, #tpu.memory_space<vmem>> -> memref<272xf32, #tpu.memory_space<vmem>>
          tpu.wait_dma2 semaphore(%run_scoped3A : memref<!tpu.dma_semaphore, #tpu.memory_space<semaphore_mem>>) src(%dma_wait3A_168 : memref<272xf32, #tpu.memory_space<vmem>>) dst(%dma_wait3A_166 : memref<272xf32, #tpu.memory_space<hbm>>)
          tpu.yield
        }) : () -> ()
      } else {
      }
    } else {
    }
    %eq3A_124 = arith.constant 1 : i32
    %eq3A_125 = arith.cmpi eq, %arg0, %eq3A_124 : i32
    %convert_element_type3A_126 = arith.extui %eq3A_125 : i1 to i32
    %cond3A_127 = arith.constant 0 : i32
    %cond3A_128 = arith.cmpi ne, %convert_element_type3A_126, %cond3A_127 : i32
    scf.if %cond3A_128 {
      %add3A_129 = arith.constant 0 : i32
      %add3A_130 = arith.addi %arg1, %add3A_129 : i32
      %lt3A_131 = arith.constant 19 : i32
      %lt3A_132 = arith.cmpi slt, %add3A_130, %lt3A_131 : i32
      %convert_element_type3A_133 = arith.extui %lt3A_132 : i1 to i32
      %cond3A_134 = arith.constant 0 : i32
      %cond3A_135 = arith.cmpi ne, %convert_element_type3A_133, %cond3A_134 : i32
      scf.if %cond3A_135 {
        %mul3A_153 = arith.constant 512 : i32
        %mul3A_154 = arith.muli %add3A_130, %mul3A_153 : i32
        "tpu.region"() ({
          %run_scoped3A = tpu.sem_alloc : memref<!tpu.dma_semaphore, #tpu.memory_space<semaphore_mem>>
          %dma_start3A_157 = tpu.memref_slice %arg26[%mul3A_154] : memref<10000xf32, #tpu.memory_space<vmem_shared>> -> memref<512xf32, #tpu.memory_space<vmem_shared>>
          %dma_start3A_158 = tpu.memref_slice %arg26[%mul3A_154] : memref<10000xf32, #tpu.memory_space<vmem_shared>> -> memref<512xf32, #tpu.memory_space<vmem_shared>>
          tpu.enqueue_dma source(%dma_start3A_158 : memref<512xf32, #tpu.memory_space<vmem_shared>>) target(%arg24 : memref<512xf32, #tpu.memory_space<vmem>>) target_semaphore(%run_scoped3A : memref<!tpu.dma_semaphore, #tpu.memory_space<semaphore_mem>>)
          %dma_wait3A_159 = tpu.memref_slice %arg26[%mul3A_154] : memref<10000xf32, #tpu.memory_space<vmem_shared>> -> memref<512xf32, #tpu.memory_space<vmem_shared>>
          %dma_wait3A_160 = tpu.memref_slice %arg26[%mul3A_154] : memref<10000xf32, #tpu.memory_space<vmem_shared>> -> memref<512xf32, #tpu.memory_space<vmem_shared>>
          tpu.wait_dma2 semaphore(%run_scoped3A : memref<!tpu.dma_semaphore, #tpu.memory_space<semaphore_mem>>) src(%dma_wait3A_160 : memref<512xf32, #tpu.memory_space<vmem_shared>>) dst(%arg24 : memref<512xf32, #tpu.memory_space<vmem>>)
          tpu.yield
        }) : () -> ()
        %mul3A_155 = arith.constant 512 : i32
        %mul3A_156 = arith.muli %add3A_130, %mul3A_155 : i32
        "tpu.region"() ({
          %run_scoped3A = tpu.sem_alloc : memref<!tpu.dma_semaphore, #tpu.memory_space<semaphore_mem>>
          %dma_start3A_157 = tpu.memref_slice %arg9[%mul3A_156] : memref<10000xf32, #tpu.memory_space<hbm>> -> memref<512xf32, #tpu.memory_space<hbm>>
          %dma_start3A_158 = tpu.memref_slice %arg9[%mul3A_156] : memref<10000xf32, #tpu.memory_space<hbm>> -> memref<512xf32, #tpu.memory_space<hbm>>
          tpu.enqueue_dma source(%arg24 : memref<512xf32, #tpu.memory_space<vmem>>) target(%dma_start3A_158 : memref<512xf32, #tpu.memory_space<hbm>>) target_semaphore(%run_scoped3A : memref<!tpu.dma_semaphore, #tpu.memory_space<semaphore_mem>>)
          %dma_wait3A_159 = tpu.memref_slice %arg9[%mul3A_156] : memref<10000xf32, #tpu.memory_space<hbm>> -> memref<512xf32, #tpu.memory_space<hbm>>
          %dma_wait3A_160 = tpu.memref_slice %arg9[%mul3A_156] : memref<10000xf32, #tpu.memory_space<hbm>> -> memref<512xf32, #tpu.memory_space<hbm>>
          tpu.wait_dma2 semaphore(%run_scoped3A : memref<!tpu.dma_semaphore, #tpu.memory_space<semaphore_mem>>) src(%arg24 : memref<512xf32, #tpu.memory_space<vmem>>) dst(%dma_wait3A_160 : memref<512xf32, #tpu.memory_space<hbm>>)
          tpu.yield
        }) : () -> ()
      } else {
      }
      %eq3A_136 = arith.constant 19 : i32
      %eq3A_137 = arith.cmpi eq, %add3A_130, %eq3A_136 : i32
      %convert_element_type3A_138 = arith.extui %eq3A_137 : i1 to i32
      %cond3A_139 = arith.constant 0 : i32
      %cond3A_140 = arith.cmpi ne, %convert_element_type3A_138, %cond3A_139 : i32
      scf.if %cond3A_140 {
        "tpu.region"() ({
          %run_scoped3A = tpu.sem_alloc : memref<!tpu.dma_semaphore, #tpu.memory_space<semaphore_mem>>
          %dma_start3A_153 = arith.constant 0 : i32
          %dma_start3A_154 = tpu.memref_slice %arg24[%dma_start3A_153] : memref<512xf32, #tpu.memory_space<vmem>> -> memref<272xf32, #tpu.memory_space<vmem>>
          %dma_start3A_155 = arith.constant 9728 : i32
          %dma_start3A_156 = tpu.memref_slice %arg26[%dma_start3A_155] : memref<10000xf32, #tpu.memory_space<vmem_shared>> -> memref<272xf32, #tpu.memory_space<vmem_shared>>
          %dma_start3A_157 = arith.constant 0 : i32
          %dma_start3A_158 = tpu.memref_slice %arg24[%dma_start3A_157] : memref<512xf32, #tpu.memory_space<vmem>> -> memref<272xf32, #tpu.memory_space<vmem>>
          %dma_start3A_159 = arith.constant 9728 : i32
          %dma_start3A_160 = tpu.memref_slice %arg26[%dma_start3A_159] : memref<10000xf32, #tpu.memory_space<vmem_shared>> -> memref<272xf32, #tpu.memory_space<vmem_shared>>
          tpu.enqueue_dma source(%dma_start3A_160 : memref<272xf32, #tpu.memory_space<vmem_shared>>) target(%dma_start3A_158 : memref<272xf32, #tpu.memory_space<vmem>>) target_semaphore(%run_scoped3A : memref<!tpu.dma_semaphore, #tpu.memory_space<semaphore_mem>>)
          %dma_wait3A_161 = arith.constant 0 : i32
          %dma_wait3A_162 = tpu.memref_slice %arg24[%dma_wait3A_161] : memref<512xf32, #tpu.memory_space<vmem>> -> memref<272xf32, #tpu.memory_space<vmem>>
          %dma_wait3A_163 = arith.constant 9728 : i32
          %dma_wait3A_164 = tpu.memref_slice %arg26[%dma_wait3A_163] : memref<10000xf32, #tpu.memory_space<vmem_shared>> -> memref<272xf32, #tpu.memory_space<vmem_shared>>
          %dma_wait3A_165 = arith.constant 0 : i32
          %dma_wait3A_166 = tpu.memref_slice %arg24[%dma_wait3A_165] : memref<512xf32, #tpu.memory_space<vmem>> -> memref<272xf32, #tpu.memory_space<vmem>>
          %dma_wait3A_167 = arith.constant 9728 : i32
          %dma_wait3A_168 = tpu.memref_slice %arg26[%dma_wait3A_167] : memref<10000xf32, #tpu.memory_space<vmem_shared>> -> memref<272xf32, #tpu.memory_space<vmem_shared>>
          tpu.wait_dma2 semaphore(%run_scoped3A : memref<!tpu.dma_semaphore, #tpu.memory_space<semaphore_mem>>) src(%dma_wait3A_168 : memref<272xf32, #tpu.memory_space<vmem_shared>>) dst(%dma_wait3A_166 : memref<272xf32, #tpu.memory_space<vmem>>)
          tpu.yield
        }) : () -> ()
        "tpu.region"() ({
          %run_scoped3A = tpu.sem_alloc : memref<!tpu.dma_semaphore, #tpu.memory_space<semaphore_mem>>
          %dma_start3A_153 = arith.constant 0 : i32
          %dma_start3A_154 = tpu.memref_slice %arg24[%dma_start3A_153] : memref<512xf32, #tpu.memory_space<vmem>> -> memref<272xf32, #tpu.memory_space<vmem>>
          %dma_start3A_155 = arith.constant 9728 : i32
          %dma_start3A_156 = tpu.memref_slice %arg9[%dma_start3A_155] : memref<10000xf32, #tpu.memory_space<hbm>> -> memref<272xf32, #tpu.memory_space<hbm>>
          %dma_start3A_157 = arith.constant 9728 : i32
          %dma_start3A_158 = tpu.memref_slice %arg9[%dma_start3A_157] : memref<10000xf32, #tpu.memory_space<hbm>> -> memref<272xf32, #tpu.memory_space<hbm>>
          %dma_start3A_159 = arith.constant 0 : i32
          %dma_start3A_160 = tpu.memref_slice %arg24[%dma_start3A_159] : memref<512xf32, #tpu.memory_space<vmem>> -> memref<272xf32, #tpu.memory_space<vmem>>
          tpu.enqueue_dma source(%dma_start3A_160 : memref<272xf32, #tpu.memory_space<vmem>>) target(%dma_start3A_158 : memref<272xf32, #tpu.memory_space<hbm>>) target_semaphore(%run_scoped3A : memref<!tpu.dma_semaphore, #tpu.memory_space<semaphore_mem>>)
          %dma_wait3A_161 = arith.constant 0 : i32
          %dma_wait3A_162 = tpu.memref_slice %arg24[%dma_wait3A_161] : memref<512xf32, #tpu.memory_space<vmem>> -> memref<272xf32, #tpu.memory_space<vmem>>
          %dma_wait3A_163 = arith.constant 9728 : i32
          %dma_wait3A_164 = tpu.memref_slice %arg9[%dma_wait3A_163] : memref<10000xf32, #tpu.memory_space<hbm>> -> memref<272xf32, #tpu.memory_space<hbm>>
          %dma_wait3A_165 = arith.constant 9728 : i32
          %dma_wait3A_166 = tpu.memref_slice %arg9[%dma_wait3A_165] : memref<10000xf32, #tpu.memory_space<hbm>> -> memref<272xf32, #tpu.memory_space<hbm>>
          %dma_wait3A_167 = arith.constant 0 : i32
          %dma_wait3A_168 = tpu.memref_slice %arg24[%dma_wait3A_167] : memref<512xf32, #tpu.memory_space<vmem>> -> memref<272xf32, #tpu.memory_space<vmem>>
          tpu.wait_dma2 semaphore(%run_scoped3A : memref<!tpu.dma_semaphore, #tpu.memory_space<semaphore_mem>>) src(%dma_wait3A_168 : memref<272xf32, #tpu.memory_space<vmem>>) dst(%dma_wait3A_166 : memref<272xf32, #tpu.memory_space<hbm>>)
          tpu.yield
        }) : () -> ()
      } else {
      }
      %add3A_141 = arith.constant 16 : i32
      %add3A_142 = arith.addi %arg1, %add3A_141 : i32
      %lt3A_143 = arith.constant 19 : i32
      %lt3A_144 = arith.cmpi slt, %add3A_142, %lt3A_143 : i32
      %convert_element_type3A_145 = arith.extui %lt3A_144 : i1 to i32
      %cond3A_146 = arith.constant 0 : i32
      %cond3A_147 = arith.cmpi ne, %convert_element_type3A_145, %cond3A_146 : i32
      scf.if %cond3A_147 {
        %mul3A_153 = arith.constant 512 : i32
        %mul3A_154 = arith.muli %add3A_142, %mul3A_153 : i32
        "tpu.region"() ({
          %run_scoped3A = tpu.sem_alloc : memref<!tpu.dma_semaphore, #tpu.memory_space<semaphore_mem>>
          %dma_start3A_157 = tpu.memref_slice %arg26[%mul3A_154] : memref<10000xf32, #tpu.memory_space<vmem_shared>> -> memref<512xf32, #tpu.memory_space<vmem_shared>>
          %dma_start3A_158 = tpu.memref_slice %arg26[%mul3A_154] : memref<10000xf32, #tpu.memory_space<vmem_shared>> -> memref<512xf32, #tpu.memory_space<vmem_shared>>
          tpu.enqueue_dma source(%dma_start3A_158 : memref<512xf32, #tpu.memory_space<vmem_shared>>) target(%arg24 : memref<512xf32, #tpu.memory_space<vmem>>) target_semaphore(%run_scoped3A : memref<!tpu.dma_semaphore, #tpu.memory_space<semaphore_mem>>)
          %dma_wait3A_159 = tpu.memref_slice %arg26[%mul3A_154] : memref<10000xf32, #tpu.memory_space<vmem_shared>> -> memref<512xf32, #tpu.memory_space<vmem_shared>>
          %dma_wait3A_160 = tpu.memref_slice %arg26[%mul3A_154] : memref<10000xf32, #tpu.memory_space<vmem_shared>> -> memref<512xf32, #tpu.memory_space<vmem_shared>>
          tpu.wait_dma2 semaphore(%run_scoped3A : memref<!tpu.dma_semaphore, #tpu.memory_space<semaphore_mem>>) src(%dma_wait3A_160 : memref<512xf32, #tpu.memory_space<vmem_shared>>) dst(%arg24 : memref<512xf32, #tpu.memory_space<vmem>>)
          tpu.yield
        }) : () -> ()
        %mul3A_155 = arith.constant 512 : i32
        %mul3A_156 = arith.muli %add3A_142, %mul3A_155 : i32
        "tpu.region"() ({
          %run_scoped3A = tpu.sem_alloc : memref<!tpu.dma_semaphore, #tpu.memory_space<semaphore_mem>>
          %dma_start3A_157 = tpu.memref_slice %arg9[%mul3A_156] : memref<10000xf32, #tpu.memory_space<hbm>> -> memref<512xf32, #tpu.memory_space<hbm>>
          %dma_start3A_158 = tpu.memref_slice %arg9[%mul3A_156] : memref<10000xf32, #tpu.memory_space<hbm>> -> memref<512xf32, #tpu.memory_space<hbm>>
          tpu.enqueue_dma source(%arg24 : memref<512xf32, #tpu.memory_space<vmem>>) target(%dma_start3A_158 : memref<512xf32, #tpu.memory_space<hbm>>) target_semaphore(%run_scoped3A : memref<!tpu.dma_semaphore, #tpu.memory_space<semaphore_mem>>)
          %dma_wait3A_159 = tpu.memref_slice %arg9[%mul3A_156] : memref<10000xf32, #tpu.memory_space<hbm>> -> memref<512xf32, #tpu.memory_space<hbm>>
          %dma_wait3A_160 = tpu.memref_slice %arg9[%mul3A_156] : memref<10000xf32, #tpu.memory_space<hbm>> -> memref<512xf32, #tpu.memory_space<hbm>>
          tpu.wait_dma2 semaphore(%run_scoped3A : memref<!tpu.dma_semaphore, #tpu.memory_space<semaphore_mem>>) src(%arg24 : memref<512xf32, #tpu.memory_space<vmem>>) dst(%dma_wait3A_160 : memref<512xf32, #tpu.memory_space<hbm>>)
          tpu.yield
        }) : () -> ()
      } else {
      }
      %eq3A_148 = arith.constant 19 : i32
      %eq3A_149 = arith.cmpi eq, %add3A_142, %eq3A_148 : i32
      %convert_element_type3A_150 = arith.extui %eq3A_149 : i1 to i32
      %cond3A_151 = arith.constant 0 : i32
      %cond3A_152 = arith.cmpi ne, %convert_element_type3A_150, %cond3A_151 : i32
      scf.if %cond3A_152 {
        "tpu.region"() ({
          %run_scoped3A = tpu.sem_alloc : memref<!tpu.dma_semaphore, #tpu.memory_space<semaphore_mem>>
          %dma_start3A_153 = arith.constant 0 : i32
          %dma_start3A_154 = tpu.memref_slice %arg24[%dma_start3A_153] : memref<512xf32, #tpu.memory_space<vmem>> -> memref<272xf32, #tpu.memory_space<vmem>>
          %dma_start3A_155 = arith.constant 9728 : i32
          %dma_start3A_156 = tpu.memref_slice %arg26[%dma_start3A_155] : memref<10000xf32, #tpu.memory_space<vmem_shared>> -> memref<272xf32, #tpu.memory_space<vmem_shared>>
          %dma_start3A_157 = arith.constant 0 : i32
          %dma_start3A_158 = tpu.memref_slice %arg24[%dma_start3A_157] : memref<512xf32, #tpu.memory_space<vmem>> -> memref<272xf32, #tpu.memory_space<vmem>>
          %dma_start3A_159 = arith.constant 9728 : i32
          %dma_start3A_160 = tpu.memref_slice %arg26[%dma_start3A_159] : memref<10000xf32, #tpu.memory_space<vmem_shared>> -> memref<272xf32, #tpu.memory_space<vmem_shared>>
          tpu.enqueue_dma source(%dma_start3A_160 : memref<272xf32, #tpu.memory_space<vmem_shared>>) target(%dma_start3A_158 : memref<272xf32, #tpu.memory_space<vmem>>) target_semaphore(%run_scoped3A : memref<!tpu.dma_semaphore, #tpu.memory_space<semaphore_mem>>)
          %dma_wait3A_161 = arith.constant 0 : i32
          %dma_wait3A_162 = tpu.memref_slice %arg24[%dma_wait3A_161] : memref<512xf32, #tpu.memory_space<vmem>> -> memref<272xf32, #tpu.memory_space<vmem>>
          %dma_wait3A_163 = arith.constant 9728 : i32
          %dma_wait3A_164 = tpu.memref_slice %arg26[%dma_wait3A_163] : memref<10000xf32, #tpu.memory_space<vmem_shared>> -> memref<272xf32, #tpu.memory_space<vmem_shared>>
          %dma_wait3A_165 = arith.constant 0 : i32
          %dma_wait3A_166 = tpu.memref_slice %arg24[%dma_wait3A_165] : memref<512xf32, #tpu.memory_space<vmem>> -> memref<272xf32, #tpu.memory_space<vmem>>
          %dma_wait3A_167 = arith.constant 9728 : i32
          %dma_wait3A_168 = tpu.memref_slice %arg26[%dma_wait3A_167] : memref<10000xf32, #tpu.memory_space<vmem_shared>> -> memref<272xf32, #tpu.memory_space<vmem_shared>>
          tpu.wait_dma2 semaphore(%run_scoped3A : memref<!tpu.dma_semaphore, #tpu.memory_space<semaphore_mem>>) src(%dma_wait3A_168 : memref<272xf32, #tpu.memory_space<vmem_shared>>) dst(%dma_wait3A_166 : memref<272xf32, #tpu.memory_space<vmem>>)
          tpu.yield
        }) : () -> ()
        "tpu.region"() ({
          %run_scoped3A = tpu.sem_alloc : memref<!tpu.dma_semaphore, #tpu.memory_space<semaphore_mem>>
          %dma_start3A_153 = arith.constant 0 : i32
          %dma_start3A_154 = tpu.memref_slice %arg24[%dma_start3A_153] : memref<512xf32, #tpu.memory_space<vmem>> -> memref<272xf32, #tpu.memory_space<vmem>>
          %dma_start3A_155 = arith.constant 9728 : i32
          %dma_start3A_156 = tpu.memref_slice %arg9[%dma_start3A_155] : memref<10000xf32, #tpu.memory_space<hbm>> -> memref<272xf32, #tpu.memory_space<hbm>>
          %dma_start3A_157 = arith.constant 9728 : i32
          %dma_start3A_158 = tpu.memref_slice %arg9[%dma_start3A_157] : memref<10000xf32, #tpu.memory_space<hbm>> -> memref<272xf32, #tpu.memory_space<hbm>>
          %dma_start3A_159 = arith.constant 0 : i32
          %dma_start3A_160 = tpu.memref_slice %arg24[%dma_start3A_159] : memref<512xf32, #tpu.memory_space<vmem>> -> memref<272xf32, #tpu.memory_space<vmem>>
          tpu.enqueue_dma source(%dma_start3A_160 : memref<272xf32, #tpu.memory_space<vmem>>) target(%dma_start3A_158 : memref<272xf32, #tpu.memory_space<hbm>>) target_semaphore(%run_scoped3A : memref<!tpu.dma_semaphore, #tpu.memory_space<semaphore_mem>>)
          %dma_wait3A_161 = arith.constant 0 : i32
          %dma_wait3A_162 = tpu.memref_slice %arg24[%dma_wait3A_161] : memref<512xf32, #tpu.memory_space<vmem>> -> memref<272xf32, #tpu.memory_space<vmem>>
          %dma_wait3A_163 = arith.constant 9728 : i32
          %dma_wait3A_164 = tpu.memref_slice %arg9[%dma_wait3A_163] : memref<10000xf32, #tpu.memory_space<hbm>> -> memref<272xf32, #tpu.memory_space<hbm>>
          %dma_wait3A_165 = arith.constant 9728 : i32
          %dma_wait3A_166 = tpu.memref_slice %arg9[%dma_wait3A_165] : memref<10000xf32, #tpu.memory_space<hbm>> -> memref<272xf32, #tpu.memory_space<hbm>>
          %dma_wait3A_167 = arith.constant 0 : i32
          %dma_wait3A_168 = tpu.memref_slice %arg24[%dma_wait3A_167] : memref<512xf32, #tpu.memory_space<vmem>> -> memref<272xf32, #tpu.memory_space<vmem>>
          tpu.wait_dma2 semaphore(%run_scoped3A : memref<!tpu.dma_semaphore, #tpu.memory_space<semaphore_mem>>) src(%dma_wait3A_168 : memref<272xf32, #tpu.memory_space<vmem>>) dst(%dma_wait3A_166 : memref<272xf32, #tpu.memory_space<hbm>>)
          tpu.yield
        }) : () -> ()
      } else {
      }
    } else {
    }
    return
  }
}

</mosaic_0001>

<sc_bundles>
// kernel: _edges.3.cloned.1.call-start
scs
__scs_entry_jumppad:
0x0: {  	(pc) =	sbr.rel $0x88, $3  }
0x1: {  	(tag) =	ssettag $0x0;
	lr =	simm.s32 $0x1  }
0x2: {  	[smem:$0x3F9C] =	sst lr;
	_ =	strace $0xD0000000  }
0x3: {  	_ = 	snop  }
0x4: {  	_ = 	snop  }
0x5: {  	_ = 	snop  }
0x6: {  	_ = 	snop  }
0x7: {  	_ = 	snop  }
__scs_overlays_trampoline_lowered:
0x8: {  	[smem:$0x3FAB] =	sst s0  }
0x9: {  	[smem:$0x3FAC] =	sst s1  }
0xa: {  	[smem:$0x3FAD] =	sst s2  }
0xb: {  	[smem:$0x3FAE] =	sst s3  }
0xc: {  	[smem:$0x3FAF] =	sst s4  }
0xd: {  	[smem:$0x3FB0] =	sst s5  }
0xe: {  	[smem:$0x3FB1] =	sst s6  }
0xf: {  	[smem:$0x3FB2] =	sst s7  }
0x10: {  	[smem:$0x3FB3] =	sst s8  }
0x11: {  	[smem:$0x3FB4] =	sst s9;
	s0 =	simm.s32 @!p0 $0x0  }
0x12: {  	s1 =	sld [smem:$0x3F9A];
	s0 =	simm.s32 @p0 $0x1  }
0x13: {  	[smem:$0x3FB5] =	sst s0;
	s0 =	simm.s32 @!p1 $0x0  }
0x14: {  	s2 =	sld [smem:$0x3F99];
	s0 =	simm.s32 @p1 $0x1  }
0x15: {  	[smem:$0x3FB6] =	sst s0;
	s0 =	simm.s32 @!p2 $0x0  }
0x16: {  	s3 =	sld [smem:$0x3FDB];
	s0 =	simm.s32 @p2 $0x1  }
0x17: {  	s4 =	simm.s32 $0x1BF5;
	[smem:$0x3FB8] =	sst s0  }
0x18: {  	s0 =	sld [smem:$0x3F9B];
	_ =	swait.ge [sflag:s4], $0x0  }
0x19: {  	s7 =	sld [smem:$0x3F9C]  }
0x1a: {  	s8 =	sadd.s32 $0xFFFFE003, lr  }
0x1b: {  	s9 =	sadd.s32 $0xFFFFFEF7, lr;
	s5 =	simm.s32 $0xFFFFFFFF;
	p2 =	slt.u32 s8, $0xFFFFF086  }
0x1c: {  	p1 =	slt.u32 s9, $0xF7A;
	s5 =	simm.s32 @!p2 $0x0  }
0x1d: {  	s5 =	simm.s32 @p1 $0x1;
	p0 =	seq.s32 s7, s2  }
0x1e: {  	s7 =	smul.u32 @!p0 $0xF7A, s2;
	p2 =	seq.s32 @!p0 s5, $0x0  }
0x1f: {  	s9 =	smul.u32 $0xF7A, s1;
	s8 =	simm.s32 @!p0 $0x1BF5;
	p2 =	por !p2, p0  }
0x20: {  	[sflag:s8] =	ssyncset.s32 @!p0 $0xFFFFF086;
	s6 =	sadd.s32 @!p0 s3, s7;
	s7 =	simm.s32 @!p0 $0x108  }
0x21: {  	s3 =	sadd.s32 s3, s9;
	s6 =	sadd.s32 @!p0 $0x88, s6;
	s7 =	simm.s32 @p2 $0x1082  }
0x22: {  	[simem:s7], [sflag:s8] =	dma.local @!p0 [hbm:s6], $0xF7A  }
0x23: {  	s9 =	sor.u32 $0xD0000000, s2;
	s6 =	simm.s32 $0x108;
	_ =	swait.ge @!p0 [sflag:s8], $0x0  }
0x24: {  	s3 =	sadd.s32 $0x88, s3;
	s6 =	simm.s32 @!p1 $0x1082;
	[sflag:s4] =	ssyncset.s32 $0xFFFFF086  }
0x25: {  	[simem:s6], [sflag:s4] =	dma.local [hbm:s3], $0xF7A  }
0x26: {  	[smem:$0x3F9C] =	sst s1;
	(tag) =	ssettag s2;
	_ =	strace s9  }
0x27: {  	s1 =	sld [smem:$0x3FAC]  }
0x28: {  	s2 =	sld [smem:$0x3FAD]  }
0x29: {  	s4 =	sld [smem:$0x3FAF]  }
0x2a: {  	p0 =	seq.s32 s5, $0x0;
	s5 =	sld [smem:$0x3FB0]  }
0x2b: {  	s6 =	sld [smem:$0x3FB1]  }
0x2c: {  	s7 =	sld [smem:$0x3FB2]  }
0x2d: {  	s3 =	simm.s32 $0x108;
	s8 =	sld [smem:$0x3FB3]  }
0x2e: {  	s3 =	simm.s32 @!p0 $0x1082;
	s9 =	sld [smem:$0x3FB4]  }
0x2f: {  	lr =	sadd.s32 s0, s3;
	s0 =	sld [smem:$0x3FAB]  }
0x30: {  	s3 =	sld [smem:$0x3FAE]  }
0x31: {  	[smem:$0x3FB7] =	sst s10  }
0x32: {  	s10 =	sld [smem:$0x3FB5];
	_ =	sdelay $0x3  }
0x33: {  	p0 =	seq.s32 s10, $0x1;
	s10 =	sld [smem:$0x3FB7];
	_ =	sdelay $0x3  }
0x34: {  	[smem:$0x3FB7] =	sst s10  }
0x35: {  	s10 =	sld [smem:$0x3FB6];
	_ =	sdelay $0x3  }
0x36: {  	p1 =	seq.s32 s10, $0x1;
	s10 =	sld [smem:$0x3FB7];
	_ =	sdelay $0x3  }
0x37: {  	[smem:$0x3FB7] =	sst s10  }
0x38: {  	s10 =	sld [smem:$0x3FB8]  }
0x39: {  	_ = 	snop;
	(pc) =	sbr.ind lr, $3  }
0x3a: {  	_ = 	snop  }
0x3b: {  	_ = 	snop  }
0x3c: {  	p2 =	seq.s32 s10, $0x1;
	s10 =	sld [smem:$0x3FB7]  }
0x3d: {  	_ =	shalt  }
0x3e: {  	_ =	shalt  }
0x3f: {  	_ =	shalt  }
0x40: {  	_ =	shalt  }
0x41: {  	_ =	shalt  }
0x42: {  	_ =	shalt  }
0x43: {  	_ =	shalt  }
0x44: {  	_ =	shalt  }
0x45: {  	_ =	shalt  }
0x46: {  	_ =	shalt  }
0x47: {  	_ =	shalt  }
0x48: {  	_ =	shalt  }
0x49: {  	_ =	shalt  }
0x4a: {  	_ =	shalt  }
0x4b: {  	_ =	shalt  }
0x4c: {  	_ =	shalt  }
0x4d: {  	_ =	shalt  }
0x4e: {  	_ =	shalt  }
0x4f: {  	_ =	shalt  }
0x50: {  	_ =	shalt  }
0x51: {  	_ =	shalt  }
0x52: {  	_ =	shalt  }
0x53: {  	_ =	shalt  }
0x54: {  	_ =	shalt  }
0x55: {  	_ =	shalt  }
0x56: {  	_ =	shalt  }
0x57: {  	_ =	shalt  }
0x58: {  	_ =	shalt  }
0x59: {  	_ =	shalt  }
0x5a: {  	_ =	shalt  }
0x5b: {  	_ =	shalt  }
0x5c: {  	_ =	shalt  }
0x5d: {  	_ =	shalt  }
0x5e: {  	_ =	shalt  }
0x5f: {  	_ =	shalt  }
0x60: {  	_ =	shalt  }
0x61: {  	_ =	shalt  }
0x62: {  	_ =	shalt  }
0x63: {  	_ =	shalt  }
0x64: {  	_ =	shalt  }
0x65: {  	_ =	shalt  }
0x66: {  	_ =	shalt  }
0x67: {  	_ =	shalt  }
0x68: {  	_ =	shalt  }
0x69: {  	_ =	shalt  }
0x6a: {  	_ =	shalt  }
0x6b: {  	_ =	shalt  }
0x6c: {  	_ =	shalt  }
0x6d: {  	_ =	shalt  }
0x6e: {  	_ =	shalt  }
0x6f: {  	_ =	shalt  }
0x70: {  	_ =	shalt  }
0x71: {  	_ =	shalt  }
0x72: {  	_ =	shalt  }
0x73: {  	_ =	shalt  }
0x74: {  	_ =	shalt  }
0x75: {  	_ =	shalt  }
0x76: {  	_ =	shalt  }
0x77: {  	_ =	shalt  }
0x78: {  	_ =	shalt  }
0x79: {  	_ =	shalt  }
0x7a: {  	_ =	shalt  }
0x7b: {  	_ =	shalt  }
0x7c: {  	_ =	shalt  }
0x7d: {  	_ =	shalt  }
0x7e: {  	_ =	shalt  }
0x7f: {  	_ =	shalt  }
0x80: {  	_ =	shalt  }
0x81: {  	_ =	shalt  }
0x82: {  	_ =	shalt  }
0x83: {  	_ =	shalt  }
0x84: {  	_ =	shalt  }
0x85: {  	_ =	shalt  }
0x86: {  	_ =	shalt  }
0x87: {  	_ =	shalt  }
.Lfunc_end0:
.L_simem_size_0:
called_computation_lowered:
.L_overlay_start_0:
0x88: {  	s2 =	sld [smem:$0x3FD9]  }
0x89: {  	s3 =	sld [smem:$0x3FFE];
	_ =	sdelay $0x1  }
0x8a: {  	s1 =	srdreg.scid  }
0x8b: {  	s0 =	sand.u32 $0x1, s1  }
0x8c: {  	s15 =	sshll.u32 s0, $0xA;
	s2 =	sadd.s32 s3, s2  }
0x8d: {  	s2 =	sadd.s32 s2, s15  }
0x8e: {  	[smem:$0x3FC3] =	sst s2  }
0x8f: {  	_ = 	snop  }
0x90: {  	s2 =	sld [smem:$0x3FC9]  }
0x91: {  	s16 =	sld [smem:$0x3FC8]  }
0x92: {  	s4 =	sld [smem:$0x3FD0]  }
0x93: {  	s5 =	sld [smem:$0x3FC7]  }
0x94: {  	s6 =	sld [smem:$0x3FC6]  }
0x95: {  	s8 =	simm.s32 $0xA;
	s9 =	simm.s32 $0x10;
	s7 =	sld [smem:$0x3FC5]  }
0x96: {  	[smem:s9], [sflag:s8] =	dma.local [hbm:s4], $0x1  }
0x97: {  	_ =	swait.eq [sflag:s8], $0x1  }
0x98: {  	s17 =	sld [smem:$0x10];
	[sflag:s8] =	ssyncset.done $0x0  }
0x99: {  	s18 =	sld [smem:$0x11];
	[sflag:s8] =	ssyncadd.s32 $0xFFFFFFFF  }
0x9a: {  	s19 =	sld [smem:$0x12];
	(tm) =	ssettm $0x1  }
0x9b: {  	s10 =	sld [smem:$0x3FFB];
	_ =	sdelay $0x3  }
0x9c: {  	_ =	strace s10  }
0x9d: {  	s10 =	sld [smem:$0x3FFC];
	_ =	sdelay $0x3  }
0x9e: {  	_ =	strace s10  }
0x9f: {  	s10 =	sld [smem:$0x3FFD];
	_ =	sdelay $0x3  }
0xa0: {  	_ =	strace s10  }
0xa1: {  	_ =	strace $0x8FFFFFFF  }
0xa2: {  	s20 =	sld [smem:$0x3FDB];
	_ =	sdelay $0x1  }
0xa3: {  	s11 =	simm.s32 $_scs_section_size  }
0xa4: {  	s12 =	simm.s32 $_size__tile_overlayer_lowered;
	s13 =	simm.s32 $_tile_overlayer_lowered  }
0xa5: {  	s23 =	simm.s32 $0x1BFF;
	s22 =	sshll.u32 s13, $0x1;
	s10 =	sadd.s32 s11, s20  }
0xa6: {  	s14 =	simm.s32 $0x0;
	s21 =	sshll.u32 s12, $0x1;
	s12 =	sadd.s32 s22, s10  }
0xa7: {  	[timem:s14], [sflag:s23] =	dma.local [hbm:s12], s21  }
0xa8: {  	_ =	swait.ge [sflag:s23], s21  }
0xa9: {  	s11 =	ssub.s32 $0x0, s21;
	[sflag:s23] =	ssyncset.done $0x0  }
0xaa: {  	[sflag:s23] =	ssyncadd.s32 s11;
	_ =	sdelay $0x1  }
0xab: {  	s24 =	simm.s32 $0x1B8B  }
0xac: {  	_ =	swait.ge [sflag:s24], $0x1  }
0xad: {  	[sflag:s24] =	ssyncset.done $0x0  }
0xae: {  	s25 =	simm.s32 $0x1B8E;
	[sflag:s24] =	ssyncadd.s32 $0xFFFFFFFF  }
0xaf: {  	s26 =	simm.s32 $execute0_lowered;
	[smem:$0x3FD2] =	sst s25  }
0xb0: {  	s11 =	sshll.u32 s26, $0x1;
	_ =	strace $0x80000046;
	[dreg:$0x1] =	wrdreg $0xFFFFFFFF  }
0xb1: {  	s28 =	simm.s32 $_size_execute0_lowered;
	s10 =	sadd.s32 s10, s11;
	[dreg:$0x0] =	wrdreg $0x0  }
0xb2: {  	s11 =	sshll.u32 s28, $0x1;
	[dreg:$0x2] =	wrdreg s10  }
0xb3: {  	[dreg:$0x3] =	wrdreg s11  }
0xb4: {  	[dreg:$0x4] =	wrdreg $0xC0  }
0xb5: {  	_ =	task [dreg:s14], $0x5FFFF  }
0xb6: {  	[dreg:$0x1] =	wrdreg $0xFFFFFFFF  }
0xb7: {  	[dreg:$0x0] =	wrdreg $0x60  }
0xb8: {  	[dreg:$0x2] =	wrdreg s2  }
0xb9: {  	[dreg:$0x3] =	wrdreg s16  }
0xba: {  	[dreg:$0x4] =	wrdreg s7  }
0xbb: {  	[dreg:$0x5] =	wrdreg s5  }
0xbc: {  	[dreg:$0x6] =	wrdreg s6  }
0xbd: {  	[dreg:$0x7] =	wrdreg s17  }
0xbe: {  	[dreg:$0x8] =	wrdreg s18  }
0xbf: {  	[dreg:$0x9] =	wrdreg s19  }
0xc0: {  	[dreg:$0xa] =	wrdreg $0xAE800  }
0xc1: {  	[dreg:$0xb] =	wrdreg $0x1E7000  }
0xc2: {  	[dreg:$0xc] =	wrdreg $0x9  }
0xc3: {  	_ =	task.clear_ibuf [dreg:s14], $0xDFFFF;
	_ =	strace $0x90000046  }
0xc4: {  	s29 =	simm.s32 $0x9;
	_ =	strace $0x80000048  }
0xc5: {  	_ =	swait.ge [sflag:s29], $0x1  }
0xc6: {  	[sflag:s29] =	ssyncadd.s32 $0xFFFFFFFF  }
0xc7: {  	_ =	strace $0x90000048  }
0xc8: {  	_ =	sfence  }
0xc9: {  	s30 =	sld [smem:$0x0];
	_ =	sdelay $0x2  }
0xca: {  	s31 =	sshll.u32 s1, $0xD;
	s1 =	sshrl.u32 s1, $0x2  }
0xcb: {  	s3 =	sand.u32 $0x4000, s31;
	s1 =	sadd.s32 s1, s30  }
0xcc: {  	s0 =	sor.u32 s3, s0;
	s1 =	sshll.u32 s1, $0x11  }
0xcd: {  	s0 =	sor.u32 s1, s0  }
0xce: {  	s0 =	sadd.s32 $0x8F2B, s0  }
0xcf: {  	[sflag:s0] =	ssyncadd.remote.s32 $0x1  }
0xd0: {  	_ =	sfence.sel $0xFFFF  }
0xd1: {  	[dreg:$0x0] =	wrdreg $0xFFFFFFFF;
	(pc) =	sbr.abs _section_cstart, $3  }
0xd2: {  	[dreg:$0x1] =	wrdreg $0xFFFFFFFF  }
0xd3: {  	_ =	task.clear_ibuf [dreg:s14], $0x2FFFF;
	_ =	strace $0x9FFFFFFF  }
0xd4: {  	(tm) =	ssettm $0x7FFFFFFF  }
0xd5: {  	_ =	shalt  }
tec
execute0_lowered:
.L_overlay_start_1:
0x0: {  	(tag) =	ssettag $0x1  }
0x1: {  	s1 =	rddreg [dreg:$0x1]  }
0x2: {  	s14 =	rddreg [dreg:$0x3]  }
0x3: {  	s15 =	rddreg [dreg:$0x4]  }
0x4: {  	s0 =	rddreg [dreg:$0x5]  }
0x5: {  	s16 =	rddreg [dreg:$0x6]  }
0x6: {  	s17 =	rddreg [dreg:$0x7]  }
0x7: {  	s8 =	rddreg [dreg:$0x8]  }
0x8: {  	s10 =	rddreg [dreg:$0x9]  }
0x9: {  	s11 =	simm.s32 $0x0;
	s2 =	srdreg.scid;
	s9 =	stileid.u32  }
0xa: {  	s29 =	simm.s32 $0xAC80;
	s30 =	simm.s32 $0x7;
	s31 =	simm.s32 $0x100  }
0xb: {  	s28 =	simm.s32 $0x2;
	[smem:$0x7FF] =	sst s11;
	s2 =	sand.u32 $0x1, s2  }
0xc: {  	s3 =	sshll.u32 s9, $0x1;
	s6 =	sshll.u32 s9, $0xB;
	s7 =	sor.u32 $0x10, s9  }
0xd: {  	p1 =	sgt.u32 s9, $0x2;
	_ =	strace $0x80000047;
	s4 =	ssub.s32 $0x2, s2  }
0xe: {  	s3 =	sor.u32 s2, s3;
	s23 =	sshrl.u32 s6, $0x2;
	s24 =	sshll.u32 s7, $0x9  }
0xf: {  	s13 =	smul.u32 $0x138800, s2;
	p0 =	seq.s32 s2, $0x1;
	s21 =	sshll.u32 s7, $0x6  }
0x10: {  	s7 =	simm.s32 $0x300;
	s5 =	sshrl.u32 s4, $0x1;
	s3 =	smul.u32 $0x2710, s3  }
0x11: {  	s20 =	sadd.s32 s23, s10;
	s24 =	sadd.s32 s24, s10;
	s22 =	sadd.s32 s16, s21  }
0x12: {  	s2 =	simm.s32 @!p0 $0x0;
	s4 =	ssub.s32 s4, s5;
	[dreg:$0x15] =	wrdreg s22  }
0x13: {  	s2 =	simm.s32 @p0 $0x1;
	p0 =	sne.s32 @p1 s9, $0x3;
	[dreg:$0xb] =	wrdreg s20  }
0x14: {  	s22 =	simm.s32 $0x4;
	[dreg:$0xc] =	wrdreg s24;
	s12 =	sshrl.u32 s3, $0x3  }
0x15: {  	[smem:$0x7FD] =	sst s2;
	s23 =	smax.u32 s4, $0x1;
	p2 =	por p0, !p1  }
0x16: {  	p3 =	por !p0, !p1;
	s18 =	sadd.s32 s14, s12;
	[dreg:$0x17] =	wrdreg s23  }
0x17: {  	s25 =	sadd.s32 $0xA, s12;
	s12 =	sadd.s32 s15, s12;
	[dreg:$0xd] =	wrdreg s18  }
0x18: {  	s4 =	simm.s32 $0x80;
	s23 =	simm.s32 $0x5300;
	[dreg:$0xe] =	wrdreg s12  }
0x19: {  	s26 =	sadd.s32 s14, s25;
	s5 =	sadd.s32 s15, s25;
	s18 =	sadd.s32 $0xA0, s3  }
0x1a: {  	s14 =	sadd.s32 s6, s13;
	s15 =	sshll.u32 s9, $0x6;
	s3 =	sadd.s32 $0xF0, s3  }
0x1b: {  	s25 =	sadd.s32 $0x2600, s10;
	s12 =	simm.s32 $0xA380;
	[dreg:$0xf] =	wrdreg s26  }
0x1c: {  	s13 =	simm.s32 $0x280;
	[dreg:$0x10] =	wrdreg s5;
	s5 =	sshrl.u32 s14, $0x3  }
0x1d: {  	[dreg:$0x11] =	wrdreg s3;
	s19 =	sadd.s32 s16, s15;
	s2 =	sadd.s32 s17, s15  }
0x1e: {  	s26 =	sadd.s32 s6, s8;
	[dreg:$0x19] =	wrdreg s25;
	s6 =	simm.s32 $0x50  }
.Ltmp0:
0x1f: {  	s14 =	simm.s32 $0x1;
	[dreg:$0x13] =	wrdreg s19;
	(pc) =	sbr.rel .LBB2_1-.Ltmp0, $4  }
0x20: {  	s15 =	simm.s32 $0xA300;
	s16 =	simm.s32 $0x200;
	[dreg:$0x14] =	wrdreg s2  }
0x21: {  	s25 =	simm.s32 $0x5;
	s0 =	sadd.s32 s5, s0;
	[dreg:$0x18] =	wrdreg s26  }
0x22: {  	s3 =	simm.s32 $0x0;
	[dreg:$0x12] =	wrdreg s0;
	s0 =	sadd.s32 s17, s21  }
0x23: {  	v0 =	vimm.f32 $0.0e+00;
	s21 =	simm.s32 $0x180;
	s17 =	simm.s32 $0x3;
	[dreg:$0x16] =	wrdreg s0  }
.LBB2_19:
0x24: {  	s2 =	rddreg [dreg:$0x19]  }
0x25: {  	[tilespmem:s29], [sflag:$0x7] =	stream.linear.gather [spmem:s2], $0x110, $0x38;
	[tilespmem:$0x1E978] =	vst v63  }
0x26: {  	_ =	swait.ge [sflag:s30], $0x110  }
0x27: {  	[sflag:s30] =	ssyncset.done $0x0  }
0x28: {  	s0 =	sadd.s32 $0x4C0, s0;
	[sflag:s30] =	ssyncadd.s32 $0xFFFFFEF0  }
0x29: {  	[hbm4b:s0+s11] =	stream.linear.scatter [tilespmem:s29], [sflag:$0x7], $0x110, $0x38;
	[tilespmem:$0x1E978] =	vst v63  }
0x2a: {  	_ =	swait.ge [sflag:s30], $0x110  }
0x2b: {  	[sflag:s30] =	ssyncset.done $0x0  }
0x2c: {  	[sflag:s30] =	ssyncadd.s32 $0xFFFFFEF0  }
.LBB2_20:
0x2d: {  	s3 =	sadd.s32 $0x1, s3;
	s0 =	rddreg [dreg:$0x17]  }
0x2e: {  	p0 =	sne.s32 s3, s0  }
.Ltmp1:
0x2f: {  	_ = 	snop;
	(pc) =	sbr.rel @!p0 .LBB2_21-.Ltmp1, $1  }
0x30: {  	_ =	sdelay $0x3  }
.LBB2_1:
0x31: {  	[dreg:$0x1a] =	wrdreg s3;
	s0 =	simm.s32 $0x0;
	s2 =	simm.s32 $0x200  }
.LBB2_2:
0x32: {  	p4 =	sne.s32 s2, $0x1E00;
	[tilespmem:s0+$0xA4F0] =	vst v0  }
0x33: {  	[tilespmem:s0+$0xA480] =	vst v0  }
0x34: {  	[tilespmem:s0+$0xA490] =	vst v0  }
.Ltmp2:
0x35: {  	[tilespmem:s0+$0xA4A0] =	vst v0;
	(pc) =	sbr.rel @p4 .LBB2_2-.Ltmp2, $4  }
0x36: {  	[tilespmem:s0+$0xA4B0] =	vst v0  }
0x37: {  	[tilespmem:s0+$0xA4C0] =	vst v0  }
0x38: {  	[tilespmem:s0+$0xA4D0] =	vst v0  }
0x39: {  	[tilespmem:s0+$0xA4E0] =	vst v0;
	s0 =	sshra.s32 s2, $0x2;
	s2 =	sadd.s32 $0x200, s2  }
0x3a: {  	[tilespmem:s0+$0xA4F0] =	vst v0  }
0x3b: {  	[tilespmem:s0+$0xA480] =	vst v0  }
0x3c: {  	[tilespmem:s0+$0xA490] =	vst v0  }
0x3d: {  	[tilespmem:s0+$0xA4A0] =	vst v0  }
0x3e: {  	[tilespmem:s0+$0xA4B0] =	vst v0  }
0x3f: {  	[tilespmem:s0+$0xA4C0] =	vst v0  }
0x40: {  	[tilespmem:s0+$0xA4D0] =	vst v0  }
0x41: {  	[tilespmem:s0+$0xA4E0] =	vst v0  }
0x42: {  	[tilespmem:$0xAC80] =	vst v0  }
0x43: {  	[tilespmem:$0xAC90] =	vst v0  }
0x44: {  	[tilespmem:$0xACA0] =	vst v0  }
0x45: {  	[tilespmem:$0xACB0] =	vst v0  }
0x46: {  	[tilespmem:$0xACC0] =	vst v0  }
0x47: {  	[tilespmem:$0xACD0] =	vst v0  }
0x48: {  	[tilespmem:$0xACE0] =	vst v0  }
0x49: {  	[tilespmem:$0xACF0] =	vst v0  }
0x4a: {  	[tilespmem:$0xAD00] =	vst v0  }
0x4b: {  	[tilespmem:$0xAD10] =	vst v0  }
0x4c: {  	[tilespmem:$0xAD20] =	vst v0  }
0x4d: {  	[tilespmem:$0xAD30] =	vst v0  }
0x4e: {  	[tilespmem:$0xAD40] =	vst v0  }
0x4f: {  	[tilespmem:$0xAD50] =	vst v0  }
0x50: {  	[tilespmem:$0xAD60] =	vst v0  }
0x51: {  	[tilespmem:$0xAD70] =	vst v0  }
0x52: {  	[tilespmem:$0xAD80] =	vst v0  }
0x53: {  	[tilespmem:$0xAD90] =	vst v0  }
0x54: {  	[tilespmem:$0xADA0] =	vst v0  }
0x55: {  	[tilespmem:$0xADB0] =	vst v0  }
0x56: {  	[tilespmem:$0xADC0] =	vst v0  }
0x57: {  	[tilespmem:$0xADD0] =	vst v0  }
0x58: {  	[tilespmem:$0xADE0] =	vst v0  }
0x59: {  	[tilespmem:$0xADF0] =	vst v0  }
0x5a: {  	[tilespmem:$0xAE00] =	vst v0  }
0x5b: {  	[tilespmem:$0xAE10] =	vst v0  }
0x5c: {  	[tilespmem:$0xAE20] =	vst v0  }
0x5d: {  	[tilespmem:$0xAE30] =	vst v0  }
0x5e: {  	[tilespmem:$0xAE40] =	vst v0  }
0x5f: {  	s19 =	sadd.s32 $0x0, s9;
	[tilespmem:$0xAE50] =	vst v0  }
0x60: {  	[tilespmem:$0xAE60] =	vst v0;
	p4 =	sgt.u32 s19, $0x270  }
0x61: {  	[tilespmem:$0xAE70] =	vst v0;
	s0 =	simm.s32 @!p4 $0xA480;
	s5 =	simm.s32 @!p4 $0x7  }
0x62: {  	[spmem:s26] =	stream.linear.scatter @!p4 [tilespmem:s0], [sflag:$0x7], $0x800, $0x38;
	[tilespmem:$0x1E978] =	vst v63  }
0x63: {  	s2 =	simm.s32 $0x10;
	_ =	swait.ge @!p4 [sflag:s5], $0x800  }
0x64: {  	s3 =	simm.s32 $0x20;
	s0 =	sadd.s32 $0x8000, s26;
	[sflag:s5] =	ssyncset.done @!p4 $0x0  }
.LBB2_4:
0x65: {  	s19 =	sadd.s32 s2, s9;
	s2 =	smov.u32 s3;
	s3 =	sadd.s32 $0x10, s3  }
0x66: {  	[sflag:s5] =	ssyncadd.s32 @!p4 $0xFFFFF800;
	p0 =	sne.s32 s3, $0x280  }
.Ltmp3:
0x67: {  	p4 =	sgt.u32 s19, $0x270;
	(pc) =	sbr.rel @p0 .LBB2_4-.Ltmp3, $4  }
0x68: {  	s19 =	simm.s32 @!p4 $0xA480;
	s5 =	simm.s32 @!p4 $0x7  }
0x69: {  	[spmem:s0] =	stream.linear.scatter @!p4 [tilespmem:s19], [sflag:$0x7], $0x800, $0x38;
	[tilespmem:$0x1E978] =	vst v63  }
0x6a: {  	_ =	swait.ge @!p4 [sflag:s5], $0x800  }
0x6b: {  	s0 =	sadd.s32 $0x8000, s0;
	[sflag:s5] =	ssyncset.done @!p4 $0x0  }
0x6c: {  	s2 =	sadd.s32 s2, s9  }
0x6d: {  	p0 =	sgt.u32 s2, $0x270  }
0x6e: {  	[sflag:s5] =	ssyncadd.s32 @!p4 $0xFFFFF800;
	s2 =	simm.s32 @!p0 $0xA480;
	s3 =	simm.s32 @!p0 $0x7  }
0x6f: {  	[spmem:s0] =	stream.linear.scatter @!p0 [tilespmem:s2], [sflag:$0x7], $0x800, $0x38;
	[tilespmem:$0x1E978] =	vst v63  }
0x70: {  	_ =	swait.ge @!p0 [sflag:s3], $0x800  }
0x71: {  	[sflag:s3] =	ssyncset.done @!p0 $0x0  }
0x72: {  	[sflag:s3] =	ssyncadd.s32 @!p0 $0xFFFFF800  }
0x73: {  	[spmem:s20] =	stream.linear.scatter [tilespmem:s29], [sflag:$0x7], $0x200, $0x38;
	[tilespmem:$0x1E978] =	vst v63  }
0x74: {  	_ =	swait.ge [sflag:s30], $0x200  }
0x75: {  	[sflag:s30] =	ssyncset.done $0x0  }
0x76: {  	s0 =	simm.s32 @!p2 $0xAC80;
	s2 =	rddreg [dreg:$0x19];
	[sflag:s30] =	ssyncadd.s32 $0xFFFFFE00  }
0x77: {  	[spmem:s2] =	stream.linear.scatter @!p2 [tilespmem:s0], [sflag:$0x7], $0x110, $0x38;
	[tilespmem:$0x1E978] =	vst v63  }
0x78: {  	s0 =	simm.s32 @!p2 $0x7  }
0x79: {  	_ =	swait.ge @!p2 [sflag:s0], $0x110  }
0x7a: {  	[sflag:s0] =	ssyncset.done @!p2 $0x0  }
0x7b: {  	[sflag:s0] =	ssyncadd.s32 @!p2 $0xFFFFFEF0;
	s0 =	simm.s32 @!p1 $0xAC80  }
0x7c: {  	[spmem:s24] =	stream.linear.scatter @!p1 [tilespmem:s0], [sflag:$0x7], $0x200, $0x38;
	[tilespmem:$0x1E978] =	vst v63  }
0x7d: {  	s0 =	simm.s32 @!p1 $0x7  }
0x7e: {  	_ =	swait.ge @!p1 [sflag:s0], $0x200  }
0x7f: {  	[sflag:s0] =	ssyncset.done @!p1 $0x0  }
0x80: {  	[sflag:s0] =	ssyncadd.s32 @!p1 $0xFFFFFE00  }
0x81: {  	[bflag:$0x0] =	sbarrier.arrive $0xFFFF  }
0x82: {  	s3 =	simm.s32 $0xA400;
	s20 =	simm.s32 $0x0;
	s2 =	rddreg [dreg:$0x2]  }
0x83: {  	[tilespmem:s3], [sflag:$0x7] =	stream.linear.gather [hbm4b:s2+s20], $0x80, $0x38;
	[tilespmem:$0x1E978] =	vst v63  }
0x84: {  	_ =	swait.ge [sflag:s30], $0x80  }
0x85: {  	[sflag:s30] =	ssyncset.done $0x0  }
0x86: {  	[sflag:s30] =	ssyncadd.s32 $0xFFFFFF80  }
0x87: {  	v8 =	vld [tilespmem:$0xA400]  }
0x88: {  	v7 =	vld [tilespmem:$0xA410]  }
0x89: {  	v6 =	vld [tilespmem:$0xA420]  }
0x8a: {  	v5 =	vld [tilespmem:$0xA430]  }
0x8b: {  	v4 =	vld [tilespmem:$0xA440]  }
0x8c: {  	v3 =	vld [tilespmem:$0xA450]  }
0x8d: {  	s5 =	rddreg [dreg:$0xd];
	v2 =	vld [tilespmem:$0xA460]  }
0x8e: {  	v1 =	vld [tilespmem:$0xA470];
	[tilespmem:s20], [sflag:$0x7] =	stream.linear.gather [hbm4b:s5+s20], $0x50, $0x38  }
0x8f: {  	_ =	swait.ge [sflag:s30], $0x50  }
0x90: {  	[sflag:s30] =	ssyncset.done $0x0  }
0x91: {  	s19 =	rddreg [dreg:$0xe];
	[sflag:s30] =	ssyncadd.s32 $0xFFFFFFB0  }
0x92: {  	[tilespmem:s4], [sflag:$0x7] =	stream.linear.gather [hbm4b:s19+s20], $0x50, $0x38;
	[tilespmem:$0x1E978] =	vst v63  }
0x93: {  	_ =	swait.ge [sflag:s30], $0x50  }
0x94: {  	[sflag:s30] =	ssyncset.done $0x0  }
0x95: {  	[sflag:s30] =	ssyncadd.s32 $0xFFFFFFB0  }
0x96: {  	s24 =	rddreg [dreg:$0x0]  }
0x97: {  	[tilespmem:s7], [sflag:$0x1] =	stream.indirect.gather [hbm4b:s24+s6], $0x80, s20, s6, $0xb8;
	[tilespmem:$0x1E978] =	vst v63  }
0x98: {  	s26 =	simm.s32 $0x2B00;
	p4 =	por @!p2 $0x1, $0x1;
	p0 =	por @p1 $0x0, $0x0  }
0x99: {  	[tilespmem:s26], [sflag:$0x1] =	stream.indirect.gather [hbm4b:s1+s6], $0x80, s4, s6, $0xb8;
	[tilespmem:$0x1E978] =	vst v63  }
0x9a: {  	p4 =	por @!p3 p0, p0;
	p0 =	por @!p1 $0x0, $0x0;
	s29 =	rddreg [dreg:$0xf]  }
0x9b: {  	[tilespmem:s31], [sflag:$0x4] =	stream.linear.gather [hbm4b:s29+s20], $0x50, $0x38;
	[tilespmem:$0x1E978] =	vst v63  }
0x9c: {  	p4 =	por @!p1 p0, p0;
	s30 =	rddreg [dreg:$0x10];
	s26 =	simm.s32 $0x0  }
0x9d: {  	[tilespmem:s21], [sflag:$0x4] =	stream.linear.gather [hbm4b:s30+s20], $0x50, $0x38;
	[tilespmem:$0x1E978] =	vst v63  }
.LBB2_6:
0x9e: {  	_ =	swait.ge [sflag:s22], $0x50  }
0x9f: {  	[sflag:s22] =	ssyncset.done $0x0  }
0xa0: {  	[sflag:s22] =	ssyncadd.s32 $0xFFFFFFB0  }
0xa1: {  	_ =	swait.ge [sflag:s22], $0x50  }
0xa2: {  	p0 =	seq.s32 s26, $0x0;
	[sflag:s22] =	ssyncset.done $0x0  }
0xa3: {  	s0 =	simm.s32 @!p0 $0x6;
	[sflag:s22] =	ssyncadd.s32 $0xFFFFFFB0  }
0xa4: {  	_ =	swait.ge @!p0 [sflag:s0], $0x2800  }
0xa5: {  	[sflag:s0] =	ssyncset.done @!p0 $0x0  }
0xa6: {  	[sflag:s0] =	ssyncadd.s32 @!p0 $0xFFFFD800  }
0xa7: {  	_ =	swait.ge @!p0 [sflag:s0], $0x50  }
0xa8: {  	[sflag:s0] =	ssyncset.done @!p0 $0x0  }
0xa9: {  	[sflag:s0] =	ssyncadd.s32 @!p0 $0xFFFFFFB0  }
0xaa: {  	s0 =	rddreg [dreg:$0x0]  }
0xab: {  	[tilespmem:s23], [sflag:$0x2] =	stream.indirect.gather [hbm4b:s0+s6], $0x80, s31, s6, $0xb8;
	[tilespmem:$0x1E978] =	vst v63  }
0xac: {  	s3 =	simm.s32 $0x7B00  }
0xad: {  	[tilespmem:s3], [sflag:$0x2] =	stream.indirect.gather [hbm4b:s1+s6], $0x80, s21, s6, $0xb8;
	[tilespmem:$0x1E978] =	vst v63  }
0xae: {  	_ =	swait.ge [sflag:s14], $0x2800  }
0xaf: {  	[sflag:s14] =	ssyncset.done $0x0  }
0xb0: {  	[sflag:s14] =	ssyncadd.s32 $0xFFFFD800  }
0xb1: {  	_ =	swait.ge [sflag:s14], $0x2800  }
0xb2: {  	[sflag:s14] =	ssyncset.done $0x0  }
0xb3: {  	[sflag:s14] =	ssyncadd.s32 $0xFFFFD800  }
0xb4: {  	v9 =	vld [tilespmem:$0x80]  }
0xb5: {  	v10 =	vld [tilespmem:$0x90]  }
0xb6: {  	v11 =	vld [tilespmem:$0xA0]  }
0xb7: {  	v12 =	vld [tilespmem:$0xB0]  }
0xb8: {  	v13 =	vld [tilespmem:$0xC0]  }
0xb9: {  	[tilespmem:$0x200] =	vst v9  }
0xba: {  	[tilespmem:$0x210] =	vst v10  }
0xbb: {  	[tilespmem:$0x220] =	vst v11  }
0xbc: {  	[tilespmem:$0x230] =	vst v12  }
0xbd: {  	s30 =	simm.s32 $0x340;
	[tilespmem:$0x240] =	vst v13  }
0xbe: {  	s5 =	simm.s32 $0x2B40;
	v11 =	vld [tilespmem:s30+$0x30]  }
0xbf: {  	v20 =	vld [tilespmem:s5+$0x30]  }
0xc0: {  	v9 =	vld [tilespmem:s30+$0x20]  }
0xc1: {  	v21 =	vld [tilespmem:s5+$0x20]  }
0xc2: {  	v15 =	vld [tilespmem:s30+$0xFFFFFFC0]  }
0xc3: {  	v10 =	vld [tilespmem:s5+$0xFFFFFFC0]  }
0xc4: {  	v17 =	vld [tilespmem:s30+$0xFFFFFFD0]  }
0xc5: {  	v13 =	vld [tilespmem:s5+$0xFFFFFFD0]  }
0xc6: {  	v18 =	vld [tilespmem:s30+$0xFFFFFFE0]  }
0xc7: {  	v19 =	vld [tilespmem:s5+$0xFFFFFFE0]  }
0xc8: {  	v14 =	vld [tilespmem:s30+$0xFFFFFFF0];
	v10 =	vadd.f32 v10, v15  }
0xc9: {  	v22 =	vld [tilespmem:s5+$0xFFFFFFF0]  }
0xca: {  	v12 =	vld [tilespmem:s30+$0x0];
	v13 =	vadd.f32 v13, v17;
	v23 =	vmul.f32 $2.000000030e-01, v10  }
0xcb: {  	v24 =	vld [tilespmem:s5+$0x0]  }
0xcc: {  	v16 =	vld [tilespmem:s30+$0x10];
	v25 =	vadd.f32 v19, v18;
	v10 =	vmax.f32 v10, v23;
	v23 =	vmul.f32 $2.000000030e-01, v13  }
0xcd: {  	s19 =	simm.s32 $0x2BC0;
	v26 =	vld [tilespmem:s5+$0x10];
	v19 =	vmul.f32 v10, v8  }
0xce: {  	v31 =	vld [tilespmem:s19+$0x30];
	v22 =	vadd.f32 v22, v14;
	v13 =	vmax.f32 v13, v23;
	v23 =	vmul.f32 $2.000000030e-01, v25  }
0xcf: {  	v28 =	vld [tilespmem:s19+$0x20];
	v27 =	vadd.f32 $0.0e+00, v19;
	v13 =	vmul.f32 v13, v7  }
0xd0: {  	v29 =	vld [tilespmem:s19+$0x10];
	v24 =	vadd.f32 v24, v12;
	v23 =	vmax.f32 v25, v23;
	v25 =	vmul.f32 $2.000000030e-01, v22  }
0xd1: {  	v33 =	vld [tilespmem:s19+$0xFFFFFFD0];
	v27 =	vadd.f32 v13, v27;
	v23 =	vmul.f32 v23, v6  }
0xd2: {  	v50 =	vld [tilespmem:s19+$0xFFFFFFF0];
	v26 =	vadd.f32 v26, v16;
	v22 =	vmax.f32 v22, v25;
	v25 =	vmul.f32 $2.000000030e-01, v24  }
0xd3: {  	s29 =	simm.s32 $0x3C0;
	v36 =	vld [tilespmem:s19+$0x0];
	v23 =	vadd.f32 v23, v27;
	v22 =	vmul.f32 v22, v5  }
0xd4: {  	v30 =	vmul.f32 $2.000000030e-01, v26;
	v27 =	vadd.f32 v21, v9;
	v21 =	vld [tilespmem:s29+$0xFFFFFFC0];
	v24 =	vmax.f32 v24, v25  }
0xd5: {  	s3 =	simm.s32 $0x2C40;
	v25 =	vld [tilespmem:s19+$0xFFFFFFC0];
	v23 =	vadd.f32 v22, v23;
	v24 =	vmul.f32 v24, v4  }
0xd6: {  	v37 =	vld [tilespmem:s3+$0x30];
	v20 =	vadd.f32 v20, v11;
	v26 =	vmax.f32 v26, v30;
	v32 =	vmul.f32 $2.000000030e-01, v27  }
0xd7: {  	v30 =	vmul.f32 v26, v3;
	v22 =	vld [tilespmem:s29+$0xFFFFFFD0];
	v24 =	vadd.f32 v24, v23  }
0xd8: {  	v34 =	vmul.f32 $2.000000030e-01, v20;
	v27 =	vmax.f32 v27, v32;
	v23 =	vld [tilespmem:s29+$0xFFFFFFE0]  }
0xd9: {  	v32 =	vmul.f32 v27, v2;
	v24 =	vadd.f32 v30, v24;
	v30 =	vld [tilespmem:s19+$0xFFFFFFE0]  }
0xda: {  	v48 =	vld [tilespmem:s3+$0x20];
	v20 =	vmax.f32 v20, v34;
	v35 =	vadd.f32 v25, v21  }
0xdb: {  	v20 =	vmul.f32 v20, v1;
	v27 =	vld [tilespmem:s29+$0xFFFFFFF0];
	v24 =	vadd.f32 v32, v24  }
0xdc: {  	v19 =	vld [tilespmem:s29+$0x20];
	v33 =	vadd.f32 v33, v22;
	v51 =	vmul.f32 $2.000000030e-01, v35  }
0xdd: {  	v26 =	vmov s20;
	v25 =	vld [tilespmem:s29+$0x0];
	v20 =	vadd.f32 v20, v24  }
0xde: {  	v13 =	vld [tilespmem:s29+$0x10];
	v52 =	vmul.f32 $2.000000030e-01, v33;
	v24 =	vmax.f32 v35, v51;
	v30 =	vadd.f32 v30, v23  }
0xdf: {  	v60 =	vld [tilespmem:s3+$0xFFFFFFC0];
	v24 =	vmul.f32 v24, v8;
	(xrf2) =	vadd.scan.msk.f32 $0xffff, v20  }
0xe0: {  	v43 =	vld [tilespmem:s3+$0xFFFFFFD0];
	v32 =	vadd.f32 v50, v27;
	v33 =	vmax.f32 v33, v52;
	v53 =	vmul.f32 $2.000000030e-01, v30  }
0xe1: {  	v10 =	vld [tilespmem:s29+$0x30];
	v39 =	vadd.f32 v28, v19;
	v33 =	vmul.f32 v33, v7;
	v54 =	vadd.f32 $0.0e+00, v24  }
0xe2: {  	v46 =	vld.idx.msk [tilespmem:v26+s11+$0x0], $0xffff;
	v38 =	vadd.f32 v36, v25;
	v55 =	vmul.f32 $2.000000030e-01, v32;
	v30 =	vmax.f32 v30, v53  }
0xe3: {  	s2 =	simm.s32 $0x440;
	v47 =	vld.idx.msk [tilespmem:v26+s4+$0x0], $0xffff;
	v56 =	vadd.f32 v29, v13;
	v33 =	vadd.f32 v33, v54;
	v30 =	vmul.f32 v30, v6  }
0xe4: {  	v28 =	vld [tilespmem:s2+$0xFFFFFFC0];
	v58 =	vmul.f32 $2.000000030e-01, v39;
	v57 =	vmul.f32 $2.000000030e-01, v38;
	v32 =	vmax.f32 v32, v55  }
0xe5: {  	v29 =	vld [tilespmem:s2+$0x10];
	v40 =	vmul.f32 $2.000000030e-01, v56;
	v32 =	vmul.f32 v32, v5;
	v33 =	vadd.f32 v30, v33  }
0xe6: {  	v62 =	vmax.f32 v39, v58;
	v39 =	vld [tilespmem:s3+$0x0];
	v34 =	vmax.f32 v38, v57  }
0xe7: {  	v59 =	vmax.f32 v56, v40;
	v40 =	vld [tilespmem:s3+$0xFFFFFFF0];
	v34 =	vmul.f32 v34, v4;
	v33 =	vadd.f32 v32, v33  }
0xe8: {  	v31 =	vadd.f32 v31, v10;
	v20 =	vld [tilespmem:s2+$0x30]  }
0xe9: {  	v41 =	vmul.f32 v59, v3;
	v24 =	vld [tilespmem:s2+$0x20];
	v61, _, _ =	vpop (xrf2);
	v33 =	vadd.f32 v34, v33  }
0xea: {  	s24 =	simm.s32 $0x1;
	v42 =	vmul.f32 $2.000000030e-01, v31;
	v32 =	vld [tilespmem:s2+$0xFFFFFFD0];
	v63 =	vmul.f32 $1.442695020e+00, v61  }
0xeb: {  	v44 =	vmul.f32 v62, v2;
	v35 =	vmov s24;
	v34 =	vld [tilespmem:s2+$0xFFFFFFE0];
	v33 =	vadd.f32 v41, v33  }
0xec: {  	v31 =	vmax.f32 v31, v42;
	v41 =	vld [tilespmem:s3+$0xFFFFFFE0];
	v38 =	vbroadcast v63, $0xF  }
0xed: {  	v31 =	vmul.f32 v31, v1;
	v42 =	vadd.f32 v60, v28;
	v30 =	vld [tilespmem:s2+$0x0];
	v49 =	vadd.f32 v44, v33  }
0xee: {  	v36 =	vld [tilespmem:s3+$0x10];
	(erf) = vpow2.f32 v38  }
0xef: {  	v45 =	vmul.f32 $2.000000030e-01, v42;
	v33 =	vld [tilespmem:s2+$0xFFFFFFF0];
	v44 =	vadd.f32 v43, v32;
	v43 =	vadd.f32 v31, v49  }
0xf0: {  	s5 =	simm.s32 $0x2;
	vm0 =	veq.s32 v46, v47;
	s19 =	simm.s32 $0x3;
	s24 =	simm.s32 $0x440;
	v37 =	vadd.f32 v37, v20;
	v38 =	vadd.f32 v48, v24;
	v31 =	vld.idx.msk [tilespmem:v35+s11+$0x0], $0xffff  }
.LBB2_7:
0xf1: {  	v42 =	vmax.f32 v42, v45;
	v45 =	vmul.f32 $2.000000030e-01, v44;
	v41 =	vadd.f32 v41, v34;
	(xrf2) =	vadd.scan.msk.f32 $0xffff, v43  }
0xf2: {  	p5 =	sne.s32 s19, $0x4F;
	s2 =	sadd.s32 $0x80, s2;
	v46 =	vld.idx.msk [tilespmem:v35+s4+$0x0], $0xffff;
	v43 =	vmovc v25;
	v25 =	vmovc v30;
	v47 =	vmov v17;
	v17 =	vmov v22;
	v22 =	vmov v32  }
0xf3: {  	s3 =	sadd.s32 $0x80, s3;
	v49 =	vmovc v26;
	v48 =	vld [tilespmem:s2+$0x30];
	v30 =	vmul.f32 v42, v8;
	v32 =	vadd.f32 v39, v25;
	v39 =	vadd.f32 v36, v29  }
0xf4: {  	v26 =	vmovc v35;
	v35 =	vmovc v18;
	v50 =	vld [tilespmem:s3+$0x30];
	v36 =	vmax.f32 v44, v45;
	v42 =	vmul.f32 $2.000000030e-01, v41;
	v40 =	vadd.f32 v40, v33  }
0xf5: {  	v18 =	vmovc v23;
	v23 =	vmovc v34;
	v45 =	vmul.f32 $2.000000030e-01, v37;
	v44 =	vld [tilespmem:s2+$0x20];
	v30 =	vadd.f32 $0.0e+00, v30;
	v36 =	vmul.f32 v36, v7  }
0xf6: {  	v52 =	vmovc v14;
	v14 =	vmovc v27;
	v51 =	vld [tilespmem:s3+$0x20];
	v34 =	vmax.f32 v41, v42;
	v41 =	vmul.f32 $2.000000030e-01, v40;
	v42 =	vmul.f32 $2.000000030e-01, v38  }
0xf7: {  	v55 =	vmul.f32 $2.000000030e-01, v39;
	v53 =	vld [tilespmem:s2+$0x10];
	v54 =	vadd.f32 v36, v30;
	v34 =	vmul.f32 v34, v6;
	v27 =	vpop (erf)  }
0xf8: {  	v36 =	vld [tilespmem:s3+$0x10];
	v40 =	vmax.f32 v40, v41;
	v41 =	vmul.f32 $2.000000030e-01, v32;
	v56 =	vsel vm0, $0x0, v27;
	v27 =	vmovc v33  }
0xf9: {  	v30 =	vld [tilespmem:s2+$0x0];
	v33 =	vadd.f32 v34, v54;
	v34 =	vmul.f32 v40, v5;
	v40 =	vmul.f32 v56, v15;
	v15 =	vmovc v21  }
0xfa: {  	v55 =	vmax.f32 v39, v55;
	v47 =	vmul.f32 v56, v47;
	v21 =	vmovc v28;
	v32 =	vmax.f32 v32, v41;
	v28 =	vld [tilespmem:s2+$0xFFFFFFC0]  }
0xfb: {  	v35 =	vmul.f32 v56, v35;
	v54 =	vld [tilespmem:s3+$0xFFFFFFC0];
	v33 =	vadd.f32 v34, v33;
	v34 =	vmul.f32 v32, v4;
	[tilespmem:s30+$0xFFFFFFC0] =	vst v40  }
0xfc: {  	v38 =	vmax.f32 v38, v42;
	v42 =	vmul.f32 v56, v52;
	v40 =	vmul.f32 v55, v3;
	v39 =	vld [tilespmem:s3+$0x0];
	v41, _, _ =	vpop (xrf2);
	[tilespmem:s30+$0xFFFFFFD0] =	vst v47  }
0xfd: {  	v47 =	vmul.f32 v56, v12;
	v12 =	vmovc v43;
	v32 =	vld [tilespmem:s2+$0xFFFFFFD0];
	v33 =	vadd.f32 v34, v33;
	v41 =	vmul.f32 $1.442695020e+00, v41;
	[tilespmem:s30+$0xFFFFFFE0] =	vst v35  }
0xfe: {  	v38 =	vmul.f32 v38, v2;
	v52 =	vmul.f32 v56, v16;
	v16 =	vmovc v13;
	v13 =	vmovc v29;
	v35 =	vmov s5;
	s5 =	smov.u32 s19;
	v43 =	vld [tilespmem:s3+$0xFFFFFFD0];
	[tilespmem:s30+$0xFFFFFFF0] =	vst v42  }
0xff: {  	v34 =	vld [tilespmem:s2+$0xFFFFFFE0];
	v55 =	vadd.f32 v40, v33;
	v40 =	vbroadcast v41, $0xF;
	[tilespmem:s30+$0x0] =	vst v47;
	v47 =	vmul.f32 v56, v9;
	v9 =	vmovc v19  }
.Ltmp4:
0x100: {  	v45 =	vmax.f32 v37, v45;
	v37 =	vmul.f32 v56, v11;
	v42 =	vadd.f32 v54, v28;
	v41 =	vld [tilespmem:s3+$0xFFFFFFE0];
	[tilespmem:s30+$0x10] =	vst v52;
	(pc) =	sbr.rel @p5 .LBB2_7-.Ltmp4, $4  }
0x101: {  	v11 =	vmovc v10;
	v52 =	vmul.f32 v45, v1;
	v33 =	vld [tilespmem:s2+$0xFFFFFFF0];
	v38 =	vadd.f32 v38, v55;
	(erf) = vpow2.f32 v40;
	[tilespmem:s30+$0x20] =	vst v47  }
0x102: {  	v10 =	vmovc v20;
	v20 =	vmovc v48;
	v29 =	vmov v53;
	v19 =	vmov v24;
	v24 =	vmov v44;
	v40 =	vld [tilespmem:s3+$0xFFFFFFF0];
	[tilespmem:s30+$0x30] =	vst v37;
	s30 =	smov.u32 s29;
	s29 =	smov.u32 s24;
	s24 =	smov.u32 s2  }
0x103: {  	v45 =	vmul.f32 $2.000000030e-01, v42;
	v44 =	vadd.f32 v43, v32;
	v43 =	vadd.f32 v52, v38;
	[tilespmem:v49+s15+$0x0] =	vst.idx.msk $0x1, v56  }
0x104: {  	vm0 =	veq.s32 v31, v46;
	s19 =	sadd.s32 $0x1, s19;
	v37 =	vadd.f32 v50, v20;
	v38 =	vadd.f32 v51, v24;
	v31 =	vld.idx.msk [tilespmem:v35+s11+$0x0], $0xffff  }
0x105: {  	v42 =	vmax.f32 v42, v45;
	v63 =	vmul.f32 $2.000000030e-01, v44;
	v41 =	vadd.f32 v41, v34  }
0x106: {  	v42 =	vmul.f32 v42, v8  }
0x107: {  	v44 =	vmax.f32 v44, v63;
	v48 =	vmul.f32 $2.000000030e-01, v41;
	v40 =	vadd.f32 v40, v33  }
0x108: {  	v42 =	vadd.f32 $0.0e+00, v42;
	v44 =	vmul.f32 v44, v7  }
0x109: {  	v39 =	vadd.f32 v39, v30;
	v41 =	vmax.f32 v41, v48;
	v49 =	vmul.f32 $2.000000030e-01, v40  }
0x10a: {  	v42 =	vadd.f32 v44, v42;
	v41 =	vmul.f32 v41, v6  }
0x10b: {  	v36 =	vadd.f32 v36, v29;
	v50 =	vmul.f32 $2.000000030e-01, v39;
	v40 =	vmax.f32 v40, v49  }
0x10c: {  	v41 =	vadd.f32 v41, v42;
	v40 =	vmul.f32 v40, v5  }
0x10d: {  	v51 =	vmul.f32 $2.000000030e-01, v36;
	v39 =	vmax.f32 v39, v50  }
0x10e: {  	v39 =	vmul.f32 v39, v4;
	v40 =	vadd.f32 v40, v41  }
0x10f: {  	(xrf2) =	vadd.scan.msk.f32 $0xffff, v43;
	v52 =	vmul.f32 $2.000000030e-01, v38;
	v36 =	vmax.f32 v36, v51  }
0x110: {  	v36 =	vmul.f32 v36, v3;
	v39 =	vadd.f32 v39, v40  }
0x111: {  	v53 =	vmul.f32 $2.000000030e-01, v37;
	v38 =	vmax.f32 v38, v52  }
0x112: {  	v38 =	vmul.f32 v38, v2;
	v36 =	vadd.f32 v36, v39  }
0x113: {  	v37 =	vmax.f32 v37, v53  }
0x114: {  	v37 =	vmul.f32 v37, v1;
	v36 =	vadd.f32 v38, v36;
	_ =	sdelay $0x1  }
0x115: {  	v36 =	vadd.f32 v37, v36;
	_ =	sdelay $0x1  }
0x116: {  	(xrf2) =	vadd.scan.msk.f32 $0xffff, v36  }
0x117: {  	v54, _, _ =	vpop (xrf2)  }
0x118: {  	v36 =	vmul.f32 $1.442695020e+00, v54;
	_ =	sdelay $0x1  }
0x119: {  	v36 =	vbroadcast v36, $0xF;
	_ =	sdelay $0x1  }
0x11a: {  	v55 =	vpop (erf);
	(erf) = vpow2.f32 v36  }
0x11b: {  	v56 =	vsel vm0, $0x0, v55  }
0x11c: {  	v15 =	vmul.f32 v56, v15  }
0x11d: {  	v17 =	vmul.f32 v56, v17  }
0x11e: {  	v57 =	vld.idx.msk [tilespmem:v35+s4+$0x0], $0xffff;
	v14 =	vmul.f32 v56, v14;
	[tilespmem:s30+$0xFFFFFFC0] =	vst v15;
	v15 =	vmul.f32 v56, v18;
	v18, _, _ =	vpop (xrf2)  }
0x11f: {  	v12 =	vmul.f32 v56, v12;
	[tilespmem:s30+$0xFFFFFFD0] =	vst v17;
	v17 =	vmul.f32 $1.442695020e+00, v18  }
0x120: {  	v9 =	vmul.f32 v56, v9;
	[tilespmem:s30+$0xFFFFFFF0] =	vst v14  }
0x121: {  	v14 =	vmul.f32 v56, v16;
	[tilespmem:s30+$0xFFFFFFE0] =	vst v15;
	v15 =	vmov s5;
	v16 =	vbroadcast v17, $0xF  }
0x122: {  	v11 =	vmul.f32 v56, v11;
	[tilespmem:s30+$0x0] =	vst v12  }
0x123: {  	vm0 =	veq.s32 v31, v57;
	[tilespmem:s30+$0x20] =	vst v9;
	v12 =	vpop (erf);
	(erf) = vpow2.f32 v16  }
0x124: {  	[tilespmem:s30+$0x30] =	vst v11;
	v9 =	vsel vm0, $0x0, v12  }
0x125: {  	[tilespmem:s30+$0x10] =	vst v14;
	v11 =	vmul.f32 v9, v21  }
0x126: {  	[tilespmem:v26+s15+$0x0] =	vst.idx.msk $0x1, v56;
	v12 =	vld.idx.msk [tilespmem:v15+s11+$0x0], $0xffff;
	v14 =	vmul.f32 v9, v22  }
0x127: {  	v16 =	vld.idx.msk [tilespmem:v15+s4+$0x0], $0xffff;
	[tilespmem:s29+$0xFFFFFFC0] =	vst v11;
	v11 =	vmul.f32 v9, v23  }
0x128: {  	v13 =	vmul.f32 v9, v13;
	[tilespmem:s29+$0xFFFFFFD0] =	vst v14  }
0x129: {  	[tilespmem:s29+$0xFFFFFFE0] =	vst v11;
	v11 =	vmul.f32 v9, v25  }
0x12a: {  	v10 =	vmul.f32 v9, v10;
	[tilespmem:s29+$0x10] =	vst v13  }
0x12b: {  	[tilespmem:s29+$0x0] =	vst v11;
	v11 =	vmul.f32 v9, v19  }
0x12c: {  	v14 =	vmul.f32 v9, v27;
	[tilespmem:s29+$0x30] =	vst v10;
	vm0 =	veq.s32 v12, v16;
	v12 =	vpop (erf)  }
0x12d: {  	[tilespmem:s29+$0x20] =	vst v11;
	v11 =	vsel vm0, $0x0, v12  }
0x12e: {  	[tilespmem:s29+$0xFFFFFFF0] =	vst v14;
	v10 =	vmul.f32 v11, v28  }
0x12f: {  	[tilespmem:v35+s15+$0x0] =	vst.idx.msk $0x1, v9;
	v9 =	vmul.f32 v11, v32  }
0x130: {  	[tilespmem:s24+$0xFFFFFFC0] =	vst v10;
	v10 =	vmul.f32 v11, v34  }
0x131: {  	[tilespmem:s24+$0xFFFFFFD0] =	vst v9;
	v9 =	vmul.f32 v11, v33  }
0x132: {  	[tilespmem:s24+$0xFFFFFFE0] =	vst v10;
	v10 =	vmul.f32 v11, v30  }
0x133: {  	[tilespmem:s24+$0xFFFFFFF0] =	vst v9;
	v9 =	vmul.f32 v11, v29  }
0x134: {  	s29 =	smul.u32 $0xA0, s26;
	[tilespmem:s24+$0x0] =	vst v10;
	v10 =	vmul.f32 v11, v24  }
0x135: {  	[tilespmem:s24+$0x10] =	vst v9;
	v9 =	vmul.f32 v11, v20  }
0x136: {  	s0 =	sadd.s32 s29, s18;
	[tilespmem:s24+$0x20] =	vst v10  }
0x137: {  	s3 =	rddreg [dreg:$0x3];
	s2 =	sshrl.u32 s0, $0x3;
	[tilespmem:s24+$0x30] =	vst v9  }
0x138: {  	s5 =	rddreg [dreg:$0x4];
	s0 =	simm.s32 $0x0;
	s3 =	sadd.s32 s3, s2;
	[tilespmem:v15+s15+$0x0] =	vst.idx.msk $0x1, v11  }
0x139: {  	[tilespmem:s0], [sflag:$0x3] =	stream.linear.gather [hbm4b:s3+s0], $0x50, $0x38;
	[tilespmem:$0x1E978] =	vst v63  }
0x13a: {  	s2 =	sadd.s32 s5, s2  }
0x13b: {  	[tilespmem:s4], [sflag:$0x3] =	stream.linear.gather [hbm4b:s2+s0], $0x50, $0x38;
	[tilespmem:$0x1E978] =	vst v63  }
0x13c: {  	_ = 	snop  }
0x13d: {  	[spmem:s8] =	stream.indirect.scatter.add.f32 [tilespmem:s7], [sflag:$0x5], $0x80, s16, s6, $0xb8;
	[tilespmem:$0x1E978] =	vst v63  }
0x13e: {  	_ = 	snop  }
0x13f: {  	[spmem:s10] =	stream.indirect.scatter.add.f32 [tilespmem:s15], [sflag:$0x5], $0x1, s16, s6, $0xb8;
	[tilespmem:$0x1E978] =	vst v63  }
0x140: {  	_ =	swait.ge [sflag:s17], $0x50  }
0x141: {  	[sflag:s17] =	ssyncset.done $0x0  }
0x142: {  	[sflag:s17] =	ssyncadd.s32 $0xFFFFFFB0  }
0x143: {  	_ =	swait.ge [sflag:s17], $0x50  }
0x144: {  	[sflag:s17] =	ssyncset.done $0x0  }
0x145: {  	[sflag:s17] =	ssyncadd.s32 $0xFFFFFFB0  }
0x146: {  	_ =	swait.ge [sflag:s25], $0x2800  }
0x147: {  	[sflag:s25] =	ssyncset.done $0x0  }
0x148: {  	[sflag:s25] =	ssyncadd.s32 $0xFFFFD800  }
0x149: {  	_ =	swait.ge [sflag:s25], $0x50  }
0x14a: {  	[sflag:s25] =	ssyncset.done $0x0  }
0x14b: {  	[sflag:s25] =	ssyncadd.s32 $0xFFFFFFB0  }
0x14c: {  	s19 =	rddreg [dreg:$0x0]  }
0x14d: {  	[tilespmem:s7], [sflag:$0x1] =	stream.indirect.gather [hbm4b:s19+s6], $0x80, s0, s6, $0xb8;
	[tilespmem:$0x1E978] =	vst v63  }
0x14e: {  	s24 =	simm.s32 $0x2B00  }
0x14f: {  	[tilespmem:s24], [sflag:$0x1] =	stream.indirect.gather [hbm4b:s1+s6], $0x80, s4, s6, $0xb8;
	[tilespmem:$0x1E978] =	vst v63  }
0x150: {  	_ =	swait.ge [sflag:s28], $0x2800  }
0x151: {  	[sflag:s28] =	ssyncset.done $0x0  }
0x152: {  	[sflag:s28] =	ssyncadd.s32 $0xFFFFD800  }
0x153: {  	_ =	swait.ge [sflag:s28], $0x2800  }
0x154: {  	[sflag:s28] =	ssyncset.done $0x0  }
0x155: {  	[sflag:s28] =	ssyncadd.s32 $0xFFFFD800  }
0x156: {  	v9 =	vld [tilespmem:$0x180]  }
0x157: {  	v10 =	vld [tilespmem:$0x190]  }
0x158: {  	v11 =	vld [tilespmem:$0x1A0]  }
0x159: {  	v12 =	vld [tilespmem:$0x1B0]  }
0x15a: {  	v13 =	vld [tilespmem:$0x1C0]  }
0x15b: {  	[tilespmem:$0x280] =	vst v9  }
0x15c: {  	[tilespmem:$0x290] =	vst v10  }
0x15d: {  	[tilespmem:$0x2A0] =	vst v11  }
0x15e: {  	[tilespmem:$0x2B0] =	vst v12  }
0x15f: {  	s24 =	simm.s32 $0x5340;
	[tilespmem:$0x2C0] =	vst v13  }
0x160: {  	s3 =	simm.s32 $0x7B40;
	v11 =	vld [tilespmem:s24+$0x30]  }
0x161: {  	v20 =	vld [tilespmem:s3+$0x30]  }
0x162: {  	v9 =	vld [tilespmem:s24+$0x20]  }
0x163: {  	v21 =	vld [tilespmem:s3+$0x20]  }
0x164: {  	v15 =	vld [tilespmem:s24+$0xFFFFFFC0]  }
0x165: {  	v10 =	vld [tilespmem:s3+$0xFFFFFFC0]  }
0x166: {  	v17 =	vld [tilespmem:s24+$0xFFFFFFD0]  }
0x167: {  	v13 =	vld [tilespmem:s3+$0xFFFFFFD0]  }
0x168: {  	v18 =	vld [tilespmem:s24+$0xFFFFFFE0]  }
0x169: {  	v19 =	vld [tilespmem:s3+$0xFFFFFFE0]  }
0x16a: {  	v14 =	vld [tilespmem:s24+$0xFFFFFFF0];
	v10 =	vadd.f32 v10, v15  }
0x16b: {  	v22 =	vld [tilespmem:s3+$0xFFFFFFF0]  }
0x16c: {  	v12 =	vld [tilespmem:s24+$0x0];
	v13 =	vadd.f32 v13, v17;
	v23 =	vmul.f32 $2.000000030e-01, v10  }
0x16d: {  	v24 =	vld [tilespmem:s3+$0x0]  }
0x16e: {  	v16 =	vld [tilespmem:s24+$0x10];
	v25 =	vadd.f32 v19, v18;
	v10 =	vmax.f32 v10, v23;
	v23 =	vmul.f32 $2.000000030e-01, v13  }
0x16f: {  	s5 =	simm.s32 $0x7BC0;
	v26 =	vld [tilespmem:s3+$0x10];
	v19 =	vmul.f32 v10, v8  }
0x170: {  	v31 =	vld [tilespmem:s5+$0x30];
	v22 =	vadd.f32 v22, v14;
	v13 =	vmax.f32 v13, v23;
	v23 =	vmul.f32 $2.000000030e-01, v25  }
0x171: {  	v28 =	vld [tilespmem:s5+$0x20];
	v27 =	vadd.f32 $0.0e+00, v19;
	v13 =	vmul.f32 v13, v7  }
0x172: {  	v29 =	vld [tilespmem:s5+$0x10];
	v24 =	vadd.f32 v24, v12;
	v23 =	vmax.f32 v25, v23;
	v25 =	vmul.f32 $2.000000030e-01, v22  }
0x173: {  	v59 =	vld [tilespmem:s5+$0xFFFFFFD0];
	v27 =	vadd.f32 v13, v27;
	v23 =	vmul.f32 v23, v6  }
0x174: {  	v62 =	vld [tilespmem:s5+$0xFFFFFFF0];
	v26 =	vadd.f32 v26, v16;
	v22 =	vmax.f32 v22, v25;
	v25 =	vmul.f32 $2.000000030e-01, v24  }
0x175: {  	s30 =	simm.s32 $0x53C0;
	v40 =	vld [tilespmem:s5+$0x0];
	v23 =	vadd.f32 v23, v27;
	v22 =	vmul.f32 v22, v5  }
0x176: {  	v30 =	vmul.f32 $2.000000030e-01, v26;
	v27 =	vadd.f32 v21, v9;
	v21 =	vld [tilespmem:s30+$0xFFFFFFC0];
	v24 =	vmax.f32 v24, v25  }
0x177: {  	v25 =	vld [tilespmem:s5+$0xFFFFFFC0];
	v23 =	vadd.f32 v22, v23;
	v24 =	vmul.f32 v24, v4  }
0x178: {  	v20 =	vadd.f32 v20, v11;
	v26 =	vmax.f32 v26, v30;
	v10 =	vld [tilespmem:s30+$0x30];
	v58 =	vmul.f32 $2.000000030e-01, v27  }
0x179: {  	v30 =	vmul.f32 v26, v3;
	v22 =	vld [tilespmem:s30+$0xFFFFFFD0];
	v24 =	vadd.f32 v24, v23  }
0x17a: {  	v60 =	vmul.f32 $2.000000030e-01, v20;
	v27 =	vmax.f32 v27, v58;
	v23 =	vld [tilespmem:s30+$0xFFFFFFE0]  }
0x17b: {  	v26 =	vmov s0;
	v32 =	vmul.f32 v27, v2;
	v24 =	vadd.f32 v30, v24;
	v30 =	vld [tilespmem:s5+$0xFFFFFFE0]  }
0x17c: {  	v20 =	vmax.f32 v20, v60;
	v19 =	vld [tilespmem:s30+$0x20];
	v61 =	vadd.f32 v25, v21  }
0x17d: {  	v20 =	vmul.f32 v20, v1;
	v27 =	vld [tilespmem:s30+$0xFFFFFFF0];
	v24 =	vadd.f32 v32, v24  }
0x17e: {  	v13 =	vld [tilespmem:s30+$0x10];
	v33 =	vadd.f32 v59, v22;
	v63 =	vmul.f32 $2.000000030e-01, v61  }
0x17f: {  	v25 =	vld [tilespmem:s30+$0x0];
	v20 =	vadd.f32 v20, v24  }
0x180: {  	v46 =	vld.idx.msk [tilespmem:v26+s31+$0x0], $0xffff;
	v41 =	vmul.f32 $2.000000030e-01, v33;
	v24 =	vmax.f32 v61, v63;
	v30 =	vadd.f32 v30, v23  }
0x181: {  	s3 =	simm.s32 $0x5440;
	v47 =	vld.idx.msk [tilespmem:v26+s21+$0x0], $0xffff;
	v52 =	vadd.f32 v28, v19;
	v24 =	vmul.f32 v24, v8;
	(xrf2) =	vadd.scan.msk.f32 $0xffff, v20  }
0x182: {  	v28 =	vld [tilespmem:s3+$0xFFFFFFC0];
	v32 =	vadd.f32 v62, v27;
	v33 =	vmax.f32 v33, v41;
	v42 =	vmul.f32 $2.000000030e-01, v30  }
0x183: {  	v50 =	vadd.f32 v29, v13;
	v29 =	vld [tilespmem:s3+$0x10];
	s5 =	simm.s32 $0x7C40;
	v33 =	vmul.f32 v33, v7;
	v43 =	vadd.f32 $0.0e+00, v24  }
0x184: {  	v37 =	vld [tilespmem:s5+$0x30];
	v44 =	vadd.f32 v40, v25;
	v45 =	vmul.f32 $2.000000030e-01, v32;
	v30 =	vmax.f32 v30, v42  }
0x185: {  	v48 =	vld [tilespmem:s5+$0x20];
	v33 =	vadd.f32 v33, v43;
	v30 =	vmul.f32 v30, v6  }
0x186: {  	v36 =	vld [tilespmem:s5+$0x10];
	v51 =	vmul.f32 $2.000000030e-01, v44;
	v32 =	vmax.f32 v32, v45  }
0x187: {  	v56 =	vld [tilespmem:s5+$0xFFFFFFC0];
	v32 =	vmul.f32 v32, v5;
	v33 =	vadd.f32 v30, v33  }
0x188: {  	v53 =	vmul.f32 $2.000000030e-01, v50;
	v39 =	vld [tilespmem:s5+$0x0];
	v34 =	vmax.f32 v44, v51  }
0x189: {  	v62 =	vld [tilespmem:s5+$0xFFFFFFD0];
	v34 =	vmul.f32 v34, v4;
	v33 =	vadd.f32 v32, v33  }
0x18a: {  	v31 =	vadd.f32 v31, v10;
	v54 =	vmul.f32 $2.000000030e-01, v52;
	v55 =	vmax.f32 v50, v53;
	v41 =	vld [tilespmem:s5+$0xFFFFFFE0]  }
0x18b: {  	v57 =	vmul.f32 v55, v3;
	v20 =	vld [tilespmem:s3+$0x30];
	v58, _, _ =	vpop (xrf2);
	v33 =	vadd.f32 v34, v33  }
0x18c: {  	s19 =	simm.s32 $0x1;
	v60 =	vmax.f32 v52, v54;
	v59 =	vmul.f32 $2.000000030e-01, v31;
	v32 =	vld [tilespmem:s3+$0xFFFFFFD0];
	v61 =	vmul.f32 $1.442695020e+00, v58  }
0x18d: {  	v35 =	vmov s19;
	v63 =	vmul.f32 v60, v2;
	v24 =	vld [tilespmem:s3+$0x20];
	v33 =	vadd.f32 v57, v33  }
0x18e: {  	v31 =	vmax.f32 v31, v59;
	v34 =	vld [tilespmem:s3+$0xFFFFFFE0];
	v38 =	vbroadcast v61, $0xF  }
0x18f: {  	v31 =	vmul.f32 v31, v1;
	v42 =	vadd.f32 v56, v28;
	v30 =	vld [tilespmem:s3+$0x0];
	v49 =	vadd.f32 v63, v33  }
0x190: {  	v40 =	vld [tilespmem:s5+$0xFFFFFFF0];
	(erf) = vpow2.f32 v38  }
0x191: {  	v45 =	vmul.f32 $2.000000030e-01, v42;
	v44 =	vadd.f32 v62, v32;
	v33 =	vld [tilespmem:s3+$0xFFFFFFF0];
	v43 =	vadd.f32 v31, v49  }
0x192: {  	s2 =	simm.s32 $0x5440;
	s19 =	simm.s32 $0x2;
	s0 =	simm.s32 $0x3;
	vm0 =	veq.s32 v46, v47;
	v37 =	vadd.f32 v37, v20;
	v38 =	vadd.f32 v48, v24;
	v31 =	vld.idx.msk [tilespmem:v35+s31+$0x0], $0xffff  }
.LBB2_9:
0x193: {  	v42 =	vmax.f32 v42, v45;
	v45 =	vmul.f32 $2.000000030e-01, v44;
	v41 =	vadd.f32 v41, v34;
	(xrf2) =	vadd.scan.msk.f32 $0xffff, v43  }
0x194: {  	p5 =	sne.s32 s0, $0x4F;
	s3 =	sadd.s32 $0x80, s3;
	v46 =	vld.idx.msk [tilespmem:v35+s21+$0x0], $0xffff;
	v43 =	vmovc v25;
	v25 =	vmovc v30;
	v47 =	vmov v17;
	v17 =	vmov v22;
	v22 =	vmov v32  }
0x195: {  	s5 =	sadd.s32 $0x80, s5;
	v49 =	vmovc v26;
	v48 =	vld [tilespmem:s3+$0x30];
	v30 =	vmul.f32 v42, v8;
	v32 =	vadd.f32 v39, v25;
	v39 =	vadd.f32 v36, v29  }
0x196: {  	v26 =	vmovc v35;
	v35 =	vmovc v18;
	v50 =	vld [tilespmem:s5+$0x30];
	v36 =	vmax.f32 v44, v45;
	v42 =	vmul.f32 $2.000000030e-01, v41;
	v40 =	vadd.f32 v40, v33  }
0x197: {  	v18 =	vmovc v23;
	v23 =	vmovc v34;
	v45 =	vmul.f32 $2.000000030e-01, v37;
	v44 =	vld [tilespmem:s3+$0x20];
	v30 =	vadd.f32 $0.0e+00, v30;
	v36 =	vmul.f32 v36, v7  }
0x198: {  	v52 =	vmovc v14;
	v14 =	vmovc v27;
	v51 =	vld [tilespmem:s5+$0x20];
	v34 =	vmax.f32 v41, v42;
	v41 =	vmul.f32 $2.000000030e-01, v40;
	v42 =	vmul.f32 $2.000000030e-01, v38  }
0x199: {  	v55 =	vmul.f32 $2.000000030e-01, v39;
	v53 =	vld [tilespmem:s3+$0x10];
	v54 =	vadd.f32 v36, v30;
	v34 =	vmul.f32 v34, v6;
	v27 =	vpop (erf)  }
0x19a: {  	v36 =	vld [tilespmem:s5+$0x10];
	v40 =	vmax.f32 v40, v41;
	v41 =	vmul.f32 $2.000000030e-01, v32;
	v56 =	vsel vm0, $0x0, v27;
	v27 =	vmovc v33  }
0x19b: {  	v30 =	vld [tilespmem:s3+$0x0];
	v33 =	vadd.f32 v34, v54;
	v34 =	vmul.f32 v40, v5;
	v40 =	vmul.f32 v56, v15;
	v15 =	vmovc v21  }
0x19c: {  	v55 =	vmax.f32 v39, v55;
	v47 =	vmul.f32 v56, v47;
	v21 =	vmovc v28;
	v32 =	vmax.f32 v32, v41;
	v28 =	vld [tilespmem:s3+$0xFFFFFFC0]  }
0x19d: {  	v35 =	vmul.f32 v56, v35;
	v54 =	vld [tilespmem:s5+$0xFFFFFFC0];
	v33 =	vadd.f32 v34, v33;
	v34 =	vmul.f32 v32, v4;
	[tilespmem:s24+$0xFFFFFFC0] =	vst v40  }
0x19e: {  	v38 =	vmax.f32 v38, v42;
	v42 =	vmul.f32 v56, v52;
	v40 =	vmul.f32 v55, v3;
	v39 =	vld [tilespmem:s5+$0x0];
	v41, _, _ =	vpop (xrf2);
	[tilespmem:s24+$0xFFFFFFD0] =	vst v47  }
0x19f: {  	v47 =	vmul.f32 v56, v12;
	v12 =	vmovc v43;
	v32 =	vld [tilespmem:s3+$0xFFFFFFD0];
	v33 =	vadd.f32 v34, v33;
	v41 =	vmul.f32 $1.442695020e+00, v41;
	[tilespmem:s24+$0xFFFFFFE0] =	vst v35  }
0x1a0: {  	v38 =	vmul.f32 v38, v2;
	v52 =	vmul.f32 v56, v16;
	v16 =	vmovc v13;
	v13 =	vmovc v29;
	v35 =	vmov s19;
	s19 =	smov.u32 s0;
	v43 =	vld [tilespmem:s5+$0xFFFFFFD0];
	[tilespmem:s24+$0xFFFFFFF0] =	vst v42  }
0x1a1: {  	v34 =	vld [tilespmem:s3+$0xFFFFFFE0];
	v55 =	vadd.f32 v40, v33;
	v40 =	vbroadcast v41, $0xF;
	[tilespmem:s24+$0x0] =	vst v47;
	v47 =	vmul.f32 v56, v9;
	v9 =	vmovc v19  }
.Ltmp5:
0x1a2: {  	v45 =	vmax.f32 v37, v45;
	v37 =	vmul.f32 v56, v11;
	v42 =	vadd.f32 v54, v28;
	v41 =	vld [tilespmem:s5+$0xFFFFFFE0];
	[tilespmem:s24+$0x10] =	vst v52;
	(pc) =	sbr.rel @p5 .LBB2_9-.Ltmp5, $4  }
0x1a3: {  	v11 =	vmovc v10;
	v52 =	vmul.f32 v45, v1;
	v33 =	vld [tilespmem:s3+$0xFFFFFFF0];
	v38 =	vadd.f32 v38, v55;
	(erf) = vpow2.f32 v40;
	[tilespmem:s24+$0x20] =	vst v47  }
0x1a4: {  	v10 =	vmovc v20;
	v20 =	vmovc v48;
	v29 =	vmov v53;
	v19 =	vmov v24;
	v24 =	vmov v44;
	v40 =	vld [tilespmem:s5+$0xFFFFFFF0];
	[tilespmem:s24+$0x30] =	vst v37;
	s24 =	smov.u32 s30;
	s30 =	smov.u32 s2;
	s2 =	smov.u32 s3  }
0x1a5: {  	v45 =	vmul.f32 $2.000000030e-01, v42;
	v44 =	vadd.f32 v43, v32;
	v43 =	vadd.f32 v52, v38;
	[tilespmem:v49+s12+$0x0] =	vst.idx.msk $0x1, v56  }
0x1a6: {  	vm0 =	veq.s32 v31, v46;
	s0 =	sadd.s32 $0x1, s0;
	v37 =	vadd.f32 v50, v20;
	v38 =	vadd.f32 v51, v24;
	v31 =	vld.idx.msk [tilespmem:v35+s31+$0x0], $0xffff  }
0x1a7: {  	v42 =	vmax.f32 v42, v45;
	v60 =	vmul.f32 $2.000000030e-01, v44;
	v41 =	vadd.f32 v41, v34  }
0x1a8: {  	v42 =	vmul.f32 v42, v8  }
0x1a9: {  	v44 =	vmax.f32 v44, v60;
	v61 =	vmul.f32 $2.000000030e-01, v41;
	v40 =	vadd.f32 v40, v33  }
0x1aa: {  	v42 =	vadd.f32 $0.0e+00, v42;
	v44 =	vmul.f32 v44, v7  }
0x1ab: {  	v39 =	vadd.f32 v39, v30;
	v41 =	vmax.f32 v41, v61;
	v62 =	vmul.f32 $2.000000030e-01, v40  }
0x1ac: {  	v42 =	vadd.f32 v44, v42;
	v41 =	vmul.f32 v41, v6  }
0x1ad: {  	v36 =	vadd.f32 v36, v29;
	v63 =	vmul.f32 $2.000000030e-01, v39;
	v40 =	vmax.f32 v40, v62  }
0x1ae: {  	v41 =	vadd.f32 v41, v42;
	v40 =	vmul.f32 v40, v5  }
0x1af: {  	v45 =	vmul.f32 $2.000000030e-01, v36;
	v39 =	vmax.f32 v39, v63  }
0x1b0: {  	v39 =	vmul.f32 v39, v4;
	v40 =	vadd.f32 v40, v41  }
0x1b1: {  	(xrf2) =	vadd.scan.msk.f32 $0xffff, v43;
	v46 =	vmul.f32 $2.000000030e-01, v38;
	v36 =	vmax.f32 v36, v45  }
0x1b2: {  	v36 =	vmul.f32 v36, v3;
	v39 =	vadd.f32 v39, v40  }
0x1b3: {  	v47 =	vmul.f32 $2.000000030e-01, v37;
	v38 =	vmax.f32 v38, v46  }
0x1b4: {  	v38 =	vmul.f32 v38, v2;
	v36 =	vadd.f32 v36, v39  }
0x1b5: {  	v37 =	vmax.f32 v37, v47  }
0x1b6: {  	v37 =	vmul.f32 v37, v1;
	v36 =	vadd.f32 v38, v36;
	_ =	sdelay $0x1  }
0x1b7: {  	v36 =	vadd.f32 v37, v36;
	_ =	sdelay $0x1  }
0x1b8: {  	(xrf2) =	vadd.scan.msk.f32 $0xffff, v36  }
0x1b9: {  	v48, _, _ =	vpop (xrf2)  }
0x1ba: {  	v36 =	vmul.f32 $1.442695020e+00, v48;
	_ =	sdelay $0x1  }
0x1bb: {  	v36 =	vbroadcast v36, $0xF;
	_ =	sdelay $0x1  }
0x1bc: {  	v49 =	vpop (erf);
	(erf) = vpow2.f32 v36  }
0x1bd: {  	v50 =	vsel vm0, $0x0, v49  }
0x1be: {  	v15 =	vmul.f32 v50, v15  }
0x1bf: {  	v17 =	vmul.f32 v50, v17  }
0x1c0: {  	v51 =	vld.idx.msk [tilespmem:v35+s21+$0x0], $0xffff;
	v52 =	vmul.f32 v50, v18;
	[tilespmem:s24+$0xFFFFFFC0] =	vst v15;
	v53, _, _ =	vpop (xrf2)  }
0x1c1: {  	v14 =	vmul.f32 v50, v14;
	[tilespmem:s24+$0xFFFFFFD0] =	vst v17;
	v54 =	vmul.f32 $1.442695020e+00, v53  }
0x1c2: {  	v12 =	vmul.f32 v50, v12;
	[tilespmem:s24+$0xFFFFFFE0] =	vst v52  }
0x1c3: {  	v55 =	vmov s19;
	v56 =	vmul.f32 v50, v16;
	[tilespmem:s24+$0xFFFFFFF0] =	vst v14;
	v57 =	vbroadcast v54, $0xF  }
0x1c4: {  	v9 =	vmul.f32 v50, v9;
	[tilespmem:s24+$0x0] =	vst v12  }
0x1c5: {  	vm14 =	veq.s32 v31, v51;
	v11 =	vmul.f32 v50, v11;
	[tilespmem:s24+$0x10] =	vst v56;
	v58 =	vpop (erf);
	(erf) = vpow2.f32 v57  }
0x1c6: {  	[tilespmem:s24+$0x20] =	vst v9;
	v9 =	vsel vm14, $0x0, v58  }
0x1c7: {  	[tilespmem:s24+$0x30] =	vst v11;
	v11 =	vmul.f32 v9, v21  }
0x1c8: {  	v59 =	vld.idx.msk [tilespmem:v55+s31+$0x0], $0xffff;
	[tilespmem:v26+s12+$0x0] =	vst.idx.msk $0x1, v50;
	v60 =	vmul.f32 v9, v22  }
0x1c9: {  	v61 =	vld.idx.msk [tilespmem:v55+s21+$0x0], $0xffff;
	[tilespmem:s30+$0xFFFFFFC0] =	vst v11;
	v11 =	vmul.f32 v9, v23  }
0x1ca: {  	v62 =	vmul.f32 v9, v27;
	[tilespmem:s30+$0xFFFFFFD0] =	vst v60  }
0x1cb: {  	[tilespmem:s30+$0xFFFFFFE0] =	vst v11;
	v11 =	vmul.f32 v9, v25  }
0x1cc: {  	v13 =	vmul.f32 v9, v13;
	[tilespmem:s30+$0xFFFFFFF0] =	vst v62  }
0x1cd: {  	[tilespmem:s30+$0x0] =	vst v11;
	v11 =	vmul.f32 v9, v19  }
0x1ce: {  	vm15 =	veq.s32 v59, v61;
	v10 =	vmul.f32 v9, v10;
	[tilespmem:s30+$0x10] =	vst v13;
	v63 =	vpop (erf)  }
0x1cf: {  	[tilespmem:s30+$0x20] =	vst v11;
	v11 =	vsel vm15, $0x0, v63  }
0x1d0: {  	[tilespmem:s30+$0x30] =	vst v10;
	v10 =	vmul.f32 v11, v28  }
0x1d1: {  	[tilespmem:v35+s12+$0x0] =	vst.idx.msk $0x1, v9;
	v9 =	vmul.f32 v11, v32  }
0x1d2: {  	[tilespmem:s2+$0xFFFFFFC0] =	vst v10;
	v10 =	vmul.f32 v11, v34  }
0x1d3: {  	[tilespmem:s2+$0xFFFFFFD0] =	vst v9;
	v9 =	vmul.f32 v11, v33  }
0x1d4: {  	[tilespmem:s2+$0xFFFFFFE0] =	vst v10;
	v10 =	vmul.f32 v11, v30  }
0x1d5: {  	p0 =	seq.s32 s26, $0x3D;
	[tilespmem:s2+$0xFFFFFFF0] =	vst v9;
	v9 =	vmul.f32 v11, v29  }
.Ltmp6:
0x1d6: {  	[tilespmem:s2+$0x0] =	vst v10;
	v10 =	vmul.f32 v11, v24;
	(pc) =	sbr.rel @p0 .LBB2_12-.Ltmp6, $4  }
0x1d7: {  	[tilespmem:s2+$0x10] =	vst v9;
	v9 =	vmul.f32 v11, v20  }
0x1d8: {  	[tilespmem:s2+$0x20] =	vst v10  }
0x1d9: {  	[tilespmem:s2+$0x30] =	vst v9  }
0x1da: {  	[tilespmem:v55+s12+$0x0] =	vst.idx.msk $0x1, v11  }
0x1db: {  	s0 =	rddreg [dreg:$0x11]  }
0x1dc: {  	s0 =	sadd.s32 s29, s0  }
0x1dd: {  	s2 =	rddreg [dreg:$0x3];
	s0 =	sshrl.u32 s0, $0x3  }
0x1de: {  	s30 =	rddreg [dreg:$0x4];
	s2 =	sadd.s32 s2, s0  }
0x1df: {  	[tilespmem:s31], [sflag:$0x4] =	stream.linear.gather [hbm4b:s2+s11], $0x50, $0x38;
	[tilespmem:$0x1E978] =	vst v63  }
0x1e0: {  	s0 =	sadd.s32 s30, s0  }
0x1e1: {  	[tilespmem:s21], [sflag:$0x4] =	stream.linear.gather [hbm4b:s0+s11], $0x50, $0x38;
	[tilespmem:$0x1E978] =	vst v63  }
.Ltmp7:
0x1e2: {  	_ = 	snop;
	(pc) =	sbr.rel .LBB2_6-.Ltmp7, $4  }
0x1e3: {  	_ = 	snop  }
0x1e4: {  	[spmem:s8] =	stream.indirect.scatter.add.f32 [tilespmem:s23], [sflag:$0x6], $0x80, s13, s6, $0xb8;
	[tilespmem:$0x1E978] =	vst v63  }
0x1e5: {  	s26 =	sadd.s32 $0x1, s26  }
0x1e6: {  	[spmem:s10] =	stream.indirect.scatter.add.f32 [tilespmem:s12], [sflag:$0x6], $0x1, s13, s6, $0xb8;
	[tilespmem:$0x1E978] =	vst v63  }
.LBB2_12:
0x1e7: {  	[spmem:s8] =	stream.indirect.scatter.add.f32 [tilespmem:s23], [sflag:$0x6], $0x80, s13, s6, $0xb8;
	[tilespmem:$0x1E978] =	vst v63  }
0x1e8: {  	_ = 	snop  }
0x1e9: {  	[spmem:s10] =	stream.indirect.scatter.add.f32 [tilespmem:s12], [sflag:$0x6], $0x1, s13, s6, $0xb8;
	[tilespmem:$0x1E978] =	vst v63  }
0x1ea: {  	_ =	swait.ge [sflag:s14], $0x2800  }
0x1eb: {  	[sflag:s14] =	ssyncset.done $0x0  }
0x1ec: {  	[sflag:s14] =	ssyncadd.s32 $0xFFFFD800  }
0x1ed: {  	_ =	swait.ge [sflag:s14], $0x2800  }
0x1ee: {  	[sflag:s14] =	ssyncset.done $0x0  }
0x1ef: {  	[sflag:s14] =	ssyncadd.s32 $0xFFFFD800  }
0x1f0: {  	v9 =	vld [tilespmem:$0x80]  }
0x1f1: {  	v10 =	vld [tilespmem:$0x90]  }
0x1f2: {  	v11 =	vld [tilespmem:$0xA0]  }
0x1f3: {  	v12 =	vld [tilespmem:$0xB0]  }
0x1f4: {  	v13 =	vld [tilespmem:$0xC0]  }
0x1f5: {  	[tilespmem:$0x200] =	vst v9  }
0x1f6: {  	[tilespmem:$0x210] =	vst v10  }
0x1f7: {  	[tilespmem:$0x220] =	vst v11  }
0x1f8: {  	[tilespmem:$0x230] =	vst v12  }
0x1f9: {  	s26 =	simm.s32 $0x340;
	[tilespmem:$0x240] =	vst v13  }
0x1fa: {  	s0 =	simm.s32 $0x2B40;
	v11 =	vld [tilespmem:s26+$0x30]  }
0x1fb: {  	v20 =	vld [tilespmem:s0+$0x30]  }
0x1fc: {  	v9 =	vld [tilespmem:s26+$0x20]  }
0x1fd: {  	v21 =	vld [tilespmem:s0+$0x20]  }
0x1fe: {  	v15 =	vld [tilespmem:s26+$0xFFFFFFC0]  }
0x1ff: {  	v10 =	vld [tilespmem:s0+$0xFFFFFFC0]  }
0x200: {  	v17 =	vld [tilespmem:s26+$0xFFFFFFD0]  }
0x201: {  	v13 =	vld [tilespmem:s0+$0xFFFFFFD0]  }
0x202: {  	v18 =	vld [tilespmem:s26+$0xFFFFFFE0]  }
0x203: {  	v19 =	vld [tilespmem:s0+$0xFFFFFFE0]  }
0x204: {  	v14 =	vld [tilespmem:s26+$0xFFFFFFF0];
	v10 =	vadd.f32 v10, v15  }
0x205: {  	v22 =	vld [tilespmem:s0+$0xFFFFFFF0]  }
0x206: {  	v12 =	vld [tilespmem:s26+$0x0];
	v13 =	vadd.f32 v13, v17;
	v23 =	vmul.f32 $2.000000030e-01, v10  }
0x207: {  	v24 =	vld [tilespmem:s0+$0x0]  }
0x208: {  	v16 =	vld [tilespmem:s26+$0x10];
	v25 =	vadd.f32 v19, v18;
	v10 =	vmax.f32 v10, v23;
	v23 =	vmul.f32 $2.000000030e-01, v13  }
0x209: {  	s24 =	simm.s32 $0x2BC0;
	v26 =	vld [tilespmem:s0+$0x10];
	v19 =	vmul.f32 v10, v8  }
0x20a: {  	v31 =	vld [tilespmem:s24+$0x30];
	v22 =	vadd.f32 v22, v14;
	v13 =	vmax.f32 v13, v23;
	v23 =	vmul.f32 $2.000000030e-01, v25  }
0x20b: {  	v28 =	vld [tilespmem:s24+$0x20];
	v27 =	vadd.f32 $0.0e+00, v19;
	v13 =	vmul.f32 v13, v7  }
0x20c: {  	v29 =	vld [tilespmem:s24+$0x10];
	v24 =	vadd.f32 v24, v12;
	v23 =	vmax.f32 v25, v23;
	v25 =	vmul.f32 $2.000000030e-01, v22  }
0x20d: {  	v33 =	vld [tilespmem:s24+$0xFFFFFFD0];
	v27 =	vadd.f32 v13, v27;
	v23 =	vmul.f32 v23, v6  }
0x20e: {  	v50 =	vld [tilespmem:s24+$0xFFFFFFF0];
	v26 =	vadd.f32 v26, v16;
	v22 =	vmax.f32 v22, v25;
	v25 =	vmul.f32 $2.000000030e-01, v24  }
0x20f: {  	s20 =	simm.s32 $0x3C0;
	v36 =	vld [tilespmem:s24+$0x0];
	v23 =	vadd.f32 v23, v27;
	v22 =	vmul.f32 v22, v5  }
0x210: {  	v30 =	vmul.f32 $2.000000030e-01, v26;
	v27 =	vadd.f32 v21, v9;
	v21 =	vld [tilespmem:s20+$0xFFFFFFC0];
	v24 =	vmax.f32 v24, v25  }
0x211: {  	s5 =	simm.s32 $0x2C40;
	v25 =	vld [tilespmem:s24+$0xFFFFFFC0];
	v23 =	vadd.f32 v22, v23;
	v24 =	vmul.f32 v24, v4  }
0x212: {  	v37 =	vld [tilespmem:s5+$0x30];
	v20 =	vadd.f32 v20, v11;
	v26 =	vmax.f32 v26, v30;
	v32 =	vmul.f32 $2.000000030e-01, v27  }
0x213: {  	v30 =	vmul.f32 v26, v3;
	v22 =	vld [tilespmem:s20+$0xFFFFFFD0];
	v24 =	vadd.f32 v24, v23  }
0x214: {  	v34 =	vmul.f32 $2.000000030e-01, v20;
	v27 =	vmax.f32 v27, v32;
	v23 =	vld [tilespmem:s20+$0xFFFFFFE0]  }
0x215: {  	v32 =	vmul.f32 v27, v2;
	v24 =	vadd.f32 v30, v24;
	v30 =	vld [tilespmem:s24+$0xFFFFFFE0]  }
0x216: {  	v48 =	vld [tilespmem:s5+$0x20];
	v20 =	vmax.f32 v20, v34;
	v35 =	vadd.f32 v25, v21  }
0x217: {  	v20 =	vmul.f32 v20, v1;
	v27 =	vld [tilespmem:s20+$0xFFFFFFF0];
	v24 =	vadd.f32 v32, v24  }
0x218: {  	s2 =	simm.s32 $0x0;
	v19 =	vld [tilespmem:s20+$0x20];
	v33 =	vadd.f32 v33, v22;
	v51 =	vmul.f32 $2.000000030e-01, v35  }
0x219: {  	v26 =	vmov s2;
	v25 =	vld [tilespmem:s20+$0x0];
	v20 =	vadd.f32 v20, v24  }
0x21a: {  	v13 =	vld [tilespmem:s20+$0x10];
	v52 =	vmul.f32 $2.000000030e-01, v33;
	v24 =	vmax.f32 v35, v51;
	v30 =	vadd.f32 v30, v23  }
0x21b: {  	v60 =	vld [tilespmem:s5+$0xFFFFFFC0];
	v24 =	vmul.f32 v24, v8;
	(xrf2) =	vadd.scan.msk.f32 $0xffff, v20  }
0x21c: {  	v43 =	vld [tilespmem:s5+$0xFFFFFFD0];
	v32 =	vadd.f32 v50, v27;
	v33 =	vmax.f32 v33, v52;
	v53 =	vmul.f32 $2.000000030e-01, v30  }
0x21d: {  	v10 =	vld [tilespmem:s20+$0x30];
	v39 =	vadd.f32 v28, v19;
	v33 =	vmul.f32 v33, v7;
	v54 =	vadd.f32 $0.0e+00, v24  }
0x21e: {  	v46 =	vld.idx.msk [tilespmem:v26+s11+$0x0], $0xffff;
	v38 =	vadd.f32 v36, v25;
	v55 =	vmul.f32 $2.000000030e-01, v32;
	v30 =	vmax.f32 v30, v53  }
0x21f: {  	s3 =	simm.s32 $0x440;
	v47 =	vld.idx.msk [tilespmem:v26+s4+$0x0], $0xffff;
	v56 =	vadd.f32 v29, v13;
	v33 =	vadd.f32 v33, v54;
	v30 =	vmul.f32 v30, v6  }
0x220: {  	v28 =	vld [tilespmem:s3+$0xFFFFFFC0];
	v58 =	vmul.f32 $2.000000030e-01, v39;
	v57 =	vmul.f32 $2.000000030e-01, v38;
	v32 =	vmax.f32 v32, v55  }
0x221: {  	v29 =	vld [tilespmem:s3+$0x10];
	v40 =	vmul.f32 $2.000000030e-01, v56;
	v32 =	vmul.f32 v32, v5;
	v33 =	vadd.f32 v30, v33  }
0x222: {  	v62 =	vmax.f32 v39, v58;
	v39 =	vld [tilespmem:s5+$0x0];
	v34 =	vmax.f32 v38, v57  }
0x223: {  	v59 =	vmax.f32 v56, v40;
	v40 =	vld [tilespmem:s5+$0xFFFFFFF0];
	v34 =	vmul.f32 v34, v4;
	v33 =	vadd.f32 v32, v33  }
0x224: {  	v31 =	vadd.f32 v31, v10;
	v20 =	vld [tilespmem:s3+$0x30]  }
0x225: {  	v41 =	vmul.f32 v59, v3;
	v24 =	vld [tilespmem:s3+$0x20];
	v61, _, _ =	vpop (xrf2);
	v33 =	vadd.f32 v34, v33  }
0x226: {  	s29 =	simm.s32 $0x1;
	v42 =	vmul.f32 $2.000000030e-01, v31;
	v32 =	vld [tilespmem:s3+$0xFFFFFFD0];
	v63 =	vmul.f32 $1.442695020e+00, v61  }
0x227: {  	v44 =	vmul.f32 v62, v2;
	v35 =	vmov s29;
	v34 =	vld [tilespmem:s3+$0xFFFFFFE0];
	v33 =	vadd.f32 v41, v33  }
0x228: {  	v31 =	vmax.f32 v31, v42;
	v41 =	vld [tilespmem:s5+$0xFFFFFFE0];
	v38 =	vbroadcast v63, $0xF  }
0x229: {  	v31 =	vmul.f32 v31, v1;
	v42 =	vadd.f32 v60, v28;
	v30 =	vld [tilespmem:s3+$0x0];
	v49 =	vadd.f32 v44, v33  }
0x22a: {  	v36 =	vld [tilespmem:s5+$0x10];
	(erf) = vpow2.f32 v38  }
0x22b: {  	s19 =	simm.s32 $0x2;
	v45 =	vmul.f32 $2.000000030e-01, v42;
	v33 =	vld [tilespmem:s3+$0xFFFFFFF0];
	v44 =	vadd.f32 v43, v32;
	v43 =	vadd.f32 v31, v49  }
0x22c: {  	s30 =	simm.s32 $0x7;
	s0 =	simm.s32 $0x3;
	s2 =	simm.s32 $0x440;
	vm0 =	veq.s32 v46, v47;
	v37 =	vadd.f32 v37, v20;
	v38 =	vadd.f32 v48, v24;
	v31 =	vld.idx.msk [tilespmem:v35+s11+$0x0], $0xffff  }
.LBB2_13:
0x22d: {  	v42 =	vmax.f32 v42, v45;
	v45 =	vmul.f32 $2.000000030e-01, v44;
	v41 =	vadd.f32 v41, v34;
	(xrf2) =	vadd.scan.msk.f32 $0xffff, v43  }
0x22e: {  	p5 =	sne.s32 s0, $0x4F;
	s3 =	sadd.s32 $0x80, s3;
	v46 =	vld.idx.msk [tilespmem:v35+s4+$0x0], $0xffff;
	v43 =	vmovc v25;
	v25 =	vmovc v30;
	v47 =	vmov v17;
	v17 =	vmov v22;
	v22 =	vmov v32  }
0x22f: {  	s5 =	sadd.s32 $0x80, s5;
	v49 =	vmovc v26;
	v48 =	vld [tilespmem:s3+$0x30];
	v30 =	vmul.f32 v42, v8;
	v32 =	vadd.f32 v39, v25;
	v39 =	vadd.f32 v36, v29  }
0x230: {  	v26 =	vmovc v35;
	v35 =	vmovc v18;
	v50 =	vld [tilespmem:s5+$0x30];
	v36 =	vmax.f32 v44, v45;
	v42 =	vmul.f32 $2.000000030e-01, v41;
	v40 =	vadd.f32 v40, v33  }
0x231: {  	v18 =	vmovc v23;
	v23 =	vmovc v34;
	v45 =	vmul.f32 $2.000000030e-01, v37;
	v44 =	vld [tilespmem:s3+$0x20];
	v30 =	vadd.f32 $0.0e+00, v30;
	v36 =	vmul.f32 v36, v7  }
0x232: {  	v52 =	vmovc v14;
	v14 =	vmovc v27;
	v51 =	vld [tilespmem:s5+$0x20];
	v34 =	vmax.f32 v41, v42;
	v41 =	vmul.f32 $2.000000030e-01, v40;
	v42 =	vmul.f32 $2.000000030e-01, v38  }
0x233: {  	v55 =	vmul.f32 $2.000000030e-01, v39;
	v53 =	vld [tilespmem:s3+$0x10];
	v54 =	vadd.f32 v36, v30;
	v34 =	vmul.f32 v34, v6;
	v27 =	vpop (erf)  }
0x234: {  	v36 =	vld [tilespmem:s5+$0x10];
	v40 =	vmax.f32 v40, v41;
	v41 =	vmul.f32 $2.000000030e-01, v32;
	v56 =	vsel vm0, $0x0, v27;
	v27 =	vmovc v33  }
0x235: {  	v30 =	vld [tilespmem:s3+$0x0];
	v33 =	vadd.f32 v34, v54;
	v34 =	vmul.f32 v40, v5;
	v40 =	vmul.f32 v56, v15;
	v15 =	vmovc v21  }
0x236: {  	v55 =	vmax.f32 v39, v55;
	v47 =	vmul.f32 v56, v47;
	v21 =	vmovc v28;
	v32 =	vmax.f32 v32, v41;
	v28 =	vld [tilespmem:s3+$0xFFFFFFC0]  }
0x237: {  	v35 =	vmul.f32 v56, v35;
	v54 =	vld [tilespmem:s5+$0xFFFFFFC0];
	v33 =	vadd.f32 v34, v33;
	v34 =	vmul.f32 v32, v4;
	[tilespmem:s26+$0xFFFFFFC0] =	vst v40  }
0x238: {  	v38 =	vmax.f32 v38, v42;
	v42 =	vmul.f32 v56, v52;
	v40 =	vmul.f32 v55, v3;
	v39 =	vld [tilespmem:s5+$0x0];
	v41, _, _ =	vpop (xrf2);
	[tilespmem:s26+$0xFFFFFFD0] =	vst v47  }
0x239: {  	v47 =	vmul.f32 v56, v12;
	v12 =	vmovc v43;
	v32 =	vld [tilespmem:s3+$0xFFFFFFD0];
	v33 =	vadd.f32 v34, v33;
	v41 =	vmul.f32 $1.442695020e+00, v41;
	[tilespmem:s26+$0xFFFFFFE0] =	vst v35  }
0x23a: {  	v38 =	vmul.f32 v38, v2;
	v52 =	vmul.f32 v56, v16;
	v16 =	vmovc v13;
	v13 =	vmovc v29;
	v35 =	vmov s19;
	s19 =	smov.u32 s0;
	v43 =	vld [tilespmem:s5+$0xFFFFFFD0];
	[tilespmem:s26+$0xFFFFFFF0] =	vst v42  }
0x23b: {  	v34 =	vld [tilespmem:s3+$0xFFFFFFE0];
	v55 =	vadd.f32 v40, v33;
	v40 =	vbroadcast v41, $0xF;
	[tilespmem:s26+$0x0] =	vst v47;
	v47 =	vmul.f32 v56, v9;
	v9 =	vmovc v19  }
.Ltmp8:
0x23c: {  	v45 =	vmax.f32 v37, v45;
	v37 =	vmul.f32 v56, v11;
	v42 =	vadd.f32 v54, v28;
	v41 =	vld [tilespmem:s5+$0xFFFFFFE0];
	[tilespmem:s26+$0x10] =	vst v52;
	(pc) =	sbr.rel @p5 .LBB2_13-.Ltmp8, $4  }
0x23d: {  	v11 =	vmovc v10;
	v52 =	vmul.f32 v45, v1;
	v33 =	vld [tilespmem:s3+$0xFFFFFFF0];
	v38 =	vadd.f32 v38, v55;
	(erf) = vpow2.f32 v40;
	[tilespmem:s26+$0x20] =	vst v47  }
0x23e: {  	v10 =	vmovc v20;
	v20 =	vmovc v48;
	v29 =	vmov v53;
	v19 =	vmov v24;
	v24 =	vmov v44;
	v40 =	vld [tilespmem:s5+$0xFFFFFFF0];
	[tilespmem:s26+$0x30] =	vst v37;
	s26 =	smov.u32 s20;
	s20 =	smov.u32 s2;
	s2 =	smov.u32 s3  }
0x23f: {  	v45 =	vmul.f32 $2.000000030e-01, v42;
	v44 =	vadd.f32 v43, v32;
	v43 =	vadd.f32 v52, v38;
	[tilespmem:v49+s15+$0x0] =	vst.idx.msk $0x1, v56  }
0x240: {  	vm0 =	veq.s32 v31, v46;
	s0 =	sadd.s32 $0x1, s0;
	v37 =	vadd.f32 v50, v20;
	v38 =	vadd.f32 v51, v24;
	v31 =	vld.idx.msk [tilespmem:v35+s11+$0x0], $0xffff  }
0x241: {  	v42 =	vmax.f32 v42, v45;
	v61 =	vmul.f32 $2.000000030e-01, v44;
	v41 =	vadd.f32 v41, v34  }
0x242: {  	v8 =	vmul.f32 v42, v8  }
0x243: {  	v62 =	vmax.f32 v44, v61;
	v63 =	vmul.f32 $2.000000030e-01, v41;
	v40 =	vadd.f32 v40, v33  }
0x244: {  	v8 =	vadd.f32 $0.0e+00, v8;
	v7 =	vmul.f32 v62, v7  }
0x245: {  	v39 =	vadd.f32 v39, v30;
	v41 =	vmax.f32 v41, v63;
	v47 =	vmul.f32 $2.000000030e-01, v40  }
0x246: {  	v7 =	vadd.f32 v7, v8;
	v6 =	vmul.f32 v41, v6  }
0x247: {  	v48 =	vadd.f32 v36, v29;
	v50 =	vmul.f32 $2.000000030e-01, v39;
	v49 =	vmax.f32 v40, v47  }
0x248: {  	v6 =	vadd.f32 v6, v7;
	v5 =	vmul.f32 v49, v5  }
0x249: {  	v51 =	vmul.f32 $2.000000030e-01, v48;
	v52 =	vmax.f32 v39, v50  }
0x24a: {  	v4 =	vmul.f32 v52, v4;
	v5 =	vadd.f32 v5, v6  }
0x24b: {  	v53 =	vmul.f32 $2.000000030e-01, v38;
	v7 =	vmax.f32 v48, v51  }
0x24c: {  	(xrf2) =	vadd.scan.msk.f32 $0xffff, v43;
	v3 =	vmul.f32 v7, v3;
	v4 =	vadd.f32 v4, v5  }
0x24d: {  	v54 =	vmul.f32 $2.000000030e-01, v37;
	v6 =	vmax.f32 v38, v53  }
0x24e: {  	v2 =	vmul.f32 v6, v2;
	v3 =	vadd.f32 v3, v4  }
0x24f: {  	v55 =	vmax.f32 v37, v54  }
0x250: {  	v1 =	vmul.f32 v55, v1;
	v2 =	vadd.f32 v2, v3;
	_ =	sdelay $0x1  }
0x251: {  	v1 =	vadd.f32 v1, v2;
	_ =	sdelay $0x2  }
0x252: {  	(xrf2) =	vadd.scan.msk.f32 $0xffff, v1  }
0x253: {  	v1, _, _ =	vpop (xrf2)  }
0x254: {  	v1 =	vmul.f32 $1.442695020e+00, v1;
	_ =	sdelay $0x1  }
0x255: {  	v1 =	vbroadcast v1, $0xF;
	_ =	sdelay $0x1  }
0x256: {  	v2 =	vpop (erf);
	(erf) = vpow2.f32 v1  }
0x257: {  	v1 =	vsel vm0, $0x0, v2  }
0x258: {  	v2 =	vmul.f32 v1, v15  }
0x259: {  	v3 =	vmul.f32 v1, v17  }
0x25a: {  	v56 =	vld.idx.msk [tilespmem:v35+s4+$0x0], $0xffff;
	[tilespmem:s26+$0xFFFFFFC0] =	vst v2;
	v2 =	vmul.f32 v1, v18;
	v57, _, _ =	vpop (xrf2)  }
0x25b: {  	[tilespmem:s26+$0xFFFFFFD0] =	vst v3;
	v3 =	vmul.f32 v1, v14;
	v5 =	vmul.f32 $1.442695020e+00, v57  }
0x25c: {  	[tilespmem:s26+$0xFFFFFFE0] =	vst v2;
	v2 =	vmul.f32 v1, v12  }
0x25d: {  	v58 =	vmov s19;
	[tilespmem:s26+$0xFFFFFFF0] =	vst v3;
	v3 =	vmul.f32 v1, v16;
	v5 =	vbroadcast v5, $0xF  }
0x25e: {  	[tilespmem:s26+$0x0] =	vst v2;
	v2 =	vmul.f32 v1, v9  }
0x25f: {  	vm14 =	veq.s32 v31, v56;
	[tilespmem:s26+$0x10] =	vst v3;
	v3 =	vmul.f32 v1, v11;
	v59 =	vpop (erf);
	(erf) = vpow2.f32 v5  }
0x260: {  	[tilespmem:s26+$0x20] =	vst v2;
	v2 =	vsel vm14, $0x0, v59  }
0x261: {  	[tilespmem:s26+$0x30] =	vst v3;
	v3 =	vmul.f32 v2, v21  }
0x262: {  	v60 =	vld.idx.msk [tilespmem:v58+s4+$0x0], $0xffff;
	[tilespmem:v26+s15+$0x0] =	vst.idx.msk $0x1, v1;
	v4 =	vmul.f32 v2, v22  }
0x263: {  	v1 =	vld.idx.msk [tilespmem:v58+s11+$0x0], $0xffff;
	v61 =	vmul.f32 v2, v27;
	[tilespmem:s20+$0xFFFFFFC0] =	vst v3  }
0x264: {  	v3 =	vmul.f32 v2, v23;
	[tilespmem:s20+$0xFFFFFFD0] =	vst v4  }
0x265: {  	v62 =	vmul.f32 v2, v13;
	[tilespmem:s20+$0xFFFFFFF0] =	vst v61  }
0x266: {  	[tilespmem:s20+$0xFFFFFFE0] =	vst v3;
	v3 =	vmul.f32 v2, v25  }
0x267: {  	v63 =	vmul.f32 v2, v10;
	[tilespmem:s20+$0x10] =	vst v62  }
0x268: {  	vm15 =	veq.s32 v1, v60;
	[tilespmem:s20+$0x0] =	vst v3;
	v3 =	vmul.f32 v2, v19;
	v1 =	vpop (erf)  }
0x269: {  	[tilespmem:s20+$0x30] =	vst v63;
	v1 =	vsel vm15, $0x0, v1  }
0x26a: {  	[tilespmem:s20+$0x20] =	vst v3;
	v3 =	vmul.f32 v1, v28  }
0x26b: {  	[tilespmem:v35+s15+$0x0] =	vst.idx.msk $0x1, v2;
	v2 =	vmul.f32 v1, v32  }
0x26c: {  	[tilespmem:s2+$0xFFFFFFC0] =	vst v3;
	v3 =	vmul.f32 v1, v34  }
0x26d: {  	[tilespmem:s2+$0xFFFFFFD0] =	vst v2;
	v2 =	vmul.f32 v1, v33  }
0x26e: {  	[tilespmem:s2+$0xFFFFFFE0] =	vst v3;
	v3 =	vmul.f32 v1, v30  }
0x26f: {  	[tilespmem:s2+$0xFFFFFFF0] =	vst v2;
	v2 =	vmul.f32 v1, v29  }
0x270: {  	[tilespmem:s2+$0x0] =	vst v3;
	v3 =	vmul.f32 v1, v24  }
0x271: {  	[tilespmem:s2+$0x10] =	vst v2;
	v2 =	vmul.f32 v1, v20  }
0x272: {  	[tilespmem:s2+$0x20] =	vst v3  }
0x273: {  	[tilespmem:s2+$0x30] =	vst v2  }
0x274: {  	s0 =	simm.s32 $0x6;
	[tilespmem:v58+s15+$0x0] =	vst.idx.msk $0x1, v1  }
0x275: {  	_ =	swait.ge [sflag:s0], $0x2800  }
0x276: {  	[sflag:s0] =	ssyncset.done $0x0  }
0x277: {  	[sflag:s0] =	ssyncadd.s32 $0xFFFFD800  }
0x278: {  	_ =	swait.ge [sflag:s0], $0x50  }
0x279: {  	[sflag:s0] =	ssyncset.done $0x0  }
0x27a: {  	[sflag:s0] =	ssyncadd.s32 $0xFFFFFFB0  }
0x27b: {  	[spmem:s8] =	stream.indirect.scatter.add.f32 [tilespmem:s7], [sflag:$0x5], $0x80, s16, s6, $0xb8;
	[tilespmem:$0x1E978] =	vst v63  }
0x27c: {  	_ = 	snop  }
0x27d: {  	[spmem:s10] =	stream.indirect.scatter.add.f32 [tilespmem:s15], [sflag:$0x5], $0x1, s16, s6, $0xb8;
	[tilespmem:$0x1E978] =	vst v63  }
0x27e: {  	_ =	swait.ge [sflag:s25], $0x2800  }
0x27f: {  	[sflag:s25] =	ssyncset.done $0x0  }
0x280: {  	[sflag:s25] =	ssyncadd.s32 $0xFFFFD800  }
0x281: {  	_ =	swait.ge [sflag:s25], $0x50  }
0x282: {  	s20 =	sadd.s32 $0x0, s9;
	[sflag:s25] =	ssyncset.done $0x0  }
0x283: {  	p0 =	sgt.u32 s20, $0x270;
	[sflag:s25] =	ssyncadd.s32 $0xFFFFFFB0  }
0x284: {  	s3 =	simm.s32 @!p0 $0x8;
	[bflag:$0x0] =	sbarrier.arrive $0xFFFF  }
0x285: {  	p5 =	por p0, p0;
	s0 =	simm.s32 @!p0 $0xA480;
	s26 =	rddreg [dreg:$0x18]  }
0x286: {  	[tilespmem:s0], [sflag:$0x8] =	stream.linear.gather @!p5 [spmem:s26], $0x800, $0x38;
	[tilespmem:$0x1E978] =	vst v63  }
0x287: {  	s24 =	sadd.s32 $0x10, s9;
	_ =	swait.ge @!p5 [sflag:s3], $0x800  }
0x288: {  	s29 =	simm.s32 $0xAC80;
	s5 =	simm.s32 @!p5 $0x7;
	[sflag:s3] =	ssyncset.done @!p5 $0x0  }
0x289: {  	s19 =	rddreg [dreg:$0x12];
	[sflag:s3] =	ssyncadd.s32 @!p5 $0xFFFFF800;
	s3 =	simm.s32 @!p5 $0x0  }
0x28a: {  	[hbm4b:s19+s3] =	stream.linear.scatter @!p5 [tilespmem:s0], [sflag:$0x7], $0x800, $0x38;
	[tilespmem:$0x1E978] =	vst v63  }
0x28b: {  	p6 =	sgt.u32 s24, $0x270;
	s2 =	simm.s32 $0x20;
	_ =	swait.ge @!p5 [sflag:s5], $0x800  }
0x28c: {  	s0 =	sadd.s32 $0x1000, s19;
	s3 =	sadd.s32 $0x8000, s26;
	[sflag:s5] =	ssyncset.done @!p5 $0x0  }
.LBB2_15:
0x28d: {  	s19 =	simm.s32 @!p6 $0xA480;
	s20 =	simm.s32 @!p6 $0x8;
	[sflag:s5] =	ssyncadd.s32 @!p5 $0xFFFFF800  }
0x28e: {  	s24 =	smov.u32 s2;
	p5 =	por p6, p6;
	s2 =	sadd.s32 $0x10, s2  }
0x28f: {  	[tilespmem:s19], [sflag:$0x8] =	stream.linear.gather @!p5 [spmem:s3], $0x800, $0x38;
	[tilespmem:$0x1E978] =	vst v63  }
0x290: {  	p0 =	sne.s32 s2, $0x280;
	_ =	swait.ge @!p5 [sflag:s20], $0x800  }
.Ltmp9:
0x291: {  	[sflag:s20] =	ssyncset.done @!p5 $0x0;
	(pc) =	sbr.rel @p0 .LBB2_15-.Ltmp9, $4  }
0x292: {  	s5 =	simm.s32 @!p5 $0x7;
	[sflag:s20] =	ssyncadd.s32 @!p5 $0xFFFFF800;
	s20 =	simm.s32 @!p5 $0x0  }
0x293: {  	[hbm4b:s0+s20] =	stream.linear.scatter @!p5 [tilespmem:s19], [sflag:$0x7], $0x800, $0x38;
	[tilespmem:$0x1E978] =	vst v63  }
0x294: {  	s19 =	sadd.s32 s24, s9;
	s0 =	sadd.s32 $0x1000, s0;
	_ =	swait.ge @!p5 [sflag:s5], $0x800  }
0x295: {  	s3 =	sadd.s32 $0x8000, s3;
	p6 =	sgt.u32 s19, $0x270;
	[sflag:s5] =	ssyncset.done @!p5 $0x0  }
0x296: {  	s2 =	simm.s32 @!p6 $0xA480  }
0x297: {  	s19 =	simm.s32 @!p6 $0x8;
	[sflag:s5] =	ssyncadd.s32 @!p5 $0xFFFFF800;
	p0 =	por p6, p6  }
0x298: {  	[tilespmem:s2], [sflag:$0x8] =	stream.linear.gather @!p0 [spmem:s3], $0x800, $0x38;
	[tilespmem:$0x1E978] =	vst v63  }
0x299: {  	_ =	swait.ge @!p0 [sflag:s19], $0x800  }
0x29a: {  	[sflag:s19] =	ssyncset.done @!p0 $0x0  }
0x29b: {  	s3 =	simm.s32 @!p0 $0x0;
	s5 =	simm.s32 @!p0 $0x7;
	[sflag:s19] =	ssyncadd.s32 @!p0 $0xFFFFF800  }
0x29c: {  	[hbm4b:s0+s3] =	stream.linear.scatter @!p0 [tilespmem:s2], [sflag:$0x7], $0x800, $0x38;
	[tilespmem:$0x1E978] =	vst v63  }
0x29d: {  	_ =	swait.ge @!p0 [sflag:s5], $0x800  }
0x29e: {  	[sflag:s5] =	ssyncset.done @!p0 $0x0  }
0x29f: {  	s20 =	rddreg [dreg:$0xb];
	[sflag:s5] =	ssyncadd.s32 @!p0 $0xFFFFF800  }
0x2a0: {  	[tilespmem:s29], [sflag:$0x7] =	stream.linear.gather [spmem:s20], $0x200, $0x38;
	[tilespmem:$0x1E978] =	vst v63  }
0x2a1: {  	_ =	swait.ge [sflag:s30], $0x200  }
0x2a2: {  	s24 =	sld [smem:$0x7FD];
	_ =	sdelay $0x2  }
0x2a3: {  	p0 =	seq.s32 s24, $0x1  }
.Ltmp10:
0x2a4: {  	_ = 	snop;
	(pc) =	sbr.rel @!p0 .LBB2_17-.Ltmp10, $3  }
0x2a5: {  	_ =	sdelay $0x1  }
0x2a6: {  	[sflag:s30] =	ssyncset.done $0x0  }
0x2a7: {  	[sflag:s30] =	ssyncadd.s32 $0xFFFFFE00  }
0x2a8: {  	s0 =	rddreg [dreg:$0x14]  }
0x2a9: {  	[hbm4b:s0+s11] =	stream.linear.scatter [tilespmem:s29], [sflag:$0x7], $0x200, $0x38;
	[tilespmem:$0x1E978] =	vst v63  }
0x2aa: {  	_ =	swait.ge [sflag:s30], $0x200  }
0x2ab: {  	s2 =	simm.s32 @!p1 $0x7;
	[sflag:s30] =	ssyncset.done $0x0  }
0x2ac: {  	s0 =	simm.s32 @!p1 $0xAC80;
	s24 =	rddreg [dreg:$0xc];
	[sflag:s30] =	ssyncadd.s32 $0xFFFFFE00  }
0x2ad: {  	[tilespmem:s0], [sflag:$0x7] =	stream.linear.gather @!p1 [spmem:s24], $0x200, $0x38;
	[tilespmem:$0x1E978] =	vst v63  }
0x2ae: {  	_ =	swait.ge @!p1 [sflag:s2], $0x200  }
0x2af: {  	[sflag:s2] =	ssyncset.done @!p1 $0x0  }
0x2b0: {  	s3 =	simm.s32 @!p1 $0x0;
	s5 =	rddreg [dreg:$0x16];
	[sflag:s2] =	ssyncadd.s32 @!p1 $0xFFFFFE00  }
0x2b1: {  	[hbm4b:s5+s3] =	stream.linear.scatter @!p1 [tilespmem:s0], [sflag:$0x7], $0x200, $0x38;
	[tilespmem:$0x1E978] =	vst v63  }
.Ltmp11:
0x2b2: {  	_ = 	snop;
	(pc) =	sbr.rel @!p4 .LBB2_20-.Ltmp11, $4  }
.Ltmp12:
0x2b3: {  	_ =	swait.ge @!p1 [sflag:s2], $0x200;
	(pc) =	sbr.rel @p4 .LBB2_19-.Ltmp12, $4  }
0x2b4: {  	[sflag:s2] =	ssyncset.done @!p1 $0x0  }
0x2b5: {  	s3 =	rddreg [dreg:$0x1a];
	[sflag:s2] =	ssyncadd.s32 @!p1 $0xFFFFFE00  }
0x2b6: {  	s0 =	rddreg [dreg:$0x7]  }
0x2b7: {  	_ = 	snop  }
.LBB2_17:
0x2b8: {  	s0 =	rddreg [dreg:$0x13]  }
0x2b9: {  	[hbm4b:s0+s11] =	stream.linear.scatter [tilespmem:s29], [sflag:$0x7], $0x200, $0x38;
	[tilespmem:$0x1E978] =	vst v63  }
0x2ba: {  	_ =	swait.ge [sflag:s30], $0x200  }
0x2bb: {  	s2 =	simm.s32 @!p1 $0x7;
	[sflag:s30] =	ssyncset.done $0x0  }
0x2bc: {  	s0 =	simm.s32 @!p1 $0xAC80;
	s24 =	rddreg [dreg:$0xc];
	[sflag:s30] =	ssyncadd.s32 $0xFFFFFE00  }
0x2bd: {  	[tilespmem:s0], [sflag:$0x7] =	stream.linear.gather @!p1 [spmem:s24], $0x200, $0x38;
	[tilespmem:$0x1E978] =	vst v63  }
0x2be: {  	_ =	swait.ge @!p1 [sflag:s2], $0x200  }
0x2bf: {  	[sflag:s2] =	ssyncset.done @!p1 $0x0  }
0x2c0: {  	s3 =	simm.s32 @!p1 $0x0;
	s5 =	rddreg [dreg:$0x15];
	[sflag:s2] =	ssyncadd.s32 @!p1 $0xFFFFFE00  }
0x2c1: {  	[hbm4b:s5+s3] =	stream.linear.scatter @!p1 [tilespmem:s0], [sflag:$0x7], $0x200, $0x38;
	[tilespmem:$0x1E978] =	vst v63  }
.Ltmp13:
0x2c2: {  	_ = 	snop;
	(pc) =	sbr.rel @p4 .LBB2_19-.Ltmp13, $4  }
.Ltmp14:
0x2c3: {  	_ =	swait.ge @!p1 [sflag:s2], $0x200;
	(pc) =	sbr.rel @!p4 .LBB2_20-.Ltmp14, $4  }
0x2c4: {  	[sflag:s2] =	ssyncset.done @!p1 $0x0  }
0x2c5: {  	s3 =	rddreg [dreg:$0x1a];
	[sflag:s2] =	ssyncadd.s32 @!p1 $0xFFFFFE00  }
0x2c6: {  	s0 =	rddreg [dreg:$0x6]  }
0x2c7: {  	_ = 	snop  }
.LBB2_21:
0x2c8: {  	_ =	sfence.sel $0x180000  }
0x2c9: {  	[bflag:$0x0] =	sbarrier.arrive $0xFFFF  }
0x2ca: {  	_ =	strace $0x90000047  }
0x2cb: {  	[bflag:$0x2] =	sbarrier.arrive $0xFFFF  }
0x2cc: {  	p0 =	sne.s32 s9, $0x0;
	s0 =	rddreg [dreg:$0xa]  }
0x2cd: {  	s0 =	sadd.s32 @!p0 $0x100000, s0  }
0x2ce: {  	[sflag:s0] =	ssyncadd.tile.s32 @!p0 $0x1;
	_ =	shalt  }
.Lfunc_end2:
_tile_overlayer_lowered:
.L_overlay_start_2:
0x2cf: {  	(tag) =	ssettag $0x2  }
0x2d0: {  	s0 =	rddreg [dreg:$0x0];
	s2 =	stileid.u32  }
0x2d1: {  	s1 =	rddreg [dreg:$0x1];
	p0 =	sne.s32 s2, $0x0  }
0x2d2: {  	s3 =	rddreg [dreg:$0x2];
	[bflag:$0x3] =	sbarrier.arrive $0xFFFF;
	s2 =	simm.s32 @!p0 $0x1C07  }
0x2d3: {  	[timem:s3], [sflag:s2] =	dma.local @!p0 [hbm:s0], s1  }
0x2d4: {  	s0 =	simm.s32 @!p0 $0x7  }
0x2d5: {  	_ =	swait.ge @!p0 [sflag:s0], s1  }
0x2d6: {  	s1 =	ssub.s32 @!p0 $0x0, s1;
	[sflag:s0] =	ssyncset.done @!p0 $0x0  }
0x2d7: {  	[sflag:s0] =	ssyncadd.s32 @!p0 s1  }
0x2d8: {  	[bflag:$0x3] =	sbarrier.arrive $0xFFFF  }
0x2d9: {  	_ =	shalt  }

</sc_bundles>
